<compile_context>
chip_gen: v7x
topology: tpu7x:2x2x1
jax: 0.10.2.dev20260603
libtpu: 0.0.44.dev20260713+nightly
codegen_flags: <defaults>
</compile_context>

<pallas_src>
import functools
import math

import jax
import jax.numpy as jnp
from jax import lax
from jax.experimental import pallas as pl
from jax.experimental.pallas import tpu as pltpu
from jax.experimental.pallas import tpu_sc as plsc

_B_SC = 2048
_NW = 32
_RPW = _B_SC // _NW
_CHUNK = 16


def _stats_body(ys_ref, tgt_ref, out_ref):
    y0 = ys_ref[0]
    y1 = ys_ref[1]
    r, c = y0.shape
    t = tgt_ref[...]
    col = lax.broadcasted_iota(jnp.int32, (r, c), 1)
    tmask = col[:, :128] == t[:, None]

    def per_model(y):
        m = jnp.max(y, axis=1)
        s = jnp.sum(jnp.exp(y), axis=1)
        energy = jnp.sum(y * y, axis=1) - y[:, 0] * y[:, 0]
        amax = jnp.min(jnp.where(y == m[:, None], col, c), axis=1)
        picked = jnp.sum(jnp.where(tmask, y[:, :128], 0.0), axis=1)
        return s, energy, amax, picked

    s0, energy0, amax0, picked0 = per_model(y0)
    s1, energy1, amax1, picked1 = per_model(y1)
    cross0 = jnp.sum(jnp.where(col == amax1[:, None], y0, 0.0), axis=1)
    cross1 = jnp.sum(jnp.where(col == amax0[:, None], y1, 0.0), axis=1)
    out_ref[0, :] = s0
    out_ref[1, :] = s1
    out_ref[2, :] = picked0
    out_ref[3, :] = picked1
    out_ref[4, :] = energy0
    out_ref[5, :] = energy1
    out_ref[6, :] = cross0
    out_ref[7, :] = cross1


def _sc_stats_kernel(ys_hbm, tgt, out_hbm, chunk0, chunk1, tgt_v, out_v,
                     *, b_base, c_dim):
    wid = lax.axis_index("s") * 2 + lax.axis_index("c")
    row0 = b_base + wid * _RPW
    lane = lax.broadcasted_iota(jnp.int32, (16,), 0)
    zi16 = jnp.zeros((16,), jnp.int32)

    def scan_chunks(ref0, ref1):
        z16 = jnp.zeros((16,), jnp.float32)
        neg = jnp.full((16,), -3.0e38, jnp.float32)

        def body(j, carry):
            s0, ss0, m0, av0, s1, ss1, m1, av1 = carry
            cj = zi16 + j
            v0 = plsc.load_gather(ref0, [lane, cj])
            v1 = plsc.load_gather(ref1, [lane, cj])
            u0 = v0 > m0
            u1 = v1 > m1
            return (s0 + jnp.exp(v0), ss0 + v0 * v0,
                    jnp.where(u0, v0, m0), jnp.where(u0, j, av0),
                    s1 + jnp.exp(v1), ss1 + v1 * v1,
                    jnp.where(u1, v1, m1), jnp.where(u1, j, av1))

        init = (z16, z16, neg, zi16, z16, z16, neg, zi16)
        return lax.fori_loop(0, c_dim, body, init, unroll=8)

    for ch in range(_RPW // _CHUNK):
        rstart = row0 + ch * _CHUNK
        pltpu.sync_copy(ys_hbm.at[0, pl.ds(rstart, _CHUNK), :], chunk0)
        pltpu.sync_copy(ys_hbm.at[1, pl.ds(rstart, _CHUNK), :], chunk1)
        pltpu.sync_copy(tgt.at[pl.ds(rstart, _CHUNK)], tgt_v)
        s0, ss0, m0, av0, s1, ss1, m1, av1 = scan_chunks(chunk0, chunk1)
        tv = tgt_v[...]
        p0 = plsc.load_gather(chunk0, [lane, tv])
        p1 = plsc.load_gather(chunk1, [lane, tv])
        z0 = plsc.load_gather(chunk0, [lane, zi16])
        z1 = plsc.load_gather(chunk1, [lane, zi16])
        x0 = plsc.load_gather(chunk0, [lane, av1])
        x1 = plsc.load_gather(chunk1, [lane, av0])
        sl = pl.ds(ch * _CHUNK, _CHUNK)
        out_v[0, sl] = s0
        out_v[1, sl] = s1
        out_v[2, sl] = p0
        out_v[3, sl] = p1
        out_v[4, sl] = ss0 - z0 * z0
        out_v[5, sl] = ss1 - z1 * z1
        out_v[6, sl] = x0
        out_v[7, sl] = x1
    pltpu.sync_copy(out_v, out_hbm.at[wid])


def _count(mask):
    return jnp.sum(mask.astype(jnp.int32), axis=(1, 2), keepdims=True)


def _kth_largest(u, kk, nbits):
    def body(j, p):
        cand = p | (jnp.int32(1) << (nbits - 1 - j))
        cnt = _count(u >= cand)
        return jnp.where(cnt >= kk, cand, p)

    return lax.fori_loop(0, nbits, body, jnp.zeros((2, 1, 1), jnp.int32))


def _kth_smallest(u, valid, kk, nbits):
    def body(j, p):
        cand = p | (jnp.int32(1) << (nbits - 1 - j))
        cnt = _count(valid & (u < cand))
        return jnp.where(cnt >= kk, p, cand)

    return lax.fori_loop(0, nbits, body, jnp.zeros((2, 1, 1), jnp.int32))


def _rth_largest_index(idx, member, rr, nbits):
    def body(j, p):
        cand = p | (jnp.int32(1) << (nbits - 1 - j))
        cnt = _count(member & (idx >= cand))
        return jnp.where(cnt >= rr, cand, p)

    return lax.fori_loop(0, nbits, body, jnp.zeros((2, 1, 1), jnp.int32))


def _final_body(stats_ref, tgt_ref, dr_ref, rr_ref, out_ref, *, n_total):
    t = tgt_ref[...]
    rows, cols = t.shape
    idx1 = (lax.broadcasted_iota(jnp.int32, (rows, cols), 0) * cols
            + lax.broadcasted_iota(jnp.int32, (rows, cols), 1))
    idx = jnp.broadcast_to(idx1[None], (2, rows, cols))
    ibits = max(1, math.ceil(math.log2(n_total)))

    n_neg = jnp.sum((t == 0).astype(jnp.int32))
    nf = n_neg.astype(jnp.float32)
    n_disc = jnp.floor(nf * dr_ref[0]).astype(jnp.int32)
    n_rev = jnp.floor(nf * rr_ref[0]).astype(jnp.int32)
    k = n_disc + n_rev
    kk = jnp.minimum(k, n_total)

    lse = jnp.log(stats_ref[0:2])
    picked = stats_ref[2:4]
    energy = stats_ref[4:6]
    cross = stats_ref[6:8]
    tz = (t != 0)[None]
    ls = jnp.where(tz, 0.0, lse - picked)
    u = lax.bitcast_convert_type(ls, jnp.int32)

    v = _kth_largest(u, kk, 31)
    c_gt = _count(u > v)
    r = kk - c_gt
    eq = u == v
    tidx = _rth_largest_index(idx, eq, r, ibits)
    tail = (u > v) | (eq & (idx >= tidx) & (r > 0))

    d = jnp.maximum(kk - n_rev, 0)
    e = lax.bitcast_convert_type(energy, jnp.int32)
    v2 = _kth_smallest(e, tail, d, 31)
    eq2 = tail & (e == v2)
    c_lt = _count(tail & (e < v2))
    r2 = d - c_lt
    tidx2 = _kth_smallest(idx, eq2, r2, ibits)
    discard = tail & ((e < v2) | (eq2 & (idx <= tidx2) & (r2 > 0)))
    revise = tail & jnp.logical_not(discard)

    for j in range(2):
        i = 1 - j
        w = jnp.where(discard[i], 0.0, 1.0)
        chosen = jnp.where(revise[i], cross[j], picked[j])
        out_ref[j] = jnp.sum(w * (lse[j] - chosen))


def kernel(ys, target, discard_rate, revise_rate):
    L, B, C = ys.shape
    target = target.astype(jnp.int32)
    b_tc = B - _B_SC
    R = 512
    stats_tc = pl.pallas_call(
        _stats_body,
        grid=(b_tc // R,),
        in_specs=[
            pl.BlockSpec((L, R, C), lambda i: (0, i, 0)),
            pl.BlockSpec((R,), lambda i: (i,)),
        ],
        out_specs=pl.BlockSpec((8, R), lambda i: (0, i)),
        out_shape=jax.ShapeDtypeStruct((8, b_tc), jnp.float32),
    )(ys, target)

    mesh = plsc.VectorSubcoreMesh(core_axis_name="c", subcore_axis_name="s")
    sc_fn = pl.kernel(
        functools.partial(_sc_stats_kernel, b_base=b_tc, c_dim=C),
        mesh=mesh,
        compiler_params=pltpu.CompilerParams(needs_layout_passes=False),
        out_type=jax.ShapeDtypeStruct((_NW, 8, _RPW), jnp.float32),
        scratch_types=[
            pltpu.VMEM((_CHUNK, C), jnp.float32),
            pltpu.VMEM((_CHUNK, C), jnp.float32),
            pltpu.VMEM((_CHUNK,), jnp.int32),
            pltpu.VMEM((8, _RPW), jnp.float32),
        ],
    )
    stats_sc = sc_fn(ys, target)
    stats_sc = stats_sc.transpose(1, 0, 2).reshape(8, _B_SC)

    stats = jnp.concatenate([stats_tc, stats_sc], axis=1)
    rows = B // 128
    stats3 = stats.reshape(8, rows, 128)
    t2 = target.reshape(rows, 128)
    dr = jnp.asarray(discard_rate, jnp.float32).reshape(1)
    rr = jnp.asarray(revise_rate, jnp.float32).reshape(1)
    out = pl.pallas_call(
        functools.partial(_final_body, n_total=B),
        in_specs=[
            pl.BlockSpec(memory_space=pltpu.VMEM),
            pl.BlockSpec(memory_space=pltpu.VMEM),
            pl.BlockSpec(memory_space=pltpu.SMEM),
            pl.BlockSpec(memory_space=pltpu.SMEM),
        ],
        out_specs=pl.BlockSpec(memory_space=pltpu.SMEM),
        out_shape=jax.ShapeDtypeStruct((2,), jnp.float32),
    )(stats3, t2, dr, rr)
    return (out[0], out[1])

# --- scband reference (transcript-rebuilt; emitter-appended) ---
"""Pipeline reference for scband-coteaching-with-revise-loss-62989990363533 (READ-ONLY COPY).

The authoritative reference and input builder live on the scoring server;
editing this copy changes nothing except your own understanding.
"""

import jax, jax.numpy as jnp
import numpy as np


def _ce(y, t):
    # per-sample cross entropy with logits, reduction='none'
    lse = jax.nn.logsumexp(y, axis=1)
    picked = jnp.take_along_axis(y, t[:, None].astype(jnp.int32), axis=1)[:, 0]
    return lse - picked


def setup_inputs(seed: int = 0) -> dict:
    key = jax.random.key(seed)
    k1, k2, k3, k4 = jax.random.split(key, 4)
    L, B, C = 2, 16384, 1000
    ys = jax.random.normal(k1, (L, B, C), dtype=jnp.float32)
    target = jax.random.randint(k2, (B,), 0, 50, dtype=jnp.int32)
    discard_rate = jax.random.uniform(k3, (), dtype=jnp.float32)
    revise_rate = jax.random.uniform(k4, (), dtype=jnp.float32)
    return {"ys": ys, "target": target, "discard_rate": discard_rate, "revise_rate": revise_rate}


def reference(ys, target, discard_rate, revise_rate):
    n_total = target.shape[0]
    n_neg = (target == 0).sum()
    n_discard = jnp.floor(n_neg.astype(jnp.float64) * discard_rate.astype(jnp.float64)).astype(n_neg.dtype)
    n_revise = jnp.floor(n_neg.astype(jnp.float64) * revise_rate.astype(jnp.float64)).astype(n_neg.dtype)
    n_keep = n_total - n_discard - n_revise
    L = ys.shape[0]
    revisions = jnp.broadcast_to(target[None, :], (L, n_total))
    weights = jnp.ones((L, n_total), dtype=ys.dtype)
    for i in range(L):
        y = ys[i]
        ls = _ce(y, target)
        ls = jnp.where(target != 0, jnp.zeros_like(ls), ls)
        rank = jnp.argsort(jnp.argsort(ls))
        tail = rank >= n_keep
        conf = y[:, 1:]
        energy = (conf * conf).sum(1)
        key2 = jnp.where(tail, energy, -jnp.inf)
        rank2 = jnp.argsort(jnp.argsort(key2))
        discard_mask = tail & (rank2 < n_keep + n_discard)
        revise_mask = tail & (rank2 >= n_keep + n_discard)
        weights = weights.at[i - 1].set(
            jnp.where(discard_mask, jnp.zeros_like(weights[i - 1]), weights[i - 1])
        )
        revisions = revisions.at[i - 1].set(
            jnp.where(revise_mask, jnp.argmax(y, axis=1).astype(revisions.dtype), revisions[i - 1])
        )
    losses = tuple((_ce(ys[i], revisions[i]) * weights[i]).sum() for i in range(L))
    return losses

if __name__ == "__main__":
    import jax
    _d = setup_inputs()
    print(jax.jit(kernel)(*tuple(_d.values())))

</pallas_src>

<mosaic_0001>
#map = affine_map<(d0, d1) -> (0, 0, 0)>
#map1 = affine_map<(d0, d1) -> (0)>
module attributes {stable_mosaic.version = 14 : i64} {
  func.func @_sc_stats_kernel(%arg0: i32, %arg1: i32, %arg2: memref<2x16384x1000xf32, #tpu.memory_space<hbm>>, %arg3: memref<16384xi32, #tpu.memory_space<hbm>>, %arg4: memref<32x8x64xf32, #tpu.memory_space<hbm>>, %arg5: memref<16x1000xf32, #tpu.memory_space<vmem>>, %arg6: memref<16x1000xf32, #tpu.memory_space<vmem>>, %arg7: memref<16xi32, #tpu.memory_space<vmem>>, %arg8: memref<8x64xf32, #tpu.memory_space<vmem>>) attributes {dimension_semantics = [#tpu.dimension_semantics<core_parallel>, #tpu.dimension_semantics<subcore_parallel>], iteration_bounds = array<i64: 2, 16>, scalar_prefetch = 0 : i64, scratch_operands = 4 : i64, tpu.core_type = #tpu.core_type<sc_vector_subcore>, window_params = [{transform_indices = #map}, {transform_indices = #map1}, {transform_indices = #map}]} {
    %mul3A = arith.constant 2 : i32
    %mul3A_0 = arith.muli %arg1, %mul3A : i32
    %add3A = arith.addi %mul3A_0, %arg0 : i32
    %mul3A_1 = arith.constant 64 : i32
    %mul3A_2 = arith.muli %add3A, %mul3A_1 : i32
    %add3A_3 = arith.constant 14336 : i32
    %add3A_4 = arith.addi %add3A_3, %mul3A_2 : i32
    %iota3A = tpu.iota {dimensions = array<i32: 0>} : vector<16xi32>
    %broadcast_in_dim3A = arith.constant 0 : i32
    %broadcast_in_dim3A_5 = vector.broadcast %broadcast_in_dim3A : i32 to vector<16xi32>
    %add3A_6 = arith.constant 0 : i32
    %add3A_7 = arith.addi %add3A_4, %add3A_6 : i32
    %run_scoped3A = arith.constant 0 : i32
    "tpu.region"() ({
      %run_scoped3A_232 = tpu.sem_alloc : memref<!tpu.dma_semaphore, #tpu.memory_space<semaphore_mem>>
      %dma_start3A = arith.constant 0 : i32
      %dma_start3A_233 = tpu.memref_slice %arg2[%run_scoped3A, %add3A_7, %dma_start3A] : memref<2x16384x1000xf32, #tpu.memory_space<hbm>> -> memref<1x16x1000xf32, #tpu.memory_space<hbm>>
      %dma_start3A_234 = tpu.memref_squeeze %dma_start3A_233 : memref<1x16x1000xf32, #tpu.memory_space<hbm>> -> memref<16x1000xf32, #tpu.memory_space<hbm>>
      %dma_start3A_235 = arith.constant 0 : i32
      %dma_start3A_236 = tpu.memref_slice %arg2[%run_scoped3A, %add3A_7, %dma_start3A_235] : memref<2x16384x1000xf32, #tpu.memory_space<hbm>> -> memref<1x16x1000xf32, #tpu.memory_space<hbm>>
      %dma_start3A_237 = tpu.memref_squeeze %dma_start3A_236 : memref<1x16x1000xf32, #tpu.memory_space<hbm>> -> memref<16x1000xf32, #tpu.memory_space<hbm>>
      tpu.enqueue_dma source(%dma_start3A_237 : memref<16x1000xf32, #tpu.memory_space<hbm>>) target(%arg5 : memref<16x1000xf32, #tpu.memory_space<vmem>>) target_semaphore(%run_scoped3A_232 : memref<!tpu.dma_semaphore, #tpu.memory_space<semaphore_mem>>)
      %dma_wait3A = arith.constant 0 : i32
      %dma_wait3A_238 = tpu.memref_slice %arg2[%run_scoped3A, %add3A_7, %dma_wait3A] : memref<2x16384x1000xf32, #tpu.memory_space<hbm>> -> memref<1x16x1000xf32, #tpu.memory_space<hbm>>
      %dma_wait3A_239 = tpu.memref_squeeze %dma_wait3A_238 : memref<1x16x1000xf32, #tpu.memory_space<hbm>> -> memref<16x1000xf32, #tpu.memory_space<hbm>>
      %dma_wait3A_240 = arith.constant 0 : i32
      %dma_wait3A_241 = tpu.memref_slice %arg2[%run_scoped3A, %add3A_7, %dma_wait3A_240] : memref<2x16384x1000xf32, #tpu.memory_space<hbm>> -> memref<1x16x1000xf32, #tpu.memory_space<hbm>>
      %dma_wait3A_242 = tpu.memref_squeeze %dma_wait3A_241 : memref<1x16x1000xf32, #tpu.memory_space<hbm>> -> memref<16x1000xf32, #tpu.memory_space<hbm>>
      tpu.wait_dma2 semaphore(%run_scoped3A_232 : memref<!tpu.dma_semaphore, #tpu.memory_space<semaphore_mem>>) src(%dma_wait3A_242 : memref<16x1000xf32, #tpu.memory_space<hbm>>) dst(%arg5 : memref<16x1000xf32, #tpu.memory_space<vmem>>)
      tpu.yield
    }) : () -> ()
    %run_scoped3A_8 = arith.constant 1 : i32
    "tpu.region"() ({
      %run_scoped3A_232 = tpu.sem_alloc : memref<!tpu.dma_semaphore, #tpu.memory_space<semaphore_mem>>
      %dma_start3A = arith.constant 0 : i32
      %dma_start3A_233 = tpu.memref_slice %arg2[%run_scoped3A_8, %add3A_7, %dma_start3A] : memref<2x16384x1000xf32, #tpu.memory_space<hbm>> -> memref<1x16x1000xf32, #tpu.memory_space<hbm>>
      %dma_start3A_234 = tpu.memref_squeeze %dma_start3A_233 : memref<1x16x1000xf32, #tpu.memory_space<hbm>> -> memref<16x1000xf32, #tpu.memory_space<hbm>>
      %dma_start3A_235 = arith.constant 0 : i32
      %dma_start3A_236 = tpu.memref_slice %arg2[%run_scoped3A_8, %add3A_7, %dma_start3A_235] : memref<2x16384x1000xf32, #tpu.memory_space<hbm>> -> memref<1x16x1000xf32, #tpu.memory_space<hbm>>
      %dma_start3A_237 = tpu.memref_squeeze %dma_start3A_236 : memref<1x16x1000xf32, #tpu.memory_space<hbm>> -> memref<16x1000xf32, #tpu.memory_space<hbm>>
      tpu.enqueue_dma source(%dma_start3A_237 : memref<16x1000xf32, #tpu.memory_space<hbm>>) target(%arg6 : memref<16x1000xf32, #tpu.memory_space<vmem>>) target_semaphore(%run_scoped3A_232 : memref<!tpu.dma_semaphore, #tpu.memory_space<semaphore_mem>>)
      %dma_wait3A = arith.constant 0 : i32
      %dma_wait3A_238 = tpu.memref_slice %arg2[%run_scoped3A_8, %add3A_7, %dma_wait3A] : memref<2x16384x1000xf32, #tpu.memory_space<hbm>> -> memref<1x16x1000xf32, #tpu.memory_space<hbm>>
      %dma_wait3A_239 = tpu.memref_squeeze %dma_wait3A_238 : memref<1x16x1000xf32, #tpu.memory_space<hbm>> -> memref<16x1000xf32, #tpu.memory_space<hbm>>
      %dma_wait3A_240 = arith.constant 0 : i32
      %dma_wait3A_241 = tpu.memref_slice %arg2[%run_scoped3A_8, %add3A_7, %dma_wait3A_240] : memref<2x16384x1000xf32, #tpu.memory_space<hbm>> -> memref<1x16x1000xf32, #tpu.memory_space<hbm>>
      %dma_wait3A_242 = tpu.memref_squeeze %dma_wait3A_241 : memref<1x16x1000xf32, #tpu.memory_space<hbm>> -> memref<16x1000xf32, #tpu.memory_space<hbm>>
      tpu.wait_dma2 semaphore(%run_scoped3A_232 : memref<!tpu.dma_semaphore, #tpu.memory_space<semaphore_mem>>) src(%dma_wait3A_242 : memref<16x1000xf32, #tpu.memory_space<hbm>>) dst(%arg6 : memref<16x1000xf32, #tpu.memory_space<vmem>>)
      tpu.yield
    }) : () -> ()
    "tpu.region"() ({
      %run_scoped3A_232 = tpu.sem_alloc : memref<!tpu.dma_semaphore, #tpu.memory_space<semaphore_mem>>
      %dma_start3A = tpu.memref_slice %arg3[%add3A_7] : memref<16384xi32, #tpu.memory_space<hbm>> -> memref<16xi32, #tpu.memory_space<hbm>>
      %dma_start3A_233 = tpu.memref_slice %arg3[%add3A_7] : memref<16384xi32, #tpu.memory_space<hbm>> -> memref<16xi32, #tpu.memory_space<hbm>>
      tpu.enqueue_dma source(%dma_start3A_233 : memref<16xi32, #tpu.memory_space<hbm>>) target(%arg7 : memref<16xi32, #tpu.memory_space<vmem>>) target_semaphore(%run_scoped3A_232 : memref<!tpu.dma_semaphore, #tpu.memory_space<semaphore_mem>>)
      %dma_wait3A = tpu.memref_slice %arg3[%add3A_7] : memref<16384xi32, #tpu.memory_space<hbm>> -> memref<16xi32, #tpu.memory_space<hbm>>
      %dma_wait3A_234 = tpu.memref_slice %arg3[%add3A_7] : memref<16384xi32, #tpu.memory_space<hbm>> -> memref<16xi32, #tpu.memory_space<hbm>>
      tpu.wait_dma2 semaphore(%run_scoped3A_232 : memref<!tpu.dma_semaphore, #tpu.memory_space<semaphore_mem>>) src(%dma_wait3A_234 : memref<16xi32, #tpu.memory_space<hbm>>) dst(%arg7 : memref<16xi32, #tpu.memory_space<vmem>>)
      tpu.yield
    }) : () -> ()
    %broadcast_in_dim3A_9 = arith.constant 0.000000e+00 : f32
    %broadcast_in_dim3A_10 = vector.broadcast %broadcast_in_dim3A_9 : f32 to vector<16xf32>
    %broadcast_in_dim3A_11 = arith.constant -3.000000e+38 : f32
    %broadcast_in_dim3A_12 = vector.broadcast %broadcast_in_dim3A_11 : f32 to vector<16xf32>
    %scan3A = arith.constant 0 : i32
    %scan3A_13 = arith.constant 1000 : i32
    %scan3A_14 = arith.addi %scan3A, %scan3A_13 : i32
    %scan3A_15 = arith.constant 8 : i32
    %scan3A_16:8 = scf.for %scan3A_232 = %scan3A to %scan3A_14 step %scan3A_15 iter_args(%scan3A_233 = %broadcast_in_dim3A_10, %scan3A_234 = %broadcast_in_dim3A_10, %scan3A_235 = %broadcast_in_dim3A_12, %scan3A_236 = %broadcast_in_dim3A_5, %scan3A_237 = %broadcast_in_dim3A_10, %scan3A_238 = %broadcast_in_dim3A_10, %scan3A_239 = %broadcast_in_dim3A_12, %scan3A_240 = %broadcast_in_dim3A_5) -> (vector<16xf32>, vector<16xf32>, vector<16xf32>, vector<16xi32>, vector<16xf32>, vector<16xf32>, vector<16xf32>, vector<16xi32>)  : i32 {
      %add3A_241 = vector.broadcast %scan3A_232 : i32 to vector<16xi32>
      %add3A_242 = arith.addi %broadcast_in_dim3A_5, %add3A_241 : vector<16xi32>
      %gather3A_243 = tpu.vector_load_idx %arg5[%iota3A, %add3A_242] : memref<16x1000xf32, #tpu.memory_space<vmem>>[vector<16xi32>, vector<16xi32>], vector<16xf32>,
      %gather3A_244 = tpu.vector_load_idx %arg6[%iota3A, %add3A_242] : memref<16x1000xf32, #tpu.memory_space<vmem>>[vector<16xi32>, vector<16xi32>], vector<16xf32>,
      %gt3A = arith.cmpf ogt, %gather3A_243, %scan3A_235 : vector<16xf32>
      %gt3A_245 = arith.cmpf ogt, %gather3A_244, %scan3A_239 : vector<16xf32>
      %exp3A = math.exp %gather3A_243 : vector<16xf32>
      %add3A_246 = arith.addf %scan3A_233, %exp3A : vector<16xf32>
      %mul3A_247 = arith.mulf %gather3A_243, %gather3A_243 : vector<16xf32>
      %add3A_248 = arith.addf %scan3A_234, %mul3A_247 : vector<16xf32>
      %select_n3A = arith.select %gt3A, %gather3A_243, %scan3A_235 : vector<16xi1>, vector<16xf32>
      %broadcast_in_dim3A_249 = vector.broadcast %scan3A_232 : i32 to vector<16xi32>
      %select_n3A_250 = arith.select %gt3A, %broadcast_in_dim3A_249, %scan3A_236 : vector<16xi1>, vector<16xi32>
      %exp3A_251 = math.exp %gather3A_244 : vector<16xf32>
      %add3A_252 = arith.addf %scan3A_237, %exp3A_251 : vector<16xf32>
      %mul3A_253 = arith.mulf %gather3A_244, %gather3A_244 : vector<16xf32>
      %add3A_254 = arith.addf %scan3A_238, %mul3A_253 : vector<16xf32>
      %select_n3A_255 = arith.select %gt3A_245, %gather3A_244, %scan3A_239 : vector<16xi1>, vector<16xf32>
      %broadcast_in_dim3A_256 = vector.broadcast %scan3A_232 : i32 to vector<16xi32>
      %select_n3A_257 = arith.select %gt3A_245, %broadcast_in_dim3A_256, %scan3A_240 : vector<16xi1>, vector<16xi32>
      %scan3A_258 = arith.constant 1 : i32
      %scan3A_259 = arith.addi %scan3A_232, %scan3A_258 : i32
      %add3A_260 = vector.broadcast %scan3A_259 : i32 to vector<16xi32>
      %add3A_261 = arith.addi %broadcast_in_dim3A_5, %add3A_260 : vector<16xi32>
      %gather3A_262 = tpu.vector_load_idx %arg5[%iota3A, %add3A_261] : memref<16x1000xf32, #tpu.memory_space<vmem>>[vector<16xi32>, vector<16xi32>], vector<16xf32>,
      %gather3A_263 = tpu.vector_load_idx %arg6[%iota3A, %add3A_261] : memref<16x1000xf32, #tpu.memory_space<vmem>>[vector<16xi32>, vector<16xi32>], vector<16xf32>,
      %gt3A_264 = arith.cmpf ogt, %gather3A_262, %select_n3A : vector<16xf32>
      %gt3A_265 = arith.cmpf ogt, %gather3A_263, %select_n3A_255 : vector<16xf32>
      %exp3A_266 = math.exp %gather3A_262 : vector<16xf32>
      %add3A_267 = arith.addf %add3A_246, %exp3A_266 : vector<16xf32>
      %mul3A_268 = arith.mulf %gather3A_262, %gather3A_262 : vector<16xf32>
      %add3A_269 = arith.addf %add3A_248, %mul3A_268 : vector<16xf32>
      %select_n3A_270 = arith.select %gt3A_264, %gather3A_262, %select_n3A : vector<16xi1>, vector<16xf32>
      %broadcast_in_dim3A_271 = vector.broadcast %scan3A_259 : i32 to vector<16xi32>
      %select_n3A_272 = arith.select %gt3A_264, %broadcast_in_dim3A_271, %select_n3A_250 : vector<16xi1>, vector<16xi32>
      %exp3A_273 = math.exp %gather3A_263 : vector<16xf32>
      %add3A_274 = arith.addf %add3A_252, %exp3A_273 : vector<16xf32>
      %mul3A_275 = arith.mulf %gather3A_263, %gather3A_263 : vector<16xf32>
      %add3A_276 = arith.addf %add3A_254, %mul3A_275 : vector<16xf32>
      %select_n3A_277 = arith.select %gt3A_265, %gather3A_263, %select_n3A_255 : vector<16xi1>, vector<16xf32>
      %broadcast_in_dim3A_278 = vector.broadcast %scan3A_259 : i32 to vector<16xi32>
      %select_n3A_279 = arith.select %gt3A_265, %broadcast_in_dim3A_278, %select_n3A_257 : vector<16xi1>, vector<16xi32>
      %scan3A_280 = arith.constant 2 : i32
      %scan3A_281 = arith.addi %scan3A_232, %scan3A_280 : i32
      %add3A_282 = vector.broadcast %scan3A_281 : i32 to vector<16xi32>
      %add3A_283 = arith.addi %broadcast_in_dim3A_5, %add3A_282 : vector<16xi32>
      %gather3A_284 = tpu.vector_load_idx %arg5[%iota3A, %add3A_283] : memref<16x1000xf32, #tpu.memory_space<vmem>>[vector<16xi32>, vector<16xi32>], vector<16xf32>,
      %gather3A_285 = tpu.vector_load_idx %arg6[%iota3A, %add3A_283] : memref<16x1000xf32, #tpu.memory_space<vmem>>[vector<16xi32>, vector<16xi32>], vector<16xf32>,
      %gt3A_286 = arith.cmpf ogt, %gather3A_284, %select_n3A_270 : vector<16xf32>
      %gt3A_287 = arith.cmpf ogt, %gather3A_285, %select_n3A_277 : vector<16xf32>
      %exp3A_288 = math.exp %gather3A_284 : vector<16xf32>
      %add3A_289 = arith.addf %add3A_267, %exp3A_288 : vector<16xf32>
      %mul3A_290 = arith.mulf %gather3A_284, %gather3A_284 : vector<16xf32>
      %add3A_291 = arith.addf %add3A_269, %mul3A_290 : vector<16xf32>
      %select_n3A_292 = arith.select %gt3A_286, %gather3A_284, %select_n3A_270 : vector<16xi1>, vector<16xf32>
      %broadcast_in_dim3A_293 = vector.broadcast %scan3A_281 : i32 to vector<16xi32>
      %select_n3A_294 = arith.select %gt3A_286, %broadcast_in_dim3A_293, %select_n3A_272 : vector<16xi1>, vector<16xi32>
      %exp3A_295 = math.exp %gather3A_285 : vector<16xf32>
      %add3A_296 = arith.addf %add3A_274, %exp3A_295 : vector<16xf32>
      %mul3A_297 = arith.mulf %gather3A_285, %gather3A_285 : vector<16xf32>
      %add3A_298 = arith.addf %add3A_276, %mul3A_297 : vector<16xf32>
      %select_n3A_299 = arith.select %gt3A_287, %gather3A_285, %select_n3A_277 : vector<16xi1>, vector<16xf32>
      %broadcast_in_dim3A_300 = vector.broadcast %scan3A_281 : i32 to vector<16xi32>
      %select_n3A_301 = arith.select %gt3A_287, %broadcast_in_dim3A_300, %select_n3A_279 : vector<16xi1>, vector<16xi32>
      %scan3A_302 = arith.constant 3 : i32
      %scan3A_303 = arith.addi %scan3A_232, %scan3A_302 : i32
      %add3A_304 = vector.broadcast %scan3A_303 : i32 to vector<16xi32>
      %add3A_305 = arith.addi %broadcast_in_dim3A_5, %add3A_304 : vector<16xi32>
      %gather3A_306 = tpu.vector_load_idx %arg5[%iota3A, %add3A_305] : memref<16x1000xf32, #tpu.memory_space<vmem>>[vector<16xi32>, vector<16xi32>], vector<16xf32>,
      %gather3A_307 = tpu.vector_load_idx %arg6[%iota3A, %add3A_305] : memref<16x1000xf32, #tpu.memory_space<vmem>>[vector<16xi32>, vector<16xi32>], vector<16xf32>,
      %gt3A_308 = arith.cmpf ogt, %gather3A_306, %select_n3A_292 : vector<16xf32>
      %gt3A_309 = arith.cmpf ogt, %gather3A_307, %select_n3A_299 : vector<16xf32>
      %exp3A_310 = math.exp %gather3A_306 : vector<16xf32>
      %add3A_311 = arith.addf %add3A_289, %exp3A_310 : vector<16xf32>
      %mul3A_312 = arith.mulf %gather3A_306, %gather3A_306 : vector<16xf32>
      %add3A_313 = arith.addf %add3A_291, %mul3A_312 : vector<16xf32>
      %select_n3A_314 = arith.select %gt3A_308, %gather3A_306, %select_n3A_292 : vector<16xi1>, vector<16xf32>
      %broadcast_in_dim3A_315 = vector.broadcast %scan3A_303 : i32 to vector<16xi32>
      %select_n3A_316 = arith.select %gt3A_308, %broadcast_in_dim3A_315, %select_n3A_294 : vector<16xi1>, vector<16xi32>
      %exp3A_317 = math.exp %gather3A_307 : vector<16xf32>
      %add3A_318 = arith.addf %add3A_296, %exp3A_317 : vector<16xf32>
      %mul3A_319 = arith.mulf %gather3A_307, %gather3A_307 : vector<16xf32>
      %add3A_320 = arith.addf %add3A_298, %mul3A_319 : vector<16xf32>
      %select_n3A_321 = arith.select %gt3A_309, %gather3A_307, %select_n3A_299 : vector<16xi1>, vector<16xf32>
      %broadcast_in_dim3A_322 = vector.broadcast %scan3A_303 : i32 to vector<16xi32>
      %select_n3A_323 = arith.select %gt3A_309, %broadcast_in_dim3A_322, %select_n3A_301 : vector<16xi1>, vector<16xi32>
      %scan3A_324 = arith.constant 4 : i32
      %scan3A_325 = arith.addi %scan3A_232, %scan3A_324 : i32
      %add3A_326 = vector.broadcast %scan3A_325 : i32 to vector<16xi32>
      %add3A_327 = arith.addi %broadcast_in_dim3A_5, %add3A_326 : vector<16xi32>
      %gather3A_328 = tpu.vector_load_idx %arg5[%iota3A, %add3A_327] : memref<16x1000xf32, #tpu.memory_space<vmem>>[vector<16xi32>, vector<16xi32>], vector<16xf32>,
      %gather3A_329 = tpu.vector_load_idx %arg6[%iota3A, %add3A_327] : memref<16x1000xf32, #tpu.memory_space<vmem>>[vector<16xi32>, vector<16xi32>], vector<16xf32>,
      %gt3A_330 = arith.cmpf ogt, %gather3A_328, %select_n3A_314 : vector<16xf32>
      %gt3A_331 = arith.cmpf ogt, %gather3A_329, %select_n3A_321 : vector<16xf32>
      %exp3A_332 = math.exp %gather3A_328 : vector<16xf32>
      %add3A_333 = arith.addf %add3A_311, %exp3A_332 : vector<16xf32>
      %mul3A_334 = arith.mulf %gather3A_328, %gather3A_328 : vector<16xf32>
      %add3A_335 = arith.addf %add3A_313, %mul3A_334 : vector<16xf32>
      %select_n3A_336 = arith.select %gt3A_330, %gather3A_328, %select_n3A_314 : vector<16xi1>, vector<16xf32>
      %broadcast_in_dim3A_337 = vector.broadcast %scan3A_325 : i32 to vector<16xi32>
      %select_n3A_338 = arith.select %gt3A_330, %broadcast_in_dim3A_337, %select_n3A_316 : vector<16xi1>, vector<16xi32>
      %exp3A_339 = math.exp %gather3A_329 : vector<16xf32>
      %add3A_340 = arith.addf %add3A_318, %exp3A_339 : vector<16xf32>
      %mul3A_341 = arith.mulf %gather3A_329, %gather3A_329 : vector<16xf32>
      %add3A_342 = arith.addf %add3A_320, %mul3A_341 : vector<16xf32>
      %select_n3A_343 = arith.select %gt3A_331, %gather3A_329, %select_n3A_321 : vector<16xi1>, vector<16xf32>
      %broadcast_in_dim3A_344 = vector.broadcast %scan3A_325 : i32 to vector<16xi32>
      %select_n3A_345 = arith.select %gt3A_331, %broadcast_in_dim3A_344, %select_n3A_323 : vector<16xi1>, vector<16xi32>
      %scan3A_346 = arith.constant 5 : i32
      %scan3A_347 = arith.addi %scan3A_232, %scan3A_346 : i32
      %add3A_348 = vector.broadcast %scan3A_347 : i32 to vector<16xi32>
      %add3A_349 = arith.addi %broadcast_in_dim3A_5, %add3A_348 : vector<16xi32>
      %gather3A_350 = tpu.vector_load_idx %arg5[%iota3A, %add3A_349] : memref<16x1000xf32, #tpu.memory_space<vmem>>[vector<16xi32>, vector<16xi32>], vector<16xf32>,
      %gather3A_351 = tpu.vector_load_idx %arg6[%iota3A, %add3A_349] : memref<16x1000xf32, #tpu.memory_space<vmem>>[vector<16xi32>, vector<16xi32>], vector<16xf32>,
      %gt3A_352 = arith.cmpf ogt, %gather3A_350, %select_n3A_336 : vector<16xf32>
      %gt3A_353 = arith.cmpf ogt, %gather3A_351, %select_n3A_343 : vector<16xf32>
      %exp3A_354 = math.exp %gather3A_350 : vector<16xf32>
      %add3A_355 = arith.addf %add3A_333, %exp3A_354 : vector<16xf32>
      %mul3A_356 = arith.mulf %gather3A_350, %gather3A_350 : vector<16xf32>
      %add3A_357 = arith.addf %add3A_335, %mul3A_356 : vector<16xf32>
      %select_n3A_358 = arith.select %gt3A_352, %gather3A_350, %select_n3A_336 : vector<16xi1>, vector<16xf32>
      %broadcast_in_dim3A_359 = vector.broadcast %scan3A_347 : i32 to vector<16xi32>
      %select_n3A_360 = arith.select %gt3A_352, %broadcast_in_dim3A_359, %select_n3A_338 : vector<16xi1>, vector<16xi32>
      %exp3A_361 = math.exp %gather3A_351 : vector<16xf32>
      %add3A_362 = arith.addf %add3A_340, %exp3A_361 : vector<16xf32>
      %mul3A_363 = arith.mulf %gather3A_351, %gather3A_351 : vector<16xf32>
      %add3A_364 = arith.addf %add3A_342, %mul3A_363 : vector<16xf32>
      %select_n3A_365 = arith.select %gt3A_353, %gather3A_351, %select_n3A_343 : vector<16xi1>, vector<16xf32>
      %broadcast_in_dim3A_366 = vector.broadcast %scan3A_347 : i32 to vector<16xi32>
      %select_n3A_367 = arith.select %gt3A_353, %broadcast_in_dim3A_366, %select_n3A_345 : vector<16xi1>, vector<16xi32>
      %scan3A_368 = arith.constant 6 : i32
      %scan3A_369 = arith.addi %scan3A_232, %scan3A_368 : i32
      %add3A_370 = vector.broadcast %scan3A_369 : i32 to vector<16xi32>
      %add3A_371 = arith.addi %broadcast_in_dim3A_5, %add3A_370 : vector<16xi32>
      %gather3A_372 = tpu.vector_load_idx %arg5[%iota3A, %add3A_371] : memref<16x1000xf32, #tpu.memory_space<vmem>>[vector<16xi32>, vector<16xi32>], vector<16xf32>,
      %gather3A_373 = tpu.vector_load_idx %arg6[%iota3A, %add3A_371] : memref<16x1000xf32, #tpu.memory_space<vmem>>[vector<16xi32>, vector<16xi32>], vector<16xf32>,
      %gt3A_374 = arith.cmpf ogt, %gather3A_372, %select_n3A_358 : vector<16xf32>
      %gt3A_375 = arith.cmpf ogt, %gather3A_373, %select_n3A_365 : vector<16xf32>
      %exp3A_376 = math.exp %gather3A_372 : vector<16xf32>
      %add3A_377 = arith.addf %add3A_355, %exp3A_376 : vector<16xf32>
      %mul3A_378 = arith.mulf %gather3A_372, %gather3A_372 : vector<16xf32>
      %add3A_379 = arith.addf %add3A_357, %mul3A_378 : vector<16xf32>
      %select_n3A_380 = arith.select %gt3A_374, %gather3A_372, %select_n3A_358 : vector<16xi1>, vector<16xf32>
      %broadcast_in_dim3A_381 = vector.broadcast %scan3A_369 : i32 to vector<16xi32>
      %select_n3A_382 = arith.select %gt3A_374, %broadcast_in_dim3A_381, %select_n3A_360 : vector<16xi1>, vector<16xi32>
      %exp3A_383 = math.exp %gather3A_373 : vector<16xf32>
      %add3A_384 = arith.addf %add3A_362, %exp3A_383 : vector<16xf32>
      %mul3A_385 = arith.mulf %gather3A_373, %gather3A_373 : vector<16xf32>
      %add3A_386 = arith.addf %add3A_364, %mul3A_385 : vector<16xf32>
      %select_n3A_387 = arith.select %gt3A_375, %gather3A_373, %select_n3A_365 : vector<16xi1>, vector<16xf32>
      %broadcast_in_dim3A_388 = vector.broadcast %scan3A_369 : i32 to vector<16xi32>
      %select_n3A_389 = arith.select %gt3A_375, %broadcast_in_dim3A_388, %select_n3A_367 : vector<16xi1>, vector<16xi32>
      %scan3A_390 = arith.constant 7 : i32
      %scan3A_391 = arith.addi %scan3A_232, %scan3A_390 : i32
      %add3A_392 = vector.broadcast %scan3A_391 : i32 to vector<16xi32>
      %add3A_393 = arith.addi %broadcast_in_dim3A_5, %add3A_392 : vector<16xi32>
      %gather3A_394 = tpu.vector_load_idx %arg5[%iota3A, %add3A_393] : memref<16x1000xf32, #tpu.memory_space<vmem>>[vector<16xi32>, vector<16xi32>], vector<16xf32>,
      %gather3A_395 = tpu.vector_load_idx %arg6[%iota3A, %add3A_393] : memref<16x1000xf32, #tpu.memory_space<vmem>>[vector<16xi32>, vector<16xi32>], vector<16xf32>,
      %gt3A_396 = arith.cmpf ogt, %gather3A_394, %select_n3A_380 : vector<16xf32>
      %gt3A_397 = arith.cmpf ogt, %gather3A_395, %select_n3A_387 : vector<16xf32>
      %exp3A_398 = math.exp %gather3A_394 : vector<16xf32>
      %add3A_399 = arith.addf %add3A_377, %exp3A_398 : vector<16xf32>
      %mul3A_400 = arith.mulf %gather3A_394, %gather3A_394 : vector<16xf32>
      %add3A_401 = arith.addf %add3A_379, %mul3A_400 : vector<16xf32>
      %select_n3A_402 = arith.select %gt3A_396, %gather3A_394, %select_n3A_380 : vector<16xi1>, vector<16xf32>
      %broadcast_in_dim3A_403 = vector.broadcast %scan3A_391 : i32 to vector<16xi32>
      %select_n3A_404 = arith.select %gt3A_396, %broadcast_in_dim3A_403, %select_n3A_382 : vector<16xi1>, vector<16xi32>
      %exp3A_405 = math.exp %gather3A_395 : vector<16xf32>
      %add3A_406 = arith.addf %add3A_384, %exp3A_405 : vector<16xf32>
      %mul3A_407 = arith.mulf %gather3A_395, %gather3A_395 : vector<16xf32>
      %add3A_408 = arith.addf %add3A_386, %mul3A_407 : vector<16xf32>
      %select_n3A_409 = arith.select %gt3A_397, %gather3A_395, %select_n3A_387 : vector<16xi1>, vector<16xf32>
      %broadcast_in_dim3A_410 = vector.broadcast %scan3A_391 : i32 to vector<16xi32>
      %select_n3A_411 = arith.select %gt3A_397, %broadcast_in_dim3A_410, %select_n3A_389 : vector<16xi1>, vector<16xi32>
      scf.yield %add3A_399, %add3A_401, %select_n3A_402, %select_n3A_404, %add3A_406, %add3A_408, %select_n3A_409, %select_n3A_411 : vector<16xf32>, vector<16xf32>, vector<16xf32>, vector<16xi32>, vector<16xf32>, vector<16xf32>, vector<16xf32>, vector<16xi32>
    }
    %scan3A_17 = arith.constant 1000 : i32
    %get3A = arith.constant 0 : index
    %get3A_18 = tpu.vector_load %arg7[%get3A] {strides = array<i32>} : memref<16xi32, #tpu.memory_space<vmem>>, vector<16xi32>,
    %gather3A = tpu.vector_load_idx %arg5[%iota3A, %get3A_18] : memref<16x1000xf32, #tpu.memory_space<vmem>>[vector<16xi32>, vector<16xi32>], vector<16xf32>,
    %gather3A_19 = tpu.vector_load_idx %arg6[%iota3A, %get3A_18] : memref<16x1000xf32, #tpu.memory_space<vmem>>[vector<16xi32>, vector<16xi32>], vector<16xf32>,
    %gather3A_20 = tpu.vector_load_idx %arg5[%iota3A, %broadcast_in_dim3A_5] : memref<16x1000xf32, #tpu.memory_space<vmem>>[vector<16xi32>, vector<16xi32>], vector<16xf32>,
    %gather3A_21 = tpu.vector_load_idx %arg6[%iota3A, %broadcast_in_dim3A_5] : memref<16x1000xf32, #tpu.memory_space<vmem>>[vector<16xi32>, vector<16xi32>], vector<16xf32>,
    %gather3A_22 = tpu.vector_load_idx %arg5[%iota3A, %scan3A_16#7] : memref<16x1000xf32, #tpu.memory_space<vmem>>[vector<16xi32>, vector<16xi32>], vector<16xf32>,
    %gather3A_23 = tpu.vector_load_idx %arg6[%iota3A, %scan3A_16#3] : memref<16x1000xf32, #tpu.memory_space<vmem>>[vector<16xi32>, vector<16xi32>], vector<16xf32>,
    %swap3A = arith.constant 0 : i32
    %swap3A_24 = arith.index_cast %swap3A : i32 to index
    %swap3A_25 = arith.constant 0 : index
    %swap3A_26 = tpu.vector_load %arg8[%swap3A_24, %swap3A_25] {strides = array<i32>} : memref<8x64xf32, #tpu.memory_space<vmem>>, vector<16xf32>,
    tpu.vector_store %arg8[%swap3A_24, %swap3A_25], %scan3A_16#0 {strides = array<i32>} : memref<8x64xf32, #tpu.memory_space<vmem>>, vector<16xf32>,
    %swap3A_27 = arith.constant 1 : i32
    %swap3A_28 = arith.index_cast %swap3A_27 : i32 to index
    %swap3A_29 = arith.constant 0 : index
    %swap3A_30 = tpu.vector_load %arg8[%swap3A_28, %swap3A_29] {strides = array<i32>} : memref<8x64xf32, #tpu.memory_space<vmem>>, vector<16xf32>,
    tpu.vector_store %arg8[%swap3A_28, %swap3A_29], %scan3A_16#4 {strides = array<i32>} : memref<8x64xf32, #tpu.memory_space<vmem>>, vector<16xf32>,
    %swap3A_31 = arith.constant 2 : i32
    %swap3A_32 = arith.index_cast %swap3A_31 : i32 to index
    %swap3A_33 = arith.constant 0 : index
    %swap3A_34 = tpu.vector_load %arg8[%swap3A_32, %swap3A_33] {strides = array<i32>} : memref<8x64xf32, #tpu.memory_space<vmem>>, vector<16xf32>,
    tpu.vector_store %arg8[%swap3A_32, %swap3A_33], %gather3A {strides = array<i32>} : memref<8x64xf32, #tpu.memory_space<vmem>>, vector<16xf32>,
    %swap3A_35 = arith.constant 3 : i32
    %swap3A_36 = arith.index_cast %swap3A_35 : i32 to index
    %swap3A_37 = arith.constant 0 : index
    %swap3A_38 = tpu.vector_load %arg8[%swap3A_36, %swap3A_37] {strides = array<i32>} : memref<8x64xf32, #tpu.memory_space<vmem>>, vector<16xf32>,
    tpu.vector_store %arg8[%swap3A_36, %swap3A_37], %gather3A_19 {strides = array<i32>} : memref<8x64xf32, #tpu.memory_space<vmem>>, vector<16xf32>,
    %mul3A_39 = arith.mulf %gather3A_20, %gather3A_20 : vector<16xf32>
    %sub3A = arith.subf %scan3A_16#1, %mul3A_39 : vector<16xf32>
    %swap3A_40 = arith.constant 4 : i32
    %swap3A_41 = arith.index_cast %swap3A_40 : i32 to index
    %swap3A_42 = arith.constant 0 : index
    %swap3A_43 = tpu.vector_load %arg8[%swap3A_41, %swap3A_42] {strides = array<i32>} : memref<8x64xf32, #tpu.memory_space<vmem>>, vector<16xf32>,
    tpu.vector_store %arg8[%swap3A_41, %swap3A_42], %sub3A {strides = array<i32>} : memref<8x64xf32, #tpu.memory_space<vmem>>, vector<16xf32>,
    %mul3A_44 = arith.mulf %gather3A_21, %gather3A_21 : vector<16xf32>
    %sub3A_45 = arith.subf %scan3A_16#5, %mul3A_44 : vector<16xf32>
    %swap3A_46 = arith.constant 5 : i32
    %swap3A_47 = arith.index_cast %swap3A_46 : i32 to index
    %swap3A_48 = arith.constant 0 : index
    %swap3A_49 = tpu.vector_load %arg8[%swap3A_47, %swap3A_48] {strides = array<i32>} : memref<8x64xf32, #tpu.memory_space<vmem>>, vector<16xf32>,
    tpu.vector_store %arg8[%swap3A_47, %swap3A_48], %sub3A_45 {strides = array<i32>} : memref<8x64xf32, #tpu.memory_space<vmem>>, vector<16xf32>,
    %swap3A_50 = arith.constant 6 : i32
    %swap3A_51 = arith.index_cast %swap3A_50 : i32 to index
    %swap3A_52 = arith.constant 0 : index
    %swap3A_53 = tpu.vector_load %arg8[%swap3A_51, %swap3A_52] {strides = array<i32>} : memref<8x64xf32, #tpu.memory_space<vmem>>, vector<16xf32>,
    tpu.vector_store %arg8[%swap3A_51, %swap3A_52], %gather3A_22 {strides = array<i32>} : memref<8x64xf32, #tpu.memory_space<vmem>>, vector<16xf32>,
    %swap3A_54 = arith.constant 7 : i32
    %swap3A_55 = arith.index_cast %swap3A_54 : i32 to index
    %swap3A_56 = arith.constant 0 : index
    %swap3A_57 = tpu.vector_load %arg8[%swap3A_55, %swap3A_56] {strides = array<i32>} : memref<8x64xf32, #tpu.memory_space<vmem>>, vector<16xf32>,
    tpu.vector_store %arg8[%swap3A_55, %swap3A_56], %gather3A_23 {strides = array<i32>} : memref<8x64xf32, #tpu.memory_space<vmem>>, vector<16xf32>,
    %add3A_58 = arith.constant 16 : i32
    %add3A_59 = arith.addi %add3A_4, %add3A_58 : i32
    %run_scoped3A_60 = arith.constant 0 : i32
    "tpu.region"() ({
      %run_scoped3A_232 = tpu.sem_alloc : memref<!tpu.dma_semaphore, #tpu.memory_space<semaphore_mem>>
      %dma_start3A = arith.constant 0 : i32
      %dma_start3A_233 = tpu.memref_slice %arg2[%run_scoped3A_60, %add3A_59, %dma_start3A] : memref<2x16384x1000xf32, #tpu.memory_space<hbm>> -> memref<1x16x1000xf32, #tpu.memory_space<hbm>>
      %dma_start3A_234 = tpu.memref_squeeze %dma_start3A_233 : memref<1x16x1000xf32, #tpu.memory_space<hbm>> -> memref<16x1000xf32, #tpu.memory_space<hbm>>
      %dma_start3A_235 = arith.constant 0 : i32
      %dma_start3A_236 = tpu.memref_slice %arg2[%run_scoped3A_60, %add3A_59, %dma_start3A_235] : memref<2x16384x1000xf32, #tpu.memory_space<hbm>> -> memref<1x16x1000xf32, #tpu.memory_space<hbm>>
      %dma_start3A_237 = tpu.memref_squeeze %dma_start3A_236 : memref<1x16x1000xf32, #tpu.memory_space<hbm>> -> memref<16x1000xf32, #tpu.memory_space<hbm>>
      tpu.enqueue_dma source(%dma_start3A_237 : memref<16x1000xf32, #tpu.memory_space<hbm>>) target(%arg5 : memref<16x1000xf32, #tpu.memory_space<vmem>>) target_semaphore(%run_scoped3A_232 : memref<!tpu.dma_semaphore, #tpu.memory_space<semaphore_mem>>)
      %dma_wait3A = arith.constant 0 : i32
      %dma_wait3A_238 = tpu.memref_slice %arg2[%run_scoped3A_60, %add3A_59, %dma_wait3A] : memref<2x16384x1000xf32, #tpu.memory_space<hbm>> -> memref<1x16x1000xf32, #tpu.memory_space<hbm>>
      %dma_wait3A_239 = tpu.memref_squeeze %dma_wait3A_238 : memref<1x16x1000xf32, #tpu.memory_space<hbm>> -> memref<16x1000xf32, #tpu.memory_space<hbm>>
      %dma_wait3A_240 = arith.constant 0 : i32
      %dma_wait3A_241 = tpu.memref_slice %arg2[%run_scoped3A_60, %add3A_59, %dma_wait3A_240] : memref<2x16384x1000xf32, #tpu.memory_space<hbm>> -> memref<1x16x1000xf32, #tpu.memory_space<hbm>>
      %dma_wait3A_242 = tpu.memref_squeeze %dma_wait3A_241 : memref<1x16x1000xf32, #tpu.memory_space<hbm>> -> memref<16x1000xf32, #tpu.memory_space<hbm>>
      tpu.wait_dma2 semaphore(%run_scoped3A_232 : memref<!tpu.dma_semaphore, #tpu.memory_space<semaphore_mem>>) src(%dma_wait3A_242 : memref<16x1000xf32, #tpu.memory_space<hbm>>) dst(%arg5 : memref<16x1000xf32, #tpu.memory_space<vmem>>)
      tpu.yield
    }) : () -> ()
    %run_scoped3A_61 = arith.constant 1 : i32
    "tpu.region"() ({
      %run_scoped3A_232 = tpu.sem_alloc : memref<!tpu.dma_semaphore, #tpu.memory_space<semaphore_mem>>
      %dma_start3A = arith.constant 0 : i32
      %dma_start3A_233 = tpu.memref_slice %arg2[%run_scoped3A_61, %add3A_59, %dma_start3A] : memref<2x16384x1000xf32, #tpu.memory_space<hbm>> -> memref<1x16x1000xf32, #tpu.memory_space<hbm>>
      %dma_start3A_234 = tpu.memref_squeeze %dma_start3A_233 : memref<1x16x1000xf32, #tpu.memory_space<hbm>> -> memref<16x1000xf32, #tpu.memory_space<hbm>>
      %dma_start3A_235 = arith.constant 0 : i32
      %dma_start3A_236 = tpu.memref_slice %arg2[%run_scoped3A_61, %add3A_59, %dma_start3A_235] : memref<2x16384x1000xf32, #tpu.memory_space<hbm>> -> memref<1x16x1000xf32, #tpu.memory_space<hbm>>
      %dma_start3A_237 = tpu.memref_squeeze %dma_start3A_236 : memref<1x16x1000xf32, #tpu.memory_space<hbm>> -> memref<16x1000xf32, #tpu.memory_space<hbm>>
      tpu.enqueue_dma source(%dma_start3A_237 : memref<16x1000xf32, #tpu.memory_space<hbm>>) target(%arg6 : memref<16x1000xf32, #tpu.memory_space<vmem>>) target_semaphore(%run_scoped3A_232 : memref<!tpu.dma_semaphore, #tpu.memory_space<semaphore_mem>>)
      %dma_wait3A = arith.constant 0 : i32
      %dma_wait3A_238 = tpu.memref_slice %arg2[%run_scoped3A_61, %add3A_59, %dma_wait3A] : memref<2x16384x1000xf32, #tpu.memory_space<hbm>> -> memref<1x16x1000xf32, #tpu.memory_space<hbm>>
      %dma_wait3A_239 = tpu.memref_squeeze %dma_wait3A_238 : memref<1x16x1000xf32, #tpu.memory_space<hbm>> -> memref<16x1000xf32, #tpu.memory_space<hbm>>
      %dma_wait3A_240 = arith.constant 0 : i32
      %dma_wait3A_241 = tpu.memref_slice %arg2[%run_scoped3A_61, %add3A_59, %dma_wait3A_240] : memref<2x16384x1000xf32, #tpu.memory_space<hbm>> -> memref<1x16x1000xf32, #tpu.memory_space<hbm>>
      %dma_wait3A_242 = tpu.memref_squeeze %dma_wait3A_241 : memref<1x16x1000xf32, #tpu.memory_space<hbm>> -> memref<16x1000xf32, #tpu.memory_space<hbm>>
      tpu.wait_dma2 semaphore(%run_scoped3A_232 : memref<!tpu.dma_semaphore, #tpu.memory_space<semaphore_mem>>) src(%dma_wait3A_242 : memref<16x1000xf32, #tpu.memory_space<hbm>>) dst(%arg6 : memref<16x1000xf32, #tpu.memory_space<vmem>>)
      tpu.yield
    }) : () -> ()
    "tpu.region"() ({
      %run_scoped3A_232 = tpu.sem_alloc : memref<!tpu.dma_semaphore, #tpu.memory_space<semaphore_mem>>
      %dma_start3A = tpu.memref_slice %arg3[%add3A_59] : memref<16384xi32, #tpu.memory_space<hbm>> -> memref<16xi32, #tpu.memory_space<hbm>>
      %dma_start3A_233 = tpu.memref_slice %arg3[%add3A_59] : memref<16384xi32, #tpu.memory_space<hbm>> -> memref<16xi32, #tpu.memory_space<hbm>>
      tpu.enqueue_dma source(%dma_start3A_233 : memref<16xi32, #tpu.memory_space<hbm>>) target(%arg7 : memref<16xi32, #tpu.memory_space<vmem>>) target_semaphore(%run_scoped3A_232 : memref<!tpu.dma_semaphore, #tpu.memory_space<semaphore_mem>>)
      %dma_wait3A = tpu.memref_slice %arg3[%add3A_59] : memref<16384xi32, #tpu.memory_space<hbm>> -> memref<16xi32, #tpu.memory_space<hbm>>
      %dma_wait3A_234 = tpu.memref_slice %arg3[%add3A_59] : memref<16384xi32, #tpu.memory_space<hbm>> -> memref<16xi32, #tpu.memory_space<hbm>>
      tpu.wait_dma2 semaphore(%run_scoped3A_232 : memref<!tpu.dma_semaphore, #tpu.memory_space<semaphore_mem>>) src(%dma_wait3A_234 : memref<16xi32, #tpu.memory_space<hbm>>) dst(%arg7 : memref<16xi32, #tpu.memory_space<vmem>>)
      tpu.yield
    }) : () -> ()
    %broadcast_in_dim3A_62 = arith.constant 0.000000e+00 : f32
    %broadcast_in_dim3A_63 = vector.broadcast %broadcast_in_dim3A_62 : f32 to vector<16xf32>
    %broadcast_in_dim3A_64 = arith.constant -3.000000e+38 : f32
    %broadcast_in_dim3A_65 = vector.broadcast %broadcast_in_dim3A_64 : f32 to vector<16xf32>
    %scan3A_66 = arith.constant 0 : i32
    %scan3A_67 = arith.constant 1000 : i32
    %scan3A_68 = arith.addi %scan3A_66, %scan3A_67 : i32
    %scan3A_69 = arith.constant 8 : i32
    %scan3A_70:8 = scf.for %scan3A_232 = %scan3A_66 to %scan3A_68 step %scan3A_69 iter_args(%scan3A_233 = %broadcast_in_dim3A_63, %scan3A_234 = %broadcast_in_dim3A_63, %scan3A_235 = %broadcast_in_dim3A_65, %scan3A_236 = %broadcast_in_dim3A_5, %scan3A_237 = %broadcast_in_dim3A_63, %scan3A_238 = %broadcast_in_dim3A_63, %scan3A_239 = %broadcast_in_dim3A_65, %scan3A_240 = %broadcast_in_dim3A_5) -> (vector<16xf32>, vector<16xf32>, vector<16xf32>, vector<16xi32>, vector<16xf32>, vector<16xf32>, vector<16xf32>, vector<16xi32>)  : i32 {
      %add3A_241 = vector.broadcast %scan3A_232 : i32 to vector<16xi32>
      %add3A_242 = arith.addi %broadcast_in_dim3A_5, %add3A_241 : vector<16xi32>
      %gather3A_243 = tpu.vector_load_idx %arg5[%iota3A, %add3A_242] : memref<16x1000xf32, #tpu.memory_space<vmem>>[vector<16xi32>, vector<16xi32>], vector<16xf32>,
      %gather3A_244 = tpu.vector_load_idx %arg6[%iota3A, %add3A_242] : memref<16x1000xf32, #tpu.memory_space<vmem>>[vector<16xi32>, vector<16xi32>], vector<16xf32>,
      %gt3A = arith.cmpf ogt, %gather3A_243, %scan3A_235 : vector<16xf32>
      %gt3A_245 = arith.cmpf ogt, %gather3A_244, %scan3A_239 : vector<16xf32>
      %exp3A = math.exp %gather3A_243 : vector<16xf32>
      %add3A_246 = arith.addf %scan3A_233, %exp3A : vector<16xf32>
      %mul3A_247 = arith.mulf %gather3A_243, %gather3A_243 : vector<16xf32>
      %add3A_248 = arith.addf %scan3A_234, %mul3A_247 : vector<16xf32>
      %select_n3A = arith.select %gt3A, %gather3A_243, %scan3A_235 : vector<16xi1>, vector<16xf32>
      %broadcast_in_dim3A_249 = vector.broadcast %scan3A_232 : i32 to vector<16xi32>
      %select_n3A_250 = arith.select %gt3A, %broadcast_in_dim3A_249, %scan3A_236 : vector<16xi1>, vector<16xi32>
      %exp3A_251 = math.exp %gather3A_244 : vector<16xf32>
      %add3A_252 = arith.addf %scan3A_237, %exp3A_251 : vector<16xf32>
      %mul3A_253 = arith.mulf %gather3A_244, %gather3A_244 : vector<16xf32>
      %add3A_254 = arith.addf %scan3A_238, %mul3A_253 : vector<16xf32>
      %select_n3A_255 = arith.select %gt3A_245, %gather3A_244, %scan3A_239 : vector<16xi1>, vector<16xf32>
      %broadcast_in_dim3A_256 = vector.broadcast %scan3A_232 : i32 to vector<16xi32>
      %select_n3A_257 = arith.select %gt3A_245, %broadcast_in_dim3A_256, %scan3A_240 : vector<16xi1>, vector<16xi32>
      %scan3A_258 = arith.constant 1 : i32
      %scan3A_259 = arith.addi %scan3A_232, %scan3A_258 : i32
      %add3A_260 = vector.broadcast %scan3A_259 : i32 to vector<16xi32>
      %add3A_261 = arith.addi %broadcast_in_dim3A_5, %add3A_260 : vector<16xi32>
      %gather3A_262 = tpu.vector_load_idx %arg5[%iota3A, %add3A_261] : memref<16x1000xf32, #tpu.memory_space<vmem>>[vector<16xi32>, vector<16xi32>], vector<16xf32>,
      %gather3A_263 = tpu.vector_load_idx %arg6[%iota3A, %add3A_261] : memref<16x1000xf32, #tpu.memory_space<vmem>>[vector<16xi32>, vector<16xi32>], vector<16xf32>,
      %gt3A_264 = arith.cmpf ogt, %gather3A_262, %select_n3A : vector<16xf32>
      %gt3A_265 = arith.cmpf ogt, %gather3A_263, %select_n3A_255 : vector<16xf32>
      %exp3A_266 = math.exp %gather3A_262 : vector<16xf32>
      %add3A_267 = arith.addf %add3A_246, %exp3A_266 : vector<16xf32>
      %mul3A_268 = arith.mulf %gather3A_262, %gather3A_262 : vector<16xf32>
      %add3A_269 = arith.addf %add3A_248, %mul3A_268 : vector<16xf32>
      %select_n3A_270 = arith.select %gt3A_264, %gather3A_262, %select_n3A : vector<16xi1>, vector<16xf32>
      %broadcast_in_dim3A_271 = vector.broadcast %scan3A_259 : i32 to vector<16xi32>
      %select_n3A_272 = arith.select %gt3A_264, %broadcast_in_dim3A_271, %select_n3A_250 : vector<16xi1>, vector<16xi32>
      %exp3A_273 = math.exp %gather3A_263 : vector<16xf32>
      %add3A_274 = arith.addf %add3A_252, %exp3A_273 : vector<16xf32>
      %mul3A_275 = arith.mulf %gather3A_263, %gather3A_263 : vector<16xf32>
      %add3A_276 = arith.addf %add3A_254, %mul3A_275 : vector<16xf32>
      %select_n3A_277 = arith.select %gt3A_265, %gather3A_263, %select_n3A_255 : vector<16xi1>, vector<16xf32>
      %broadcast_in_dim3A_278 = vector.broadcast %scan3A_259 : i32 to vector<16xi32>
      %select_n3A_279 = arith.select %gt3A_265, %broadcast_in_dim3A_278, %select_n3A_257 : vector<16xi1>, vector<16xi32>
      %scan3A_280 = arith.constant 2 : i32
      %scan3A_281 = arith.addi %scan3A_232, %scan3A_280 : i32
      %add3A_282 = vector.broadcast %scan3A_281 : i32 to vector<16xi32>
      %add3A_283 = arith.addi %broadcast_in_dim3A_5, %add3A_282 : vector<16xi32>
      %gather3A_284 = tpu.vector_load_idx %arg5[%iota3A, %add3A_283] : memref<16x1000xf32, #tpu.memory_space<vmem>>[vector<16xi32>, vector<16xi32>], vector<16xf32>,
      %gather3A_285 = tpu.vector_load_idx %arg6[%iota3A, %add3A_283] : memref<16x1000xf32, #tpu.memory_space<vmem>>[vector<16xi32>, vector<16xi32>], vector<16xf32>,
      %gt3A_286 = arith.cmpf ogt, %gather3A_284, %select_n3A_270 : vector<16xf32>
      %gt3A_287 = arith.cmpf ogt, %gather3A_285, %select_n3A_277 : vector<16xf32>
      %exp3A_288 = math.exp %gather3A_284 : vector<16xf32>
      %add3A_289 = arith.addf %add3A_267, %exp3A_288 : vector<16xf32>
      %mul3A_290 = arith.mulf %gather3A_284, %gather3A_284 : vector<16xf32>
      %add3A_291 = arith.addf %add3A_269, %mul3A_290 : vector<16xf32>
      %select_n3A_292 = arith.select %gt3A_286, %gather3A_284, %select_n3A_270 : vector<16xi1>, vector<16xf32>
      %broadcast_in_dim3A_293 = vector.broadcast %scan3A_281 : i32 to vector<16xi32>
      %select_n3A_294 = arith.select %gt3A_286, %broadcast_in_dim3A_293, %select_n3A_272 : vector<16xi1>, vector<16xi32>
      %exp3A_295 = math.exp %gather3A_285 : vector<16xf32>
      %add3A_296 = arith.addf %add3A_274, %exp3A_295 : vector<16xf32>
      %mul3A_297 = arith.mulf %gather3A_285, %gather3A_285 : vector<16xf32>
      %add3A_298 = arith.addf %add3A_276, %mul3A_297 : vector<16xf32>
      %select_n3A_299 = arith.select %gt3A_287, %gather3A_285, %select_n3A_277 : vector<16xi1>, vector<16xf32>
      %broadcast_in_dim3A_300 = vector.broadcast %scan3A_281 : i32 to vector<16xi32>
      %select_n3A_301 = arith.select %gt3A_287, %broadcast_in_dim3A_300, %select_n3A_279 : vector<16xi1>, vector<16xi32>
      %scan3A_302 = arith.constant 3 : i32
      %scan3A_303 = arith.addi %scan3A_232, %scan3A_302 : i32
      %add3A_304 = vector.broadcast %scan3A_303 : i32 to vector<16xi32>
      %add3A_305 = arith.addi %broadcast_in_dim3A_5, %add3A_304 : vector<16xi32>
      %gather3A_306 = tpu.vector_load_idx %arg5[%iota3A, %add3A_305] : memref<16x1000xf32, #tpu.memory_space<vmem>>[vector<16xi32>, vector<16xi32>], vector<16xf32>,
      %gather3A_307 = tpu.vector_load_idx %arg6[%iota3A, %add3A_305] : memref<16x1000xf32, #tpu.memory_space<vmem>>[vector<16xi32>, vector<16xi32>], vector<16xf32>,
      %gt3A_308 = arith.cmpf ogt, %gather3A_306, %select_n3A_292 : vector<16xf32>
      %gt3A_309 = arith.cmpf ogt, %gather3A_307, %select_n3A_299 : vector<16xf32>
      %exp3A_310 = math.exp %gather3A_306 : vector<16xf32>
      %add3A_311 = arith.addf %add3A_289, %exp3A_310 : vector<16xf32>
      %mul3A_312 = arith.mulf %gather3A_306, %gather3A_306 : vector<16xf32>
      %add3A_313 = arith.addf %add3A_291, %mul3A_312 : vector<16xf32>
      %select_n3A_314 = arith.select %gt3A_308, %gather3A_306, %select_n3A_292 : vector<16xi1>, vector<16xf32>
      %broadcast_in_dim3A_315 = vector.broadcast %scan3A_303 : i32 to vector<16xi32>
      %select_n3A_316 = arith.select %gt3A_308, %broadcast_in_dim3A_315, %select_n3A_294 : vector<16xi1>, vector<16xi32>
      %exp3A_317 = math.exp %gather3A_307 : vector<16xf32>
      %add3A_318 = arith.addf %add3A_296, %exp3A_317 : vector<16xf32>
      %mul3A_319 = arith.mulf %gather3A_307, %gather3A_307 : vector<16xf32>
      %add3A_320 = arith.addf %add3A_298, %mul3A_319 : vector<16xf32>
      %select_n3A_321 = arith.select %gt3A_309, %gather3A_307, %select_n3A_299 : vector<16xi1>, vector<16xf32>
      %broadcast_in_dim3A_322 = vector.broadcast %scan3A_303 : i32 to vector<16xi32>
      %select_n3A_323 = arith.select %gt3A_309, %broadcast_in_dim3A_322, %select_n3A_301 : vector<16xi1>, vector<16xi32>
      %scan3A_324 = arith.constant 4 : i32
      %scan3A_325 = arith.addi %scan3A_232, %scan3A_324 : i32
      %add3A_326 = vector.broadcast %scan3A_325 : i32 to vector<16xi32>
      %add3A_327 = arith.addi %broadcast_in_dim3A_5, %add3A_326 : vector<16xi32>
      %gather3A_328 = tpu.vector_load_idx %arg5[%iota3A, %add3A_327] : memref<16x1000xf32, #tpu.memory_space<vmem>>[vector<16xi32>, vector<16xi32>], vector<16xf32>,
      %gather3A_329 = tpu.vector_load_idx %arg6[%iota3A, %add3A_327] : memref<16x1000xf32, #tpu.memory_space<vmem>>[vector<16xi32>, vector<16xi32>], vector<16xf32>,
      %gt3A_330 = arith.cmpf ogt, %gather3A_328, %select_n3A_314 : vector<16xf32>
      %gt3A_331 = arith.cmpf ogt, %gather3A_329, %select_n3A_321 : vector<16xf32>
      %exp3A_332 = math.exp %gather3A_328 : vector<16xf32>
      %add3A_333 = arith.addf %add3A_311, %exp3A_332 : vector<16xf32>
      %mul3A_334 = arith.mulf %gather3A_328, %gather3A_328 : vector<16xf32>
      %add3A_335 = arith.addf %add3A_313, %mul3A_334 : vector<16xf32>
      %select_n3A_336 = arith.select %gt3A_330, %gather3A_328, %select_n3A_314 : vector<16xi1>, vector<16xf32>
      %broadcast_in_dim3A_337 = vector.broadcast %scan3A_325 : i32 to vector<16xi32>
      %select_n3A_338 = arith.select %gt3A_330, %broadcast_in_dim3A_337, %select_n3A_316 : vector<16xi1>, vector<16xi32>
      %exp3A_339 = math.exp %gather3A_329 : vector<16xf32>
      %add3A_340 = arith.addf %add3A_318, %exp3A_339 : vector<16xf32>
      %mul3A_341 = arith.mulf %gather3A_329, %gather3A_329 : vector<16xf32>
      %add3A_342 = arith.addf %add3A_320, %mul3A_341 : vector<16xf32>
      %select_n3A_343 = arith.select %gt3A_331, %gather3A_329, %select_n3A_321 : vector<16xi1>, vector<16xf32>
      %broadcast_in_dim3A_344 = vector.broadcast %scan3A_325 : i32 to vector<16xi32>
      %select_n3A_345 = arith.select %gt3A_331, %broadcast_in_dim3A_344, %select_n3A_323 : vector<16xi1>, vector<16xi32>
      %scan3A_346 = arith.constant 5 : i32
      %scan3A_347 = arith.addi %scan3A_232, %scan3A_346 : i32
      %add3A_348 = vector.broadcast %scan3A_347 : i32 to vector<16xi32>
      %add3A_349 = arith.addi %broadcast_in_dim3A_5, %add3A_348 : vector<16xi32>
      %gather3A_350 = tpu.vector_load_idx %arg5[%iota3A, %add3A_349] : memref<16x1000xf32, #tpu.memory_space<vmem>>[vector<16xi32>, vector<16xi32>], vector<16xf32>,
      %gather3A_351 = tpu.vector_load_idx %arg6[%iota3A, %add3A_349] : memref<16x1000xf32, #tpu.memory_space<vmem>>[vector<16xi32>, vector<16xi32>], vector<16xf32>,
      %gt3A_352 = arith.cmpf ogt, %gather3A_350, %select_n3A_336 : vector<16xf32>
      %gt3A_353 = arith.cmpf ogt, %gather3A_351, %select_n3A_343 : vector<16xf32>
      %exp3A_354 = math.exp %gather3A_350 : vector<16xf32>
      %add3A_355 = arith.addf %add3A_333, %exp3A_354 : vector<16xf32>
      %mul3A_356 = arith.mulf %gather3A_350, %gather3A_350 : vector<16xf32>
      %add3A_357 = arith.addf %add3A_335, %mul3A_356 : vector<16xf32>
      %select_n3A_358 = arith.select %gt3A_352, %gather3A_350, %select_n3A_336 : vector<16xi1>, vector<16xf32>
      %broadcast_in_dim3A_359 = vector.broadcast %scan3A_347 : i32 to vector<16xi32>
      %select_n3A_360 = arith.select %gt3A_352, %broadcast_in_dim3A_359, %select_n3A_338 : vector<16xi1>, vector<16xi32>
      %exp3A_361 = math.exp %gather3A_351 : vector<16xf32>
      %add3A_362 = arith.addf %add3A_340, %exp3A_361 : vector<16xf32>
      %mul3A_363 = arith.mulf %gather3A_351, %gather3A_351 : vector<16xf32>
      %add3A_364 = arith.addf %add3A_342, %mul3A_363 : vector<16xf32>
      %select_n3A_365 = arith.select %gt3A_353, %gather3A_351, %select_n3A_343 : vector<16xi1>, vector<16xf32>
      %broadcast_in_dim3A_366 = vector.broadcast %scan3A_347 : i32 to vector<16xi32>
      %select_n3A_367 = arith.select %gt3A_353, %broadcast_in_dim3A_366, %select_n3A_345 : vector<16xi1>, vector<16xi32>
      %scan3A_368 = arith.constant 6 : i32
      %scan3A_369 = arith.addi %scan3A_232, %scan3A_368 : i32
      %add3A_370 = vector.broadcast %scan3A_369 : i32 to vector<16xi32>
      %add3A_371 = arith.addi %broadcast_in_dim3A_5, %add3A_370 : vector<16xi32>
      %gather3A_372 = tpu.vector_load_idx %arg5[%iota3A, %add3A_371] : memref<16x1000xf32, #tpu.memory_space<vmem>>[vector<16xi32>, vector<16xi32>], vector<16xf32>,
      %gather3A_373 = tpu.vector_load_idx %arg6[%iota3A, %add3A_371] : memref<16x1000xf32, #tpu.memory_space<vmem>>[vector<16xi32>, vector<16xi32>], vector<16xf32>,
      %gt3A_374 = arith.cmpf ogt, %gather3A_372, %select_n3A_358 : vector<16xf32>
      %gt3A_375 = arith.cmpf ogt, %gather3A_373, %select_n3A_365 : vector<16xf32>
      %exp3A_376 = math.exp %gather3A_372 : vector<16xf32>
      %add3A_377 = arith.addf %add3A_355, %exp3A_376 : vector<16xf32>
      %mul3A_378 = arith.mulf %gather3A_372, %gather3A_372 : vector<16xf32>
      %add3A_379 = arith.addf %add3A_357, %mul3A_378 : vector<16xf32>
      %select_n3A_380 = arith.select %gt3A_374, %gather3A_372, %select_n3A_358 : vector<16xi1>, vector<16xf32>
      %broadcast_in_dim3A_381 = vector.broadcast %scan3A_369 : i32 to vector<16xi32>
      %select_n3A_382 = arith.select %gt3A_374, %broadcast_in_dim3A_381, %select_n3A_360 : vector<16xi1>, vector<16xi32>
      %exp3A_383 = math.exp %gather3A_373 : vector<16xf32>
      %add3A_384 = arith.addf %add3A_362, %exp3A_383 : vector<16xf32>
      %mul3A_385 = arith.mulf %gather3A_373, %gather3A_373 : vector<16xf32>
      %add3A_386 = arith.addf %add3A_364, %mul3A_385 : vector<16xf32>
      %select_n3A_387 = arith.select %gt3A_375, %gather3A_373, %select_n3A_365 : vector<16xi1>, vector<16xf32>
      %broadcast_in_dim3A_388 = vector.broadcast %scan3A_369 : i32 to vector<16xi32>
      %select_n3A_389 = arith.select %gt3A_375, %broadcast_in_dim3A_388, %select_n3A_367 : vector<16xi1>, vector<16xi32>
      %scan3A_390 = arith.constant 7 : i32
      %scan3A_391 = arith.addi %scan3A_232, %scan3A_390 : i32
      %add3A_392 = vector.broadcast %scan3A_391 : i32 to vector<16xi32>
      %add3A_393 = arith.addi %broadcast_in_dim3A_5, %add3A_392 : vector<16xi32>
      %gather3A_394 = tpu.vector_load_idx %arg5[%iota3A, %add3A_393] : memref<16x1000xf32, #tpu.memory_space<vmem>>[vector<16xi32>, vector<16xi32>], vector<16xf32>,
      %gather3A_395 = tpu.vector_load_idx %arg6[%iota3A, %add3A_393] : memref<16x1000xf32, #tpu.memory_space<vmem>>[vector<16xi32>, vector<16xi32>], vector<16xf32>,
      %gt3A_396 = arith.cmpf ogt, %gather3A_394, %select_n3A_380 : vector<16xf32>
      %gt3A_397 = arith.cmpf ogt, %gather3A_395, %select_n3A_387 : vector<16xf32>
      %exp3A_398 = math.exp %gather3A_394 : vector<16xf32>
      %add3A_399 = arith.addf %add3A_377, %exp3A_398 : vector<16xf32>
      %mul3A_400 = arith.mulf %gather3A_394, %gather3A_394 : vector<16xf32>
      %add3A_401 = arith.addf %add3A_379, %mul3A_400 : vector<16xf32>
      %select_n3A_402 = arith.select %gt3A_396, %gather3A_394, %select_n3A_380 : vector<16xi1>, vector<16xf32>
      %broadcast_in_dim3A_403 = vector.broadcast %scan3A_391 : i32 to vector<16xi32>
      %select_n3A_404 = arith.select %gt3A_396, %broadcast_in_dim3A_403, %select_n3A_382 : vector<16xi1>, vector<16xi32>
      %exp3A_405 = math.exp %gather3A_395 : vector<16xf32>
      %add3A_406 = arith.addf %add3A_384, %exp3A_405 : vector<16xf32>
      %mul3A_407 = arith.mulf %gather3A_395, %gather3A_395 : vector<16xf32>
      %add3A_408 = arith.addf %add3A_386, %mul3A_407 : vector<16xf32>
      %select_n3A_409 = arith.select %gt3A_397, %gather3A_395, %select_n3A_387 : vector<16xi1>, vector<16xf32>
      %broadcast_in_dim3A_410 = vector.broadcast %scan3A_391 : i32 to vector<16xi32>
      %select_n3A_411 = arith.select %gt3A_397, %broadcast_in_dim3A_410, %select_n3A_389 : vector<16xi1>, vector<16xi32>
      scf.yield %add3A_399, %add3A_401, %select_n3A_402, %select_n3A_404, %add3A_406, %add3A_408, %select_n3A_409, %select_n3A_411 : vector<16xf32>, vector<16xf32>, vector<16xf32>, vector<16xi32>, vector<16xf32>, vector<16xf32>, vector<16xf32>, vector<16xi32>
    }
    %scan3A_71 = arith.constant 1000 : i32
    %get3A_72 = arith.constant 0 : index
    %get3A_73 = tpu.vector_load %arg7[%get3A_72] {strides = array<i32>} : memref<16xi32, #tpu.memory_space<vmem>>, vector<16xi32>,
    %gather3A_74 = tpu.vector_load_idx %arg5[%iota3A, %get3A_73] : memref<16x1000xf32, #tpu.memory_space<vmem>>[vector<16xi32>, vector<16xi32>], vector<16xf32>,
    %gather3A_75 = tpu.vector_load_idx %arg6[%iota3A, %get3A_73] : memref<16x1000xf32, #tpu.memory_space<vmem>>[vector<16xi32>, vector<16xi32>], vector<16xf32>,
    %gather3A_76 = tpu.vector_load_idx %arg5[%iota3A, %broadcast_in_dim3A_5] : memref<16x1000xf32, #tpu.memory_space<vmem>>[vector<16xi32>, vector<16xi32>], vector<16xf32>,
    %gather3A_77 = tpu.vector_load_idx %arg6[%iota3A, %broadcast_in_dim3A_5] : memref<16x1000xf32, #tpu.memory_space<vmem>>[vector<16xi32>, vector<16xi32>], vector<16xf32>,
    %gather3A_78 = tpu.vector_load_idx %arg5[%iota3A, %scan3A_70#7] : memref<16x1000xf32, #tpu.memory_space<vmem>>[vector<16xi32>, vector<16xi32>], vector<16xf32>,
    %gather3A_79 = tpu.vector_load_idx %arg6[%iota3A, %scan3A_70#3] : memref<16x1000xf32, #tpu.memory_space<vmem>>[vector<16xi32>, vector<16xi32>], vector<16xf32>,
    %swap3A_80 = arith.constant 0 : i32
    %swap3A_81 = arith.index_cast %swap3A_80 : i32 to index
    %swap3A_82 = arith.constant 16 : index
    %swap3A_83 = tpu.vector_load %arg8[%swap3A_81, %swap3A_82] {strides = array<i32>} : memref<8x64xf32, #tpu.memory_space<vmem>>, vector<16xf32>,
    tpu.vector_store %arg8[%swap3A_81, %swap3A_82], %scan3A_70#0 {strides = array<i32>} : memref<8x64xf32, #tpu.memory_space<vmem>>, vector<16xf32>,
    %swap3A_84 = arith.constant 1 : i32
    %swap3A_85 = arith.index_cast %swap3A_84 : i32 to index
    %swap3A_86 = arith.constant 16 : index
    %swap3A_87 = tpu.vector_load %arg8[%swap3A_85, %swap3A_86] {strides = array<i32>} : memref<8x64xf32, #tpu.memory_space<vmem>>, vector<16xf32>,
    tpu.vector_store %arg8[%swap3A_85, %swap3A_86], %scan3A_70#4 {strides = array<i32>} : memref<8x64xf32, #tpu.memory_space<vmem>>, vector<16xf32>,
    %swap3A_88 = arith.constant 2 : i32
    %swap3A_89 = arith.index_cast %swap3A_88 : i32 to index
    %swap3A_90 = arith.constant 16 : index
    %swap3A_91 = tpu.vector_load %arg8[%swap3A_89, %swap3A_90] {strides = array<i32>} : memref<8x64xf32, #tpu.memory_space<vmem>>, vector<16xf32>,
    tpu.vector_store %arg8[%swap3A_89, %swap3A_90], %gather3A_74 {strides = array<i32>} : memref<8x64xf32, #tpu.memory_space<vmem>>, vector<16xf32>,
    %swap3A_92 = arith.constant 3 : i32
    %swap3A_93 = arith.index_cast %swap3A_92 : i32 to index
    %swap3A_94 = arith.constant 16 : index
    %swap3A_95 = tpu.vector_load %arg8[%swap3A_93, %swap3A_94] {strides = array<i32>} : memref<8x64xf32, #tpu.memory_space<vmem>>, vector<16xf32>,
    tpu.vector_store %arg8[%swap3A_93, %swap3A_94], %gather3A_75 {strides = array<i32>} : memref<8x64xf32, #tpu.memory_space<vmem>>, vector<16xf32>,
    %mul3A_96 = arith.mulf %gather3A_76, %gather3A_76 : vector<16xf32>
    %sub3A_97 = arith.subf %scan3A_70#1, %mul3A_96 : vector<16xf32>
    %swap3A_98 = arith.constant 4 : i32
    %swap3A_99 = arith.index_cast %swap3A_98 : i32 to index
    %swap3A_100 = arith.constant 16 : index
    %swap3A_101 = tpu.vector_load %arg8[%swap3A_99, %swap3A_100] {strides = array<i32>} : memref<8x64xf32, #tpu.memory_space<vmem>>, vector<16xf32>,
    tpu.vector_store %arg8[%swap3A_99, %swap3A_100], %sub3A_97 {strides = array<i32>} : memref<8x64xf32, #tpu.memory_space<vmem>>, vector<16xf32>,
    %mul3A_102 = arith.mulf %gather3A_77, %gather3A_77 : vector<16xf32>
    %sub3A_103 = arith.subf %scan3A_70#5, %mul3A_102 : vector<16xf32>
    %swap3A_104 = arith.constant 5 : i32
    %swap3A_105 = arith.index_cast %swap3A_104 : i32 to index
    %swap3A_106 = arith.constant 16 : index
    %swap3A_107 = tpu.vector_load %arg8[%swap3A_105, %swap3A_106] {strides = array<i32>} : memref<8x64xf32, #tpu.memory_space<vmem>>, vector<16xf32>,
    tpu.vector_store %arg8[%swap3A_105, %swap3A_106], %sub3A_103 {strides = array<i32>} : memref<8x64xf32, #tpu.memory_space<vmem>>, vector<16xf32>,
    %swap3A_108 = arith.constant 6 : i32
    %swap3A_109 = arith.index_cast %swap3A_108 : i32 to index
    %swap3A_110 = arith.constant 16 : index
    %swap3A_111 = tpu.vector_load %arg8[%swap3A_109, %swap3A_110] {strides = array<i32>} : memref<8x64xf32, #tpu.memory_space<vmem>>, vector<16xf32>,
    tpu.vector_store %arg8[%swap3A_109, %swap3A_110], %gather3A_78 {strides = array<i32>} : memref<8x64xf32, #tpu.memory_space<vmem>>, vector<16xf32>,
    %swap3A_112 = arith.constant 7 : i32
    %swap3A_113 = arith.index_cast %swap3A_112 : i32 to index
    %swap3A_114 = arith.constant 16 : index
    %swap3A_115 = tpu.vector_load %arg8[%swap3A_113, %swap3A_114] {strides = array<i32>} : memref<8x64xf32, #tpu.memory_space<vmem>>, vector<16xf32>,
    tpu.vector_store %arg8[%swap3A_113, %swap3A_114], %gather3A_79 {strides = array<i32>} : memref<8x64xf32, #tpu.memory_space<vmem>>, vector<16xf32>,
    %add3A_116 = arith.constant 32 : i32
    %add3A_117 = arith.addi %add3A_4, %add3A_116 : i32
    %run_scoped3A_118 = arith.constant 0 : i32
    "tpu.region"() ({
      %run_scoped3A_232 = tpu.sem_alloc : memref<!tpu.dma_semaphore, #tpu.memory_space<semaphore_mem>>
      %dma_start3A = arith.constant 0 : i32
      %dma_start3A_233 = tpu.memref_slice %arg2[%run_scoped3A_118, %add3A_117, %dma_start3A] : memref<2x16384x1000xf32, #tpu.memory_space<hbm>> -> memref<1x16x1000xf32, #tpu.memory_space<hbm>>
      %dma_start3A_234 = tpu.memref_squeeze %dma_start3A_233 : memref<1x16x1000xf32, #tpu.memory_space<hbm>> -> memref<16x1000xf32, #tpu.memory_space<hbm>>
      %dma_start3A_235 = arith.constant 0 : i32
      %dma_start3A_236 = tpu.memref_slice %arg2[%run_scoped3A_118, %add3A_117, %dma_start3A_235] : memref<2x16384x1000xf32, #tpu.memory_space<hbm>> -> memref<1x16x1000xf32, #tpu.memory_space<hbm>>
      %dma_start3A_237 = tpu.memref_squeeze %dma_start3A_236 : memref<1x16x1000xf32, #tpu.memory_space<hbm>> -> memref<16x1000xf32, #tpu.memory_space<hbm>>
      tpu.enqueue_dma source(%dma_start3A_237 : memref<16x1000xf32, #tpu.memory_space<hbm>>) target(%arg5 : memref<16x1000xf32, #tpu.memory_space<vmem>>) target_semaphore(%run_scoped3A_232 : memref<!tpu.dma_semaphore, #tpu.memory_space<semaphore_mem>>)
      %dma_wait3A = arith.constant 0 : i32
      %dma_wait3A_238 = tpu.memref_slice %arg2[%run_scoped3A_118, %add3A_117, %dma_wait3A] : memref<2x16384x1000xf32, #tpu.memory_space<hbm>> -> memref<1x16x1000xf32, #tpu.memory_space<hbm>>
      %dma_wait3A_239 = tpu.memref_squeeze %dma_wait3A_238 : memref<1x16x1000xf32, #tpu.memory_space<hbm>> -> memref<16x1000xf32, #tpu.memory_space<hbm>>
      %dma_wait3A_240 = arith.constant 0 : i32
      %dma_wait3A_241 = tpu.memref_slice %arg2[%run_scoped3A_118, %add3A_117, %dma_wait3A_240] : memref<2x16384x1000xf32, #tpu.memory_space<hbm>> -> memref<1x16x1000xf32, #tpu.memory_space<hbm>>
      %dma_wait3A_242 = tpu.memref_squeeze %dma_wait3A_241 : memref<1x16x1000xf32, #tpu.memory_space<hbm>> -> memref<16x1000xf32, #tpu.memory_space<hbm>>
      tpu.wait_dma2 semaphore(%run_scoped3A_232 : memref<!tpu.dma_semaphore, #tpu.memory_space<semaphore_mem>>) src(%dma_wait3A_242 : memref<16x1000xf32, #tpu.memory_space<hbm>>) dst(%arg5 : memref<16x1000xf32, #tpu.memory_space<vmem>>)
      tpu.yield
    }) : () -> ()
    %run_scoped3A_119 = arith.constant 1 : i32
    "tpu.region"() ({
      %run_scoped3A_232 = tpu.sem_alloc : memref<!tpu.dma_semaphore, #tpu.memory_space<semaphore_mem>>
      %dma_start3A = arith.constant 0 : i32
      %dma_start3A_233 = tpu.memref_slice %arg2[%run_scoped3A_119, %add3A_117, %dma_start3A] : memref<2x16384x1000xf32, #tpu.memory_space<hbm>> -> memref<1x16x1000xf32, #tpu.memory_space<hbm>>
      %dma_start3A_234 = tpu.memref_squeeze %dma_start3A_233 : memref<1x16x1000xf32, #tpu.memory_space<hbm>> -> memref<16x1000xf32, #tpu.memory_space<hbm>>
      %dma_start3A_235 = arith.constant 0 : i32
      %dma_start3A_236 = tpu.memref_slice %arg2[%run_scoped3A_119, %add3A_117, %dma_start3A_235] : memref<2x16384x1000xf32, #tpu.memory_space<hbm>> -> memref<1x16x1000xf32, #tpu.memory_space<hbm>>
      %dma_start3A_237 = tpu.memref_squeeze %dma_start3A_236 : memref<1x16x1000xf32, #tpu.memory_space<hbm>> -> memref<16x1000xf32, #tpu.memory_space<hbm>>
      tpu.enqueue_dma source(%dma_start3A_237 : memref<16x1000xf32, #tpu.memory_space<hbm>>) target(%arg6 : memref<16x1000xf32, #tpu.memory_space<vmem>>) target_semaphore(%run_scoped3A_232 : memref<!tpu.dma_semaphore, #tpu.memory_space<semaphore_mem>>)
      %dma_wait3A = arith.constant 0 : i32
      %dma_wait3A_238 = tpu.memref_slice %arg2[%run_scoped3A_119, %add3A_117, %dma_wait3A] : memref<2x16384x1000xf32, #tpu.memory_space<hbm>> -> memref<1x16x1000xf32, #tpu.memory_space<hbm>>
      %dma_wait3A_239 = tpu.memref_squeeze %dma_wait3A_238 : memref<1x16x1000xf32, #tpu.memory_space<hbm>> -> memref<16x1000xf32, #tpu.memory_space<hbm>>
      %dma_wait3A_240 = arith.constant 0 : i32
      %dma_wait3A_241 = tpu.memref_slice %arg2[%run_scoped3A_119, %add3A_117, %dma_wait3A_240] : memref<2x16384x1000xf32, #tpu.memory_space<hbm>> -> memref<1x16x1000xf32, #tpu.memory_space<hbm>>
      %dma_wait3A_242 = tpu.memref_squeeze %dma_wait3A_241 : memref<1x16x1000xf32, #tpu.memory_space<hbm>> -> memref<16x1000xf32, #tpu.memory_space<hbm>>
      tpu.wait_dma2 semaphore(%run_scoped3A_232 : memref<!tpu.dma_semaphore, #tpu.memory_space<semaphore_mem>>) src(%dma_wait3A_242 : memref<16x1000xf32, #tpu.memory_space<hbm>>) dst(%arg6 : memref<16x1000xf32, #tpu.memory_space<vmem>>)
      tpu.yield
    }) : () -> ()
    "tpu.region"() ({
      %run_scoped3A_232 = tpu.sem_alloc : memref<!tpu.dma_semaphore, #tpu.memory_space<semaphore_mem>>
      %dma_start3A = tpu.memref_slice %arg3[%add3A_117] : memref<16384xi32, #tpu.memory_space<hbm>> -> memref<16xi32, #tpu.memory_space<hbm>>
      %dma_start3A_233 = tpu.memref_slice %arg3[%add3A_117] : memref<16384xi32, #tpu.memory_space<hbm>> -> memref<16xi32, #tpu.memory_space<hbm>>
      tpu.enqueue_dma source(%dma_start3A_233 : memref<16xi32, #tpu.memory_space<hbm>>) target(%arg7 : memref<16xi32, #tpu.memory_space<vmem>>) target_semaphore(%run_scoped3A_232 : memref<!tpu.dma_semaphore, #tpu.memory_space<semaphore_mem>>)
      %dma_wait3A = tpu.memref_slice %arg3[%add3A_117] : memref<16384xi32, #tpu.memory_space<hbm>> -> memref<16xi32, #tpu.memory_space<hbm>>
      %dma_wait3A_234 = tpu.memref_slice %arg3[%add3A_117] : memref<16384xi32, #tpu.memory_space<hbm>> -> memref<16xi32, #tpu.memory_space<hbm>>
      tpu.wait_dma2 semaphore(%run_scoped3A_232 : memref<!tpu.dma_semaphore, #tpu.memory_space<semaphore_mem>>) src(%dma_wait3A_234 : memref<16xi32, #tpu.memory_space<hbm>>) dst(%arg7 : memref<16xi32, #tpu.memory_space<vmem>>)
      tpu.yield
    }) : () -> ()
    %broadcast_in_dim3A_120 = arith.constant 0.000000e+00 : f32
    %broadcast_in_dim3A_121 = vector.broadcast %broadcast_in_dim3A_120 : f32 to vector<16xf32>
    %broadcast_in_dim3A_122 = arith.constant -3.000000e+38 : f32
    %broadcast_in_dim3A_123 = vector.broadcast %broadcast_in_dim3A_122 : f32 to vector<16xf32>
    %scan3A_124 = arith.constant 0 : i32
    %scan3A_125 = arith.constant 1000 : i32
    %scan3A_126 = arith.addi %scan3A_124, %scan3A_125 : i32
    %scan3A_127 = arith.constant 8 : i32
    %scan3A_128:8 = scf.for %scan3A_232 = %scan3A_124 to %scan3A_126 step %scan3A_127 iter_args(%scan3A_233 = %broadcast_in_dim3A_121, %scan3A_234 = %broadcast_in_dim3A_121, %scan3A_235 = %broadcast_in_dim3A_123, %scan3A_236 = %broadcast_in_dim3A_5, %scan3A_237 = %broadcast_in_dim3A_121, %scan3A_238 = %broadcast_in_dim3A_121, %scan3A_239 = %broadcast_in_dim3A_123, %scan3A_240 = %broadcast_in_dim3A_5) -> (vector<16xf32>, vector<16xf32>, vector<16xf32>, vector<16xi32>, vector<16xf32>, vector<16xf32>, vector<16xf32>, vector<16xi32>)  : i32 {
      %add3A_241 = vector.broadcast %scan3A_232 : i32 to vector<16xi32>
      %add3A_242 = arith.addi %broadcast_in_dim3A_5, %add3A_241 : vector<16xi32>
      %gather3A_243 = tpu.vector_load_idx %arg5[%iota3A, %add3A_242] : memref<16x1000xf32, #tpu.memory_space<vmem>>[vector<16xi32>, vector<16xi32>], vector<16xf32>,
      %gather3A_244 = tpu.vector_load_idx %arg6[%iota3A, %add3A_242] : memref<16x1000xf32, #tpu.memory_space<vmem>>[vector<16xi32>, vector<16xi32>], vector<16xf32>,
      %gt3A = arith.cmpf ogt, %gather3A_243, %scan3A_235 : vector<16xf32>
      %gt3A_245 = arith.cmpf ogt, %gather3A_244, %scan3A_239 : vector<16xf32>
      %exp3A = math.exp %gather3A_243 : vector<16xf32>
      %add3A_246 = arith.addf %scan3A_233, %exp3A : vector<16xf32>
      %mul3A_247 = arith.mulf %gather3A_243, %gather3A_243 : vector<16xf32>
      %add3A_248 = arith.addf %scan3A_234, %mul3A_247 : vector<16xf32>
      %select_n3A = arith.select %gt3A, %gather3A_243, %scan3A_235 : vector<16xi1>, vector<16xf32>
      %broadcast_in_dim3A_249 = vector.broadcast %scan3A_232 : i32 to vector<16xi32>
      %select_n3A_250 = arith.select %gt3A, %broadcast_in_dim3A_249, %scan3A_236 : vector<16xi1>, vector<16xi32>
      %exp3A_251 = math.exp %gather3A_244 : vector<16xf32>
      %add3A_252 = arith.addf %scan3A_237, %exp3A_251 : vector<16xf32>
      %mul3A_253 = arith.mulf %gather3A_244, %gather3A_244 : vector<16xf32>
      %add3A_254 = arith.addf %scan3A_238, %mul3A_253 : vector<16xf32>
      %select_n3A_255 = arith.select %gt3A_245, %gather3A_244, %scan3A_239 : vector<16xi1>, vector<16xf32>
      %broadcast_in_dim3A_256 = vector.broadcast %scan3A_232 : i32 to vector<16xi32>
      %select_n3A_257 = arith.select %gt3A_245, %broadcast_in_dim3A_256, %scan3A_240 : vector<16xi1>, vector<16xi32>
      %scan3A_258 = arith.constant 1 : i32
      %scan3A_259 = arith.addi %scan3A_232, %scan3A_258 : i32
      %add3A_260 = vector.broadcast %scan3A_259 : i32 to vector<16xi32>
      %add3A_261 = arith.addi %broadcast_in_dim3A_5, %add3A_260 : vector<16xi32>
      %gather3A_262 = tpu.vector_load_idx %arg5[%iota3A, %add3A_261] : memref<16x1000xf32, #tpu.memory_space<vmem>>[vector<16xi32>, vector<16xi32>], vector<16xf32>,
      %gather3A_263 = tpu.vector_load_idx %arg6[%iota3A, %add3A_261] : memref<16x1000xf32, #tpu.memory_space<vmem>>[vector<16xi32>, vector<16xi32>], vector<16xf32>,
      %gt3A_264 = arith.cmpf ogt, %gather3A_262, %select_n3A : vector<16xf32>
      %gt3A_265 = arith.cmpf ogt, %gather3A_263, %select_n3A_255 : vector<16xf32>
      %exp3A_266 = math.exp %gather3A_262 : vector<16xf32>
      %add3A_267 = arith.addf %add3A_246, %exp3A_266 : vector<16xf32>
      %mul3A_268 = arith.mulf %gather3A_262, %gather3A_262 : vector<16xf32>
      %add3A_269 = arith.addf %add3A_248, %mul3A_268 : vector<16xf32>
      %select_n3A_270 = arith.select %gt3A_264, %gather3A_262, %select_n3A : vector<16xi1>, vector<16xf32>
      %broadcast_in_dim3A_271 = vector.broadcast %scan3A_259 : i32 to vector<16xi32>
      %select_n3A_272 = arith.select %gt3A_264, %broadcast_in_dim3A_271, %select_n3A_250 : vector<16xi1>, vector<16xi32>
      %exp3A_273 = math.exp %gather3A_263 : vector<16xf32>
      %add3A_274 = arith.addf %add3A_252, %exp3A_273 : vector<16xf32>
      %mul3A_275 = arith.mulf %gather3A_263, %gather3A_263 : vector<16xf32>
      %add3A_276 = arith.addf %add3A_254, %mul3A_275 : vector<16xf32>
      %select_n3A_277 = arith.select %gt3A_265, %gather3A_263, %select_n3A_255 : vector<16xi1>, vector<16xf32>
      %broadcast_in_dim3A_278 = vector.broadcast %scan3A_259 : i32 to vector<16xi32>
      %select_n3A_279 = arith.select %gt3A_265, %broadcast_in_dim3A_278, %select_n3A_257 : vector<16xi1>, vector<16xi32>
      %scan3A_280 = arith.constant 2 : i32
      %scan3A_281 = arith.addi %scan3A_232, %scan3A_280 : i32
      %add3A_282 = vector.broadcast %scan3A_281 : i32 to vector<16xi32>
      %add3A_283 = arith.addi %broadcast_in_dim3A_5, %add3A_282 : vector<16xi32>
      %gather3A_284 = tpu.vector_load_idx %arg5[%iota3A, %add3A_283] : memref<16x1000xf32, #tpu.memory_space<vmem>>[vector<16xi32>, vector<16xi32>], vector<16xf32>,
      %gather3A_285 = tpu.vector_load_idx %arg6[%iota3A, %add3A_283] : memref<16x1000xf32, #tpu.memory_space<vmem>>[vector<16xi32>, vector<16xi32>], vector<16xf32>,
      %gt3A_286 = arith.cmpf ogt, %gather3A_284, %select_n3A_270 : vector<16xf32>
      %gt3A_287 = arith.cmpf ogt, %gather3A_285, %select_n3A_277 : vector<16xf32>
      %exp3A_288 = math.exp %gather3A_284 : vector<16xf32>
      %add3A_289 = arith.addf %add3A_267, %exp3A_288 : vector<16xf32>
      %mul3A_290 = arith.mulf %gather3A_284, %gather3A_284 : vector<16xf32>
      %add3A_291 = arith.addf %add3A_269, %mul3A_290 : vector<16xf32>
      %select_n3A_292 = arith.select %gt3A_286, %gather3A_284, %select_n3A_270 : vector<16xi1>, vector<16xf32>
      %broadcast_in_dim3A_293 = vector.broadcast %scan3A_281 : i32 to vector<16xi32>
      %select_n3A_294 = arith.select %gt3A_286, %broadcast_in_dim3A_293, %select_n3A_272 : vector<16xi1>, vector<16xi32>
      %exp3A_295 = math.exp %gather3A_285 : vector<16xf32>
      %add3A_296 = arith.addf %add3A_274, %exp3A_295 : vector<16xf32>
      %mul3A_297 = arith.mulf %gather3A_285, %gather3A_285 : vector<16xf32>
      %add3A_298 = arith.addf %add3A_276, %mul3A_297 : vector<16xf32>
      %select_n3A_299 = arith.select %gt3A_287, %gather3A_285, %select_n3A_277 : vector<16xi1>, vector<16xf32>
      %broadcast_in_dim3A_300 = vector.broadcast %scan3A_281 : i32 to vector<16xi32>
      %select_n3A_301 = arith.select %gt3A_287, %broadcast_in_dim3A_300, %select_n3A_279 : vector<16xi1>, vector<16xi32>
      %scan3A_302 = arith.constant 3 : i32
      %scan3A_303 = arith.addi %scan3A_232, %scan3A_302 : i32
      %add3A_304 = vector.broadcast %scan3A_303 : i32 to vector<16xi32>
      %add3A_305 = arith.addi %broadcast_in_dim3A_5, %add3A_304 : vector<16xi32>
      %gather3A_306 = tpu.vector_load_idx %arg5[%iota3A, %add3A_305] : memref<16x1000xf32, #tpu.memory_space<vmem>>[vector<16xi32>, vector<16xi32>], vector<16xf32>,
      %gather3A_307 = tpu.vector_load_idx %arg6[%iota3A, %add3A_305] : memref<16x1000xf32, #tpu.memory_space<vmem>>[vector<16xi32>, vector<16xi32>], vector<16xf32>,
      %gt3A_308 = arith.cmpf ogt, %gather3A_306, %select_n3A_292 : vector<16xf32>
      %gt3A_309 = arith.cmpf ogt, %gather3A_307, %select_n3A_299 : vector<16xf32>
      %exp3A_310 = math.exp %gather3A_306 : vector<16xf32>
      %add3A_311 = arith.addf %add3A_289, %exp3A_310 : vector<16xf32>
      %mul3A_312 = arith.mulf %gather3A_306, %gather3A_306 : vector<16xf32>
      %add3A_313 = arith.addf %add3A_291, %mul3A_312 : vector<16xf32>
      %select_n3A_314 = arith.select %gt3A_308, %gather3A_306, %select_n3A_292 : vector<16xi1>, vector<16xf32>
      %broadcast_in_dim3A_315 = vector.broadcast %scan3A_303 : i32 to vector<16xi32>
      %select_n3A_316 = arith.select %gt3A_308, %broadcast_in_dim3A_315, %select_n3A_294 : vector<16xi1>, vector<16xi32>
      %exp3A_317 = math.exp %gather3A_307 : vector<16xf32>
      %add3A_318 = arith.addf %add3A_296, %exp3A_317 : vector<16xf32>
      %mul3A_319 = arith.mulf %gather3A_307, %gather3A_307 : vector<16xf32>
      %add3A_320 = arith.addf %add3A_298, %mul3A_319 : vector<16xf32>
      %select_n3A_321 = arith.select %gt3A_309, %gather3A_307, %select_n3A_299 : vector<16xi1>, vector<16xf32>
      %broadcast_in_dim3A_322 = vector.broadcast %scan3A_303 : i32 to vector<16xi32>
      %select_n3A_323 = arith.select %gt3A_309, %broadcast_in_dim3A_322, %select_n3A_301 : vector<16xi1>, vector<16xi32>
      %scan3A_324 = arith.constant 4 : i32
      %scan3A_325 = arith.addi %scan3A_232, %scan3A_324 : i32
      %add3A_326 = vector.broadcast %scan3A_325 : i32 to vector<16xi32>
      %add3A_327 = arith.addi %broadcast_in_dim3A_5, %add3A_326 : vector<16xi32>
      %gather3A_328 = tpu.vector_load_idx %arg5[%iota3A, %add3A_327] : memref<16x1000xf32, #tpu.memory_space<vmem>>[vector<16xi32>, vector<16xi32>], vector<16xf32>,
      %gather3A_329 = tpu.vector_load_idx %arg6[%iota3A, %add3A_327] : memref<16x1000xf32, #tpu.memory_space<vmem>>[vector<16xi32>, vector<16xi32>], vector<16xf32>,
      %gt3A_330 = arith.cmpf ogt, %gather3A_328, %select_n3A_314 : vector<16xf32>
      %gt3A_331 = arith.cmpf ogt, %gather3A_329, %select_n3A_321 : vector<16xf32>
      %exp3A_332 = math.exp %gather3A_328 : vector<16xf32>
      %add3A_333 = arith.addf %add3A_311, %exp3A_332 : vector<16xf32>
      %mul3A_334 = arith.mulf %gather3A_328, %gather3A_328 : vector<16xf32>
      %add3A_335 = arith.addf %add3A_313, %mul3A_334 : vector<16xf32>
      %select_n3A_336 = arith.select %gt3A_330, %gather3A_328, %select_n3A_314 : vector<16xi1>, vector<16xf32>
      %broadcast_in_dim3A_337 = vector.broadcast %scan3A_325 : i32 to vector<16xi32>
      %select_n3A_338 = arith.select %gt3A_330, %broadcast_in_dim3A_337, %select_n3A_316 : vector<16xi1>, vector<16xi32>
      %exp3A_339 = math.exp %gather3A_329 : vector<16xf32>
      %add3A_340 = arith.addf %add3A_318, %exp3A_339 : vector<16xf32>
      %mul3A_341 = arith.mulf %gather3A_329, %gather3A_329 : vector<16xf32>
      %add3A_342 = arith.addf %add3A_320, %mul3A_341 : vector<16xf32>
      %select_n3A_343 = arith.select %gt3A_331, %gather3A_329, %select_n3A_321 : vector<16xi1>, vector<16xf32>
      %broadcast_in_dim3A_344 = vector.broadcast %scan3A_325 : i32 to vector<16xi32>
      %select_n3A_345 = arith.select %gt3A_331, %broadcast_in_dim3A_344, %select_n3A_323 : vector<16xi1>, vector<16xi32>
      %scan3A_346 = arith.constant 5 : i32
      %scan3A_347 = arith.addi %scan3A_232, %scan3A_346 : i32
      %add3A_348 = vector.broadcast %scan3A_347 : i32 to vector<16xi32>
      %add3A_349 = arith.addi %broadcast_in_dim3A_5, %add3A_348 : vector<16xi32>
      %gather3A_350 = tpu.vector_load_idx %arg5[%iota3A, %add3A_349] : memref<16x1000xf32, #tpu.memory_space<vmem>>[vector<16xi32>, vector<16xi32>], vector<16xf32>,
      %gather3A_351 = tpu.vector_load_idx %arg6[%iota3A, %add3A_349] : memref<16x1000xf32, #tpu.memory_space<vmem>>[vector<16xi32>, vector<16xi32>], vector<16xf32>,
      %gt3A_352 = arith.cmpf ogt, %gather3A_350, %select_n3A_336 : vector<16xf32>
      %gt3A_353 = arith.cmpf ogt, %gather3A_351, %select_n3A_343 : vector<16xf32>
      %exp3A_354 = math.exp %gather3A_350 : vector<16xf32>
      %add3A_355 = arith.addf %add3A_333, %exp3A_354 : vector<16xf32>
      %mul3A_356 = arith.mulf %gather3A_350, %gather3A_350 : vector<16xf32>
      %add3A_357 = arith.addf %add3A_335, %mul3A_356 : vector<16xf32>
      %select_n3A_358 = arith.select %gt3A_352, %gather3A_350, %select_n3A_336 : vector<16xi1>, vector<16xf32>
      %broadcast_in_dim3A_359 = vector.broadcast %scan3A_347 : i32 to vector<16xi32>
      %select_n3A_360 = arith.select %gt3A_352, %broadcast_in_dim3A_359, %select_n3A_338 : vector<16xi1>, vector<16xi32>
      %exp3A_361 = math.exp %gather3A_351 : vector<16xf32>
      %add3A_362 = arith.addf %add3A_340, %exp3A_361 : vector<16xf32>
      %mul3A_363 = arith.mulf %gather3A_351, %gather3A_351 : vector<16xf32>
      %add3A_364 = arith.addf %add3A_342, %mul3A_363 : vector<16xf32>
      %select_n3A_365 = arith.select %gt3A_353, %gather3A_351, %select_n3A_343 : vector<16xi1>, vector<16xf32>
      %broadcast_in_dim3A_366 = vector.broadcast %scan3A_347 : i32 to vector<16xi32>
      %select_n3A_367 = arith.select %gt3A_353, %broadcast_in_dim3A_366, %select_n3A_345 : vector<16xi1>, vector<16xi32>
      %scan3A_368 = arith.constant 6 : i32
      %scan3A_369 = arith.addi %scan3A_232, %scan3A_368 : i32
      %add3A_370 = vector.broadcast %scan3A_369 : i32 to vector<16xi32>
      %add3A_371 = arith.addi %broadcast_in_dim3A_5, %add3A_370 : vector<16xi32>
      %gather3A_372 = tpu.vector_load_idx %arg5[%iota3A, %add3A_371] : memref<16x1000xf32, #tpu.memory_space<vmem>>[vector<16xi32>, vector<16xi32>], vector<16xf32>,
      %gather3A_373 = tpu.vector_load_idx %arg6[%iota3A, %add3A_371] : memref<16x1000xf32, #tpu.memory_space<vmem>>[vector<16xi32>, vector<16xi32>], vector<16xf32>,
      %gt3A_374 = arith.cmpf ogt, %gather3A_372, %select_n3A_358 : vector<16xf32>
      %gt3A_375 = arith.cmpf ogt, %gather3A_373, %select_n3A_365 : vector<16xf32>
      %exp3A_376 = math.exp %gather3A_372 : vector<16xf32>
      %add3A_377 = arith.addf %add3A_355, %exp3A_376 : vector<16xf32>
      %mul3A_378 = arith.mulf %gather3A_372, %gather3A_372 : vector<16xf32>
      %add3A_379 = arith.addf %add3A_357, %mul3A_378 : vector<16xf32>
      %select_n3A_380 = arith.select %gt3A_374, %gather3A_372, %select_n3A_358 : vector<16xi1>, vector<16xf32>
      %broadcast_in_dim3A_381 = vector.broadcast %scan3A_369 : i32 to vector<16xi32>
      %select_n3A_382 = arith.select %gt3A_374, %broadcast_in_dim3A_381, %select_n3A_360 : vector<16xi1>, vector<16xi32>
      %exp3A_383 = math.exp %gather3A_373 : vector<16xf32>
      %add3A_384 = arith.addf %add3A_362, %exp3A_383 : vector<16xf32>
      %mul3A_385 = arith.mulf %gather3A_373, %gather3A_373 : vector<16xf32>
      %add3A_386 = arith.addf %add3A_364, %mul3A_385 : vector<16xf32>
      %select_n3A_387 = arith.select %gt3A_375, %gather3A_373, %select_n3A_365 : vector<16xi1>, vector<16xf32>
      %broadcast_in_dim3A_388 = vector.broadcast %scan3A_369 : i32 to vector<16xi32>
      %select_n3A_389 = arith.select %gt3A_375, %broadcast_in_dim3A_388, %select_n3A_367 : vector<16xi1>, vector<16xi32>
      %scan3A_390 = arith.constant 7 : i32
      %scan3A_391 = arith.addi %scan3A_232, %scan3A_390 : i32
      %add3A_392 = vector.broadcast %scan3A_391 : i32 to vector<16xi32>
      %add3A_393 = arith.addi %broadcast_in_dim3A_5, %add3A_392 : vector<16xi32>
      %gather3A_394 = tpu.vector_load_idx %arg5[%iota3A, %add3A_393] : memref<16x1000xf32, #tpu.memory_space<vmem>>[vector<16xi32>, vector<16xi32>], vector<16xf32>,
      %gather3A_395 = tpu.vector_load_idx %arg6[%iota3A, %add3A_393] : memref<16x1000xf32, #tpu.memory_space<vmem>>[vector<16xi32>, vector<16xi32>], vector<16xf32>,
      %gt3A_396 = arith.cmpf ogt, %gather3A_394, %select_n3A_380 : vector<16xf32>
      %gt3A_397 = arith.cmpf ogt, %gather3A_395, %select_n3A_387 : vector<16xf32>
      %exp3A_398 = math.exp %gather3A_394 : vector<16xf32>
      %add3A_399 = arith.addf %add3A_377, %exp3A_398 : vector<16xf32>
      %mul3A_400 = arith.mulf %gather3A_394, %gather3A_394 : vector<16xf32>
      %add3A_401 = arith.addf %add3A_379, %mul3A_400 : vector<16xf32>
      %select_n3A_402 = arith.select %gt3A_396, %gather3A_394, %select_n3A_380 : vector<16xi1>, vector<16xf32>
      %broadcast_in_dim3A_403 = vector.broadcast %scan3A_391 : i32 to vector<16xi32>
      %select_n3A_404 = arith.select %gt3A_396, %broadcast_in_dim3A_403, %select_n3A_382 : vector<16xi1>, vector<16xi32>
      %exp3A_405 = math.exp %gather3A_395 : vector<16xf32>
      %add3A_406 = arith.addf %add3A_384, %exp3A_405 : vector<16xf32>
      %mul3A_407 = arith.mulf %gather3A_395, %gather3A_395 : vector<16xf32>
      %add3A_408 = arith.addf %add3A_386, %mul3A_407 : vector<16xf32>
      %select_n3A_409 = arith.select %gt3A_397, %gather3A_395, %select_n3A_387 : vector<16xi1>, vector<16xf32>
      %broadcast_in_dim3A_410 = vector.broadcast %scan3A_391 : i32 to vector<16xi32>
      %select_n3A_411 = arith.select %gt3A_397, %broadcast_in_dim3A_410, %select_n3A_389 : vector<16xi1>, vector<16xi32>
      scf.yield %add3A_399, %add3A_401, %select_n3A_402, %select_n3A_404, %add3A_406, %add3A_408, %select_n3A_409, %select_n3A_411 : vector<16xf32>, vector<16xf32>, vector<16xf32>, vector<16xi32>, vector<16xf32>, vector<16xf32>, vector<16xf32>, vector<16xi32>
    }
    %scan3A_129 = arith.constant 1000 : i32
    %get3A_130 = arith.constant 0 : index
    %get3A_131 = tpu.vector_load %arg7[%get3A_130] {strides = array<i32>} : memref<16xi32, #tpu.memory_space<vmem>>, vector<16xi32>,
    %gather3A_132 = tpu.vector_load_idx %arg5[%iota3A, %get3A_131] : memref<16x1000xf32, #tpu.memory_space<vmem>>[vector<16xi32>, vector<16xi32>], vector<16xf32>,
    %gather3A_133 = tpu.vector_load_idx %arg6[%iota3A, %get3A_131] : memref<16x1000xf32, #tpu.memory_space<vmem>>[vector<16xi32>, vector<16xi32>], vector<16xf32>,
    %gather3A_134 = tpu.vector_load_idx %arg5[%iota3A, %broadcast_in_dim3A_5] : memref<16x1000xf32, #tpu.memory_space<vmem>>[vector<16xi32>, vector<16xi32>], vector<16xf32>,
    %gather3A_135 = tpu.vector_load_idx %arg6[%iota3A, %broadcast_in_dim3A_5] : memref<16x1000xf32, #tpu.memory_space<vmem>>[vector<16xi32>, vector<16xi32>], vector<16xf32>,
    %gather3A_136 = tpu.vector_load_idx %arg5[%iota3A, %scan3A_128#7] : memref<16x1000xf32, #tpu.memory_space<vmem>>[vector<16xi32>, vector<16xi32>], vector<16xf32>,
    %gather3A_137 = tpu.vector_load_idx %arg6[%iota3A, %scan3A_128#3] : memref<16x1000xf32, #tpu.memory_space<vmem>>[vector<16xi32>, vector<16xi32>], vector<16xf32>,
    %swap3A_138 = arith.constant 0 : i32
    %swap3A_139 = arith.index_cast %swap3A_138 : i32 to index
    %swap3A_140 = arith.constant 32 : index
    %swap3A_141 = tpu.vector_load %arg8[%swap3A_139, %swap3A_140] {strides = array<i32>} : memref<8x64xf32, #tpu.memory_space<vmem>>, vector<16xf32>,
    tpu.vector_store %arg8[%swap3A_139, %swap3A_140], %scan3A_128#0 {strides = array<i32>} : memref<8x64xf32, #tpu.memory_space<vmem>>, vector<16xf32>,
    %swap3A_142 = arith.constant 1 : i32
    %swap3A_143 = arith.index_cast %swap3A_142 : i32 to index
    %swap3A_144 = arith.constant 32 : index
    %swap3A_145 = tpu.vector_load %arg8[%swap3A_143, %swap3A_144] {strides = array<i32>} : memref<8x64xf32, #tpu.memory_space<vmem>>, vector<16xf32>,
    tpu.vector_store %arg8[%swap3A_143, %swap3A_144], %scan3A_128#4 {strides = array<i32>} : memref<8x64xf32, #tpu.memory_space<vmem>>, vector<16xf32>,
    %swap3A_146 = arith.constant 2 : i32
    %swap3A_147 = arith.index_cast %swap3A_146 : i32 to index
    %swap3A_148 = arith.constant 32 : index
    %swap3A_149 = tpu.vector_load %arg8[%swap3A_147, %swap3A_148] {strides = array<i32>} : memref<8x64xf32, #tpu.memory_space<vmem>>, vector<16xf32>,
    tpu.vector_store %arg8[%swap3A_147, %swap3A_148], %gather3A_132 {strides = array<i32>} : memref<8x64xf32, #tpu.memory_space<vmem>>, vector<16xf32>,
    %swap3A_150 = arith.constant 3 : i32
    %swap3A_151 = arith.index_cast %swap3A_150 : i32 to index
    %swap3A_152 = arith.constant 32 : index
    %swap3A_153 = tpu.vector_load %arg8[%swap3A_151, %swap3A_152] {strides = array<i32>} : memref<8x64xf32, #tpu.memory_space<vmem>>, vector<16xf32>,
    tpu.vector_store %arg8[%swap3A_151, %swap3A_152], %gather3A_133 {strides = array<i32>} : memref<8x64xf32, #tpu.memory_space<vmem>>, vector<16xf32>,
    %mul3A_154 = arith.mulf %gather3A_134, %gather3A_134 : vector<16xf32>
    %sub3A_155 = arith.subf %scan3A_128#1, %mul3A_154 : vector<16xf32>
    %swap3A_156 = arith.constant 4 : i32
    %swap3A_157 = arith.index_cast %swap3A_156 : i32 to index
    %swap3A_158 = arith.constant 32 : index
    %swap3A_159 = tpu.vector_load %arg8[%swap3A_157, %swap3A_158] {strides = array<i32>} : memref<8x64xf32, #tpu.memory_space<vmem>>, vector<16xf32>,
    tpu.vector_store %arg8[%swap3A_157, %swap3A_158], %sub3A_155 {strides = array<i32>} : memref<8x64xf32, #tpu.memory_space<vmem>>, vector<16xf32>,
    %mul3A_160 = arith.mulf %gather3A_135, %gather3A_135 : vector<16xf32>
    %sub3A_161 = arith.subf %scan3A_128#5, %mul3A_160 : vector<16xf32>
    %swap3A_162 = arith.constant 5 : i32
    %swap3A_163 = arith.index_cast %swap3A_162 : i32 to index
    %swap3A_164 = arith.constant 32 : index
    %swap3A_165 = tpu.vector_load %arg8[%swap3A_163, %swap3A_164] {strides = array<i32>} : memref<8x64xf32, #tpu.memory_space<vmem>>, vector<16xf32>,
    tpu.vector_store %arg8[%swap3A_163, %swap3A_164], %sub3A_161 {strides = array<i32>} : memref<8x64xf32, #tpu.memory_space<vmem>>, vector<16xf32>,
    %swap3A_166 = arith.constant 6 : i32
    %swap3A_167 = arith.index_cast %swap3A_166 : i32 to index
    %swap3A_168 = arith.constant 32 : index
    %swap3A_169 = tpu.vector_load %arg8[%swap3A_167, %swap3A_168] {strides = array<i32>} : memref<8x64xf32, #tpu.memory_space<vmem>>, vector<16xf32>,
    tpu.vector_store %arg8[%swap3A_167, %swap3A_168], %gather3A_136 {strides = array<i32>} : memref<8x64xf32, #tpu.memory_space<vmem>>, vector<16xf32>,
    %swap3A_170 = arith.constant 7 : i32
    %swap3A_171 = arith.index_cast %swap3A_170 : i32 to index
    %swap3A_172 = arith.constant 32 : index
    %swap3A_173 = tpu.vector_load %arg8[%swap3A_171, %swap3A_172] {strides = array<i32>} : memref<8x64xf32, #tpu.memory_space<vmem>>, vector<16xf32>,
    tpu.vector_store %arg8[%swap3A_171, %swap3A_172], %gather3A_137 {strides = array<i32>} : memref<8x64xf32, #tpu.memory_space<vmem>>, vector<16xf32>,
    %add3A_174 = arith.constant 48 : i32
    %add3A_175 = arith.addi %add3A_4, %add3A_174 : i32
    %run_scoped3A_176 = arith.constant 0 : i32
    "tpu.region"() ({
      %run_scoped3A_232 = tpu.sem_alloc : memref<!tpu.dma_semaphore, #tpu.memory_space<semaphore_mem>>
      %dma_start3A = arith.constant 0 : i32
      %dma_start3A_233 = tpu.memref_slice %arg2[%run_scoped3A_176, %add3A_175, %dma_start3A] : memref<2x16384x1000xf32, #tpu.memory_space<hbm>> -> memref<1x16x1000xf32, #tpu.memory_space<hbm>>
      %dma_start3A_234 = tpu.memref_squeeze %dma_start3A_233 : memref<1x16x1000xf32, #tpu.memory_space<hbm>> -> memref<16x1000xf32, #tpu.memory_space<hbm>>
      %dma_start3A_235 = arith.constant 0 : i32
      %dma_start3A_236 = tpu.memref_slice %arg2[%run_scoped3A_176, %add3A_175, %dma_start3A_235] : memref<2x16384x1000xf32, #tpu.memory_space<hbm>> -> memref<1x16x1000xf32, #tpu.memory_space<hbm>>
      %dma_start3A_237 = tpu.memref_squeeze %dma_start3A_236 : memref<1x16x1000xf32, #tpu.memory_space<hbm>> -> memref<16x1000xf32, #tpu.memory_space<hbm>>
      tpu.enqueue_dma source(%dma_start3A_237 : memref<16x1000xf32, #tpu.memory_space<hbm>>) target(%arg5 : memref<16x1000xf32, #tpu.memory_space<vmem>>) target_semaphore(%run_scoped3A_232 : memref<!tpu.dma_semaphore, #tpu.memory_space<semaphore_mem>>)
      %dma_wait3A = arith.constant 0 : i32
      %dma_wait3A_238 = tpu.memref_slice %arg2[%run_scoped3A_176, %add3A_175, %dma_wait3A] : memref<2x16384x1000xf32, #tpu.memory_space<hbm>> -> memref<1x16x1000xf32, #tpu.memory_space<hbm>>
      %dma_wait3A_239 = tpu.memref_squeeze %dma_wait3A_238 : memref<1x16x1000xf32, #tpu.memory_space<hbm>> -> memref<16x1000xf32, #tpu.memory_space<hbm>>
      %dma_wait3A_240 = arith.constant 0 : i32
      %dma_wait3A_241 = tpu.memref_slice %arg2[%run_scoped3A_176, %add3A_175, %dma_wait3A_240] : memref<2x16384x1000xf32, #tpu.memory_space<hbm>> -> memref<1x16x1000xf32, #tpu.memory_space<hbm>>
      %dma_wait3A_242 = tpu.memref_squeeze %dma_wait3A_241 : memref<1x16x1000xf32, #tpu.memory_space<hbm>> -> memref<16x1000xf32, #tpu.memory_space<hbm>>
      tpu.wait_dma2 semaphore(%run_scoped3A_232 : memref<!tpu.dma_semaphore, #tpu.memory_space<semaphore_mem>>) src(%dma_wait3A_242 : memref<16x1000xf32, #tpu.memory_space<hbm>>) dst(%arg5 : memref<16x1000xf32, #tpu.memory_space<vmem>>)
      tpu.yield
    }) : () -> ()
    %run_scoped3A_177 = arith.constant 1 : i32
    "tpu.region"() ({
      %run_scoped3A_232 = tpu.sem_alloc : memref<!tpu.dma_semaphore, #tpu.memory_space<semaphore_mem>>
      %dma_start3A = arith.constant 0 : i32
      %dma_start3A_233 = tpu.memref_slice %arg2[%run_scoped3A_177, %add3A_175, %dma_start3A] : memref<2x16384x1000xf32, #tpu.memory_space<hbm>> -> memref<1x16x1000xf32, #tpu.memory_space<hbm>>
      %dma_start3A_234 = tpu.memref_squeeze %dma_start3A_233 : memref<1x16x1000xf32, #tpu.memory_space<hbm>> -> memref<16x1000xf32, #tpu.memory_space<hbm>>
      %dma_start3A_235 = arith.constant 0 : i32
      %dma_start3A_236 = tpu.memref_slice %arg2[%run_scoped3A_177, %add3A_175, %dma_start3A_235] : memref<2x16384x1000xf32, #tpu.memory_space<hbm>> -> memref<1x16x1000xf32, #tpu.memory_space<hbm>>
      %dma_start3A_237 = tpu.memref_squeeze %dma_start3A_236 : memref<1x16x1000xf32, #tpu.memory_space<hbm>> -> memref<16x1000xf32, #tpu.memory_space<hbm>>
      tpu.enqueue_dma source(%dma_start3A_237 : memref<16x1000xf32, #tpu.memory_space<hbm>>) target(%arg6 : memref<16x1000xf32, #tpu.memory_space<vmem>>) target_semaphore(%run_scoped3A_232 : memref<!tpu.dma_semaphore, #tpu.memory_space<semaphore_mem>>)
      %dma_wait3A = arith.constant 0 : i32
      %dma_wait3A_238 = tpu.memref_slice %arg2[%run_scoped3A_177, %add3A_175, %dma_wait3A] : memref<2x16384x1000xf32, #tpu.memory_space<hbm>> -> memref<1x16x1000xf32, #tpu.memory_space<hbm>>
      %dma_wait3A_239 = tpu.memref_squeeze %dma_wait3A_238 : memref<1x16x1000xf32, #tpu.memory_space<hbm>> -> memref<16x1000xf32, #tpu.memory_space<hbm>>
      %dma_wait3A_240 = arith.constant 0 : i32
      %dma_wait3A_241 = tpu.memref_slice %arg2[%run_scoped3A_177, %add3A_175, %dma_wait3A_240] : memref<2x16384x1000xf32, #tpu.memory_space<hbm>> -> memref<1x16x1000xf32, #tpu.memory_space<hbm>>
      %dma_wait3A_242 = tpu.memref_squeeze %dma_wait3A_241 : memref<1x16x1000xf32, #tpu.memory_space<hbm>> -> memref<16x1000xf32, #tpu.memory_space<hbm>>
      tpu.wait_dma2 semaphore(%run_scoped3A_232 : memref<!tpu.dma_semaphore, #tpu.memory_space<semaphore_mem>>) src(%dma_wait3A_242 : memref<16x1000xf32, #tpu.memory_space<hbm>>) dst(%arg6 : memref<16x1000xf32, #tpu.memory_space<vmem>>)
      tpu.yield
    }) : () -> ()
    "tpu.region"() ({
      %run_scoped3A_232 = tpu.sem_alloc : memref<!tpu.dma_semaphore, #tpu.memory_space<semaphore_mem>>
      %dma_start3A = tpu.memref_slice %arg3[%add3A_175] : memref<16384xi32, #tpu.memory_space<hbm>> -> memref<16xi32, #tpu.memory_space<hbm>>
      %dma_start3A_233 = tpu.memref_slice %arg3[%add3A_175] : memref<16384xi32, #tpu.memory_space<hbm>> -> memref<16xi32, #tpu.memory_space<hbm>>
      tpu.enqueue_dma source(%dma_start3A_233 : memref<16xi32, #tpu.memory_space<hbm>>) target(%arg7 : memref<16xi32, #tpu.memory_space<vmem>>) target_semaphore(%run_scoped3A_232 : memref<!tpu.dma_semaphore, #tpu.memory_space<semaphore_mem>>)
      %dma_wait3A = tpu.memref_slice %arg3[%add3A_175] : memref<16384xi32, #tpu.memory_space<hbm>> -> memref<16xi32, #tpu.memory_space<hbm>>
      %dma_wait3A_234 = tpu.memref_slice %arg3[%add3A_175] : memref<16384xi32, #tpu.memory_space<hbm>> -> memref<16xi32, #tpu.memory_space<hbm>>
      tpu.wait_dma2 semaphore(%run_scoped3A_232 : memref<!tpu.dma_semaphore, #tpu.memory_space<semaphore_mem>>) src(%dma_wait3A_234 : memref<16xi32, #tpu.memory_space<hbm>>) dst(%arg7 : memref<16xi32, #tpu.memory_space<vmem>>)
      tpu.yield
    }) : () -> ()
    %broadcast_in_dim3A_178 = arith.constant 0.000000e+00 : f32
    %broadcast_in_dim3A_179 = vector.broadcast %broadcast_in_dim3A_178 : f32 to vector<16xf32>
    %broadcast_in_dim3A_180 = arith.constant -3.000000e+38 : f32
    %broadcast_in_dim3A_181 = vector.broadcast %broadcast_in_dim3A_180 : f32 to vector<16xf32>
    %scan3A_182 = arith.constant 0 : i32
    %scan3A_183 = arith.constant 1000 : i32
    %scan3A_184 = arith.addi %scan3A_182, %scan3A_183 : i32
    %scan3A_185 = arith.constant 8 : i32
    %scan3A_186:8 = scf.for %scan3A_232 = %scan3A_182 to %scan3A_184 step %scan3A_185 iter_args(%scan3A_233 = %broadcast_in_dim3A_179, %scan3A_234 = %broadcast_in_dim3A_179, %scan3A_235 = %broadcast_in_dim3A_181, %scan3A_236 = %broadcast_in_dim3A_5, %scan3A_237 = %broadcast_in_dim3A_179, %scan3A_238 = %broadcast_in_dim3A_179, %scan3A_239 = %broadcast_in_dim3A_181, %scan3A_240 = %broadcast_in_dim3A_5) -> (vector<16xf32>, vector<16xf32>, vector<16xf32>, vector<16xi32>, vector<16xf32>, vector<16xf32>, vector<16xf32>, vector<16xi32>)  : i32 {
      %add3A_241 = vector.broadcast %scan3A_232 : i32 to vector<16xi32>
      %add3A_242 = arith.addi %broadcast_in_dim3A_5, %add3A_241 : vector<16xi32>
      %gather3A_243 = tpu.vector_load_idx %arg5[%iota3A, %add3A_242] : memref<16x1000xf32, #tpu.memory_space<vmem>>[vector<16xi32>, vector<16xi32>], vector<16xf32>,
      %gather3A_244 = tpu.vector_load_idx %arg6[%iota3A, %add3A_242] : memref<16x1000xf32, #tpu.memory_space<vmem>>[vector<16xi32>, vector<16xi32>], vector<16xf32>,
      %gt3A = arith.cmpf ogt, %gather3A_243, %scan3A_235 : vector<16xf32>
      %gt3A_245 = arith.cmpf ogt, %gather3A_244, %scan3A_239 : vector<16xf32>
      %exp3A = math.exp %gather3A_243 : vector<16xf32>
      %add3A_246 = arith.addf %scan3A_233, %exp3A : vector<16xf32>
      %mul3A_247 = arith.mulf %gather3A_243, %gather3A_243 : vector<16xf32>
      %add3A_248 = arith.addf %scan3A_234, %mul3A_247 : vector<16xf32>
      %select_n3A = arith.select %gt3A, %gather3A_243, %scan3A_235 : vector<16xi1>, vector<16xf32>
      %broadcast_in_dim3A_249 = vector.broadcast %scan3A_232 : i32 to vector<16xi32>
      %select_n3A_250 = arith.select %gt3A, %broadcast_in_dim3A_249, %scan3A_236 : vector<16xi1>, vector<16xi32>
      %exp3A_251 = math.exp %gather3A_244 : vector<16xf32>
      %add3A_252 = arith.addf %scan3A_237, %exp3A_251 : vector<16xf32>
      %mul3A_253 = arith.mulf %gather3A_244, %gather3A_244 : vector<16xf32>
      %add3A_254 = arith.addf %scan3A_238, %mul3A_253 : vector<16xf32>
      %select_n3A_255 = arith.select %gt3A_245, %gather3A_244, %scan3A_239 : vector<16xi1>, vector<16xf32>
      %broadcast_in_dim3A_256 = vector.broadcast %scan3A_232 : i32 to vector<16xi32>
      %select_n3A_257 = arith.select %gt3A_245, %broadcast_in_dim3A_256, %scan3A_240 : vector<16xi1>, vector<16xi32>
      %scan3A_258 = arith.constant 1 : i32
      %scan3A_259 = arith.addi %scan3A_232, %scan3A_258 : i32
      %add3A_260 = vector.broadcast %scan3A_259 : i32 to vector<16xi32>
      %add3A_261 = arith.addi %broadcast_in_dim3A_5, %add3A_260 : vector<16xi32>
      %gather3A_262 = tpu.vector_load_idx %arg5[%iota3A, %add3A_261] : memref<16x1000xf32, #tpu.memory_space<vmem>>[vector<16xi32>, vector<16xi32>], vector<16xf32>,
      %gather3A_263 = tpu.vector_load_idx %arg6[%iota3A, %add3A_261] : memref<16x1000xf32, #tpu.memory_space<vmem>>[vector<16xi32>, vector<16xi32>], vector<16xf32>,
      %gt3A_264 = arith.cmpf ogt, %gather3A_262, %select_n3A : vector<16xf32>
      %gt3A_265 = arith.cmpf ogt, %gather3A_263, %select_n3A_255 : vector<16xf32>
      %exp3A_266 = math.exp %gather3A_262 : vector<16xf32>
      %add3A_267 = arith.addf %add3A_246, %exp3A_266 : vector<16xf32>
      %mul3A_268 = arith.mulf %gather3A_262, %gather3A_262 : vector<16xf32>
      %add3A_269 = arith.addf %add3A_248, %mul3A_268 : vector<16xf32>
      %select_n3A_270 = arith.select %gt3A_264, %gather3A_262, %select_n3A : vector<16xi1>, vector<16xf32>
      %broadcast_in_dim3A_271 = vector.broadcast %scan3A_259 : i32 to vector<16xi32>
      %select_n3A_272 = arith.select %gt3A_264, %broadcast_in_dim3A_271, %select_n3A_250 : vector<16xi1>, vector<16xi32>
      %exp3A_273 = math.exp %gather3A_263 : vector<16xf32>
      %add3A_274 = arith.addf %add3A_252, %exp3A_273 : vector<16xf32>
      %mul3A_275 = arith.mulf %gather3A_263, %gather3A_263 : vector<16xf32>
      %add3A_276 = arith.addf %add3A_254, %mul3A_275 : vector<16xf32>
      %select_n3A_277 = arith.select %gt3A_265, %gather3A_263, %select_n3A_255 : vector<16xi1>, vector<16xf32>
      %broadcast_in_dim3A_278 = vector.broadcast %scan3A_259 : i32 to vector<16xi32>
      %select_n3A_279 = arith.select %gt3A_265, %broadcast_in_dim3A_278, %select_n3A_257 : vector<16xi1>, vector<16xi32>
      %scan3A_280 = arith.constant 2 : i32
      %scan3A_281 = arith.addi %scan3A_232, %scan3A_280 : i32
      %add3A_282 = vector.broadcast %scan3A_281 : i32 to vector<16xi32>
      %add3A_283 = arith.addi %broadcast_in_dim3A_5, %add3A_282 : vector<16xi32>
      %gather3A_284 = tpu.vector_load_idx %arg5[%iota3A, %add3A_283] : memref<16x1000xf32, #tpu.memory_space<vmem>>[vector<16xi32>, vector<16xi32>], vector<16xf32>,
      %gather3A_285 = tpu.vector_load_idx %arg6[%iota3A, %add3A_283] : memref<16x1000xf32, #tpu.memory_space<vmem>>[vector<16xi32>, vector<16xi32>], vector<16xf32>,
      %gt3A_286 = arith.cmpf ogt, %gather3A_284, %select_n3A_270 : vector<16xf32>
      %gt3A_287 = arith.cmpf ogt, %gather3A_285, %select_n3A_277 : vector<16xf32>
      %exp3A_288 = math.exp %gather3A_284 : vector<16xf32>
      %add3A_289 = arith.addf %add3A_267, %exp3A_288 : vector<16xf32>
      %mul3A_290 = arith.mulf %gather3A_284, %gather3A_284 : vector<16xf32>
      %add3A_291 = arith.addf %add3A_269, %mul3A_290 : vector<16xf32>
      %select_n3A_292 = arith.select %gt3A_286, %gather3A_284, %select_n3A_270 : vector<16xi1>, vector<16xf32>
      %broadcast_in_dim3A_293 = vector.broadcast %scan3A_281 : i32 to vector<16xi32>
      %select_n3A_294 = arith.select %gt3A_286, %broadcast_in_dim3A_293, %select_n3A_272 : vector<16xi1>, vector<16xi32>
      %exp3A_295 = math.exp %gather3A_285 : vector<16xf32>
      %add3A_296 = arith.addf %add3A_274, %exp3A_295 : vector<16xf32>
      %mul3A_297 = arith.mulf %gather3A_285, %gather3A_285 : vector<16xf32>
      %add3A_298 = arith.addf %add3A_276, %mul3A_297 : vector<16xf32>
      %select_n3A_299 = arith.select %gt3A_287, %gather3A_285, %select_n3A_277 : vector<16xi1>, vector<16xf32>
      %broadcast_in_dim3A_300 = vector.broadcast %scan3A_281 : i32 to vector<16xi32>
      %select_n3A_301 = arith.select %gt3A_287, %broadcast_in_dim3A_300, %select_n3A_279 : vector<16xi1>, vector<16xi32>
      %scan3A_302 = arith.constant 3 : i32
      %scan3A_303 = arith.addi %scan3A_232, %scan3A_302 : i32
      %add3A_304 = vector.broadcast %scan3A_303 : i32 to vector<16xi32>
      %add3A_305 = arith.addi %broadcast_in_dim3A_5, %add3A_304 : vector<16xi32>
      %gather3A_306 = tpu.vector_load_idx %arg5[%iota3A, %add3A_305] : memref<16x1000xf32, #tpu.memory_space<vmem>>[vector<16xi32>, vector<16xi32>], vector<16xf32>,
      %gather3A_307 = tpu.vector_load_idx %arg6[%iota3A, %add3A_305] : memref<16x1000xf32, #tpu.memory_space<vmem>>[vector<16xi32>, vector<16xi32>], vector<16xf32>,
      %gt3A_308 = arith.cmpf ogt, %gather3A_306, %select_n3A_292 : vector<16xf32>
      %gt3A_309 = arith.cmpf ogt, %gather3A_307, %select_n3A_299 : vector<16xf32>
      %exp3A_310 = math.exp %gather3A_306 : vector<16xf32>
      %add3A_311 = arith.addf %add3A_289, %exp3A_310 : vector<16xf32>
      %mul3A_312 = arith.mulf %gather3A_306, %gather3A_306 : vector<16xf32>
      %add3A_313 = arith.addf %add3A_291, %mul3A_312 : vector<16xf32>
      %select_n3A_314 = arith.select %gt3A_308, %gather3A_306, %select_n3A_292 : vector<16xi1>, vector<16xf32>
      %broadcast_in_dim3A_315 = vector.broadcast %scan3A_303 : i32 to vector<16xi32>
      %select_n3A_316 = arith.select %gt3A_308, %broadcast_in_dim3A_315, %select_n3A_294 : vector<16xi1>, vector<16xi32>
      %exp3A_317 = math.exp %gather3A_307 : vector<16xf32>
      %add3A_318 = arith.addf %add3A_296, %exp3A_317 : vector<16xf32>
      %mul3A_319 = arith.mulf %gather3A_307, %gather3A_307 : vector<16xf32>
      %add3A_320 = arith.addf %add3A_298, %mul3A_319 : vector<16xf32>
      %select_n3A_321 = arith.select %gt3A_309, %gather3A_307, %select_n3A_299 : vector<16xi1>, vector<16xf32>
      %broadcast_in_dim3A_322 = vector.broadcast %scan3A_303 : i32 to vector<16xi32>
      %select_n3A_323 = arith.select %gt3A_309, %broadcast_in_dim3A_322, %select_n3A_301 : vector<16xi1>, vector<16xi32>
      %scan3A_324 = arith.constant 4 : i32
      %scan3A_325 = arith.addi %scan3A_232, %scan3A_324 : i32
      %add3A_326 = vector.broadcast %scan3A_325 : i32 to vector<16xi32>
      %add3A_327 = arith.addi %broadcast_in_dim3A_5, %add3A_326 : vector<16xi32>
      %gather3A_328 = tpu.vector_load_idx %arg5[%iota3A, %add3A_327] : memref<16x1000xf32, #tpu.memory_space<vmem>>[vector<16xi32>, vector<16xi32>], vector<16xf32>,
      %gather3A_329 = tpu.vector_load_idx %arg6[%iota3A, %add3A_327] : memref<16x1000xf32, #tpu.memory_space<vmem>>[vector<16xi32>, vector<16xi32>], vector<16xf32>,
      %gt3A_330 = arith.cmpf ogt, %gather3A_328, %select_n3A_314 : vector<16xf32>
      %gt3A_331 = arith.cmpf ogt, %gather3A_329, %select_n3A_321 : vector<16xf32>
      %exp3A_332 = math.exp %gather3A_328 : vector<16xf32>
      %add3A_333 = arith.addf %add3A_311, %exp3A_332 : vector<16xf32>
      %mul3A_334 = arith.mulf %gather3A_328, %gather3A_328 : vector<16xf32>
      %add3A_335 = arith.addf %add3A_313, %mul3A_334 : vector<16xf32>
      %select_n3A_336 = arith.select %gt3A_330, %gather3A_328, %select_n3A_314 : vector<16xi1>, vector<16xf32>
      %broadcast_in_dim3A_337 = vector.broadcast %scan3A_325 : i32 to vector<16xi32>
      %select_n3A_338 = arith.select %gt3A_330, %broadcast_in_dim3A_337, %select_n3A_316 : vector<16xi1>, vector<16xi32>
      %exp3A_339 = math.exp %gather3A_329 : vector<16xf32>
      %add3A_340 = arith.addf %add3A_318, %exp3A_339 : vector<16xf32>
      %mul3A_341 = arith.mulf %gather3A_329, %gather3A_329 : vector<16xf32>
      %add3A_342 = arith.addf %add3A_320, %mul3A_341 : vector<16xf32>
      %select_n3A_343 = arith.select %gt3A_331, %gather3A_329, %select_n3A_321 : vector<16xi1>, vector<16xf32>
      %broadcast_in_dim3A_344 = vector.broadcast %scan3A_325 : i32 to vector<16xi32>
      %select_n3A_345 = arith.select %gt3A_331, %broadcast_in_dim3A_344, %select_n3A_323 : vector<16xi1>, vector<16xi32>
      %scan3A_346 = arith.constant 5 : i32
      %scan3A_347 = arith.addi %scan3A_232, %scan3A_346 : i32
      %add3A_348 = vector.broadcast %scan3A_347 : i32 to vector<16xi32>
      %add3A_349 = arith.addi %broadcast_in_dim3A_5, %add3A_348 : vector<16xi32>
      %gather3A_350 = tpu.vector_load_idx %arg5[%iota3A, %add3A_349] : memref<16x1000xf32, #tpu.memory_space<vmem>>[vector<16xi32>, vector<16xi32>], vector<16xf32>,
      %gather3A_351 = tpu.vector_load_idx %arg6[%iota3A, %add3A_349] : memref<16x1000xf32, #tpu.memory_space<vmem>>[vector<16xi32>, vector<16xi32>], vector<16xf32>,
      %gt3A_352 = arith.cmpf ogt, %gather3A_350, %select_n3A_336 : vector<16xf32>
      %gt3A_353 = arith.cmpf ogt, %gather3A_351, %select_n3A_343 : vector<16xf32>
      %exp3A_354 = math.exp %gather3A_350 : vector<16xf32>
      %add3A_355 = arith.addf %add3A_333, %exp3A_354 : vector<16xf32>
      %mul3A_356 = arith.mulf %gather3A_350, %gather3A_350 : vector<16xf32>
      %add3A_357 = arith.addf %add3A_335, %mul3A_356 : vector<16xf32>
      %select_n3A_358 = arith.select %gt3A_352, %gather3A_350, %select_n3A_336 : vector<16xi1>, vector<16xf32>
      %broadcast_in_dim3A_359 = vector.broadcast %scan3A_347 : i32 to vector<16xi32>
      %select_n3A_360 = arith.select %gt3A_352, %broadcast_in_dim3A_359, %select_n3A_338 : vector<16xi1>, vector<16xi32>
      %exp3A_361 = math.exp %gather3A_351 : vector<16xf32>
      %add3A_362 = arith.addf %add3A_340, %exp3A_361 : vector<16xf32>
      %mul3A_363 = arith.mulf %gather3A_351, %gather3A_351 : vector<16xf32>
      %add3A_364 = arith.addf %add3A_342, %mul3A_363 : vector<16xf32>
      %select_n3A_365 = arith.select %gt3A_353, %gather3A_351, %select_n3A_343 : vector<16xi1>, vector<16xf32>
      %broadcast_in_dim3A_366 = vector.broadcast %scan3A_347 : i32 to vector<16xi32>
      %select_n3A_367 = arith.select %gt3A_353, %broadcast_in_dim3A_366, %select_n3A_345 : vector<16xi1>, vector<16xi32>
      %scan3A_368 = arith.constant 6 : i32
      %scan3A_369 = arith.addi %scan3A_232, %scan3A_368 : i32
      %add3A_370 = vector.broadcast %scan3A_369 : i32 to vector<16xi32>
      %add3A_371 = arith.addi %broadcast_in_dim3A_5, %add3A_370 : vector<16xi32>
      %gather3A_372 = tpu.vector_load_idx %arg5[%iota3A, %add3A_371] : memref<16x1000xf32, #tpu.memory_space<vmem>>[vector<16xi32>, vector<16xi32>], vector<16xf32>,
      %gather3A_373 = tpu.vector_load_idx %arg6[%iota3A, %add3A_371] : memref<16x1000xf32, #tpu.memory_space<vmem>>[vector<16xi32>, vector<16xi32>], vector<16xf32>,
      %gt3A_374 = arith.cmpf ogt, %gather3A_372, %select_n3A_358 : vector<16xf32>
      %gt3A_375 = arith.cmpf ogt, %gather3A_373, %select_n3A_365 : vector<16xf32>
      %exp3A_376 = math.exp %gather3A_372 : vector<16xf32>
      %add3A_377 = arith.addf %add3A_355, %exp3A_376 : vector<16xf32>
      %mul3A_378 = arith.mulf %gather3A_372, %gather3A_372 : vector<16xf32>
      %add3A_379 = arith.addf %add3A_357, %mul3A_378 : vector<16xf32>
      %select_n3A_380 = arith.select %gt3A_374, %gather3A_372, %select_n3A_358 : vector<16xi1>, vector<16xf32>
      %broadcast_in_dim3A_381 = vector.broadcast %scan3A_369 : i32 to vector<16xi32>
      %select_n3A_382 = arith.select %gt3A_374, %broadcast_in_dim3A_381, %select_n3A_360 : vector<16xi1>, vector<16xi32>
      %exp3A_383 = math.exp %gather3A_373 : vector<16xf32>
      %add3A_384 = arith.addf %add3A_362, %exp3A_383 : vector<16xf32>
      %mul3A_385 = arith.mulf %gather3A_373, %gather3A_373 : vector<16xf32>
      %add3A_386 = arith.addf %add3A_364, %mul3A_385 : vector<16xf32>
      %select_n3A_387 = arith.select %gt3A_375, %gather3A_373, %select_n3A_365 : vector<16xi1>, vector<16xf32>
      %broadcast_in_dim3A_388 = vector.broadcast %scan3A_369 : i32 to vector<16xi32>
      %select_n3A_389 = arith.select %gt3A_375, %broadcast_in_dim3A_388, %select_n3A_367 : vector<16xi1>, vector<16xi32>
      %scan3A_390 = arith.constant 7 : i32
      %scan3A_391 = arith.addi %scan3A_232, %scan3A_390 : i32
      %add3A_392 = vector.broadcast %scan3A_391 : i32 to vector<16xi32>
      %add3A_393 = arith.addi %broadcast_in_dim3A_5, %add3A_392 : vector<16xi32>
      %gather3A_394 = tpu.vector_load_idx %arg5[%iota3A, %add3A_393] : memref<16x1000xf32, #tpu.memory_space<vmem>>[vector<16xi32>, vector<16xi32>], vector<16xf32>,
      %gather3A_395 = tpu.vector_load_idx %arg6[%iota3A, %add3A_393] : memref<16x1000xf32, #tpu.memory_space<vmem>>[vector<16xi32>, vector<16xi32>], vector<16xf32>,
      %gt3A_396 = arith.cmpf ogt, %gather3A_394, %select_n3A_380 : vector<16xf32>
      %gt3A_397 = arith.cmpf ogt, %gather3A_395, %select_n3A_387 : vector<16xf32>
      %exp3A_398 = math.exp %gather3A_394 : vector<16xf32>
      %add3A_399 = arith.addf %add3A_377, %exp3A_398 : vector<16xf32>
      %mul3A_400 = arith.mulf %gather3A_394, %gather3A_394 : vector<16xf32>
      %add3A_401 = arith.addf %add3A_379, %mul3A_400 : vector<16xf32>
      %select_n3A_402 = arith.select %gt3A_396, %gather3A_394, %select_n3A_380 : vector<16xi1>, vector<16xf32>
      %broadcast_in_dim3A_403 = vector.broadcast %scan3A_391 : i32 to vector<16xi32>
      %select_n3A_404 = arith.select %gt3A_396, %broadcast_in_dim3A_403, %select_n3A_382 : vector<16xi1>, vector<16xi32>
      %exp3A_405 = math.exp %gather3A_395 : vector<16xf32>
      %add3A_406 = arith.addf %add3A_384, %exp3A_405 : vector<16xf32>
      %mul3A_407 = arith.mulf %gather3A_395, %gather3A_395 : vector<16xf32>
      %add3A_408 = arith.addf %add3A_386, %mul3A_407 : vector<16xf32>
      %select_n3A_409 = arith.select %gt3A_397, %gather3A_395, %select_n3A_387 : vector<16xi1>, vector<16xf32>
      %broadcast_in_dim3A_410 = vector.broadcast %scan3A_391 : i32 to vector<16xi32>
      %select_n3A_411 = arith.select %gt3A_397, %broadcast_in_dim3A_410, %select_n3A_389 : vector<16xi1>, vector<16xi32>
      scf.yield %add3A_399, %add3A_401, %select_n3A_402, %select_n3A_404, %add3A_406, %add3A_408, %select_n3A_409, %select_n3A_411 : vector<16xf32>, vector<16xf32>, vector<16xf32>, vector<16xi32>, vector<16xf32>, vector<16xf32>, vector<16xf32>, vector<16xi32>
    }
    %scan3A_187 = arith.constant 1000 : i32
    %get3A_188 = arith.constant 0 : index
    %get3A_189 = tpu.vector_load %arg7[%get3A_188] {strides = array<i32>} : memref<16xi32, #tpu.memory_space<vmem>>, vector<16xi32>,
    %gather3A_190 = tpu.vector_load_idx %arg5[%iota3A, %get3A_189] : memref<16x1000xf32, #tpu.memory_space<vmem>>[vector<16xi32>, vector<16xi32>], vector<16xf32>,
    %gather3A_191 = tpu.vector_load_idx %arg6[%iota3A, %get3A_189] : memref<16x1000xf32, #tpu.memory_space<vmem>>[vector<16xi32>, vector<16xi32>], vector<16xf32>,
    %gather3A_192 = tpu.vector_load_idx %arg5[%iota3A, %broadcast_in_dim3A_5] : memref<16x1000xf32, #tpu.memory_space<vmem>>[vector<16xi32>, vector<16xi32>], vector<16xf32>,
    %gather3A_193 = tpu.vector_load_idx %arg6[%iota3A, %broadcast_in_dim3A_5] : memref<16x1000xf32, #tpu.memory_space<vmem>>[vector<16xi32>, vector<16xi32>], vector<16xf32>,
    %gather3A_194 = tpu.vector_load_idx %arg5[%iota3A, %scan3A_186#7] : memref<16x1000xf32, #tpu.memory_space<vmem>>[vector<16xi32>, vector<16xi32>], vector<16xf32>,
    %gather3A_195 = tpu.vector_load_idx %arg6[%iota3A, %scan3A_186#3] : memref<16x1000xf32, #tpu.memory_space<vmem>>[vector<16xi32>, vector<16xi32>], vector<16xf32>,
    %swap3A_196 = arith.constant 0 : i32
    %swap3A_197 = arith.index_cast %swap3A_196 : i32 to index
    %swap3A_198 = arith.constant 48 : index
    %swap3A_199 = tpu.vector_load %arg8[%swap3A_197, %swap3A_198] {strides = array<i32>} : memref<8x64xf32, #tpu.memory_space<vmem>>, vector<16xf32>,
    tpu.vector_store %arg8[%swap3A_197, %swap3A_198], %scan3A_186#0 {strides = array<i32>} : memref<8x64xf32, #tpu.memory_space<vmem>>, vector<16xf32>,
    %swap3A_200 = arith.constant 1 : i32
    %swap3A_201 = arith.index_cast %swap3A_200 : i32 to index
    %swap3A_202 = arith.constant 48 : index
    %swap3A_203 = tpu.vector_load %arg8[%swap3A_201, %swap3A_202] {strides = array<i32>} : memref<8x64xf32, #tpu.memory_space<vmem>>, vector<16xf32>,
    tpu.vector_store %arg8[%swap3A_201, %swap3A_202], %scan3A_186#4 {strides = array<i32>} : memref<8x64xf32, #tpu.memory_space<vmem>>, vector<16xf32>,
    %swap3A_204 = arith.constant 2 : i32
    %swap3A_205 = arith.index_cast %swap3A_204 : i32 to index
    %swap3A_206 = arith.constant 48 : index
    %swap3A_207 = tpu.vector_load %arg8[%swap3A_205, %swap3A_206] {strides = array<i32>} : memref<8x64xf32, #tpu.memory_space<vmem>>, vector<16xf32>,
    tpu.vector_store %arg8[%swap3A_205, %swap3A_206], %gather3A_190 {strides = array<i32>} : memref<8x64xf32, #tpu.memory_space<vmem>>, vector<16xf32>,
    %swap3A_208 = arith.constant 3 : i32
    %swap3A_209 = arith.index_cast %swap3A_208 : i32 to index
    %swap3A_210 = arith.constant 48 : index
    %swap3A_211 = tpu.vector_load %arg8[%swap3A_209, %swap3A_210] {strides = array<i32>} : memref<8x64xf32, #tpu.memory_space<vmem>>, vector<16xf32>,
    tpu.vector_store %arg8[%swap3A_209, %swap3A_210], %gather3A_191 {strides = array<i32>} : memref<8x64xf32, #tpu.memory_space<vmem>>, vector<16xf32>,
    %mul3A_212 = arith.mulf %gather3A_192, %gather3A_192 : vector<16xf32>
    %sub3A_213 = arith.subf %scan3A_186#1, %mul3A_212 : vector<16xf32>
    %swap3A_214 = arith.constant 4 : i32
    %swap3A_215 = arith.index_cast %swap3A_214 : i32 to index
    %swap3A_216 = arith.constant 48 : index
    %swap3A_217 = tpu.vector_load %arg8[%swap3A_215, %swap3A_216] {strides = array<i32>} : memref<8x64xf32, #tpu.memory_space<vmem>>, vector<16xf32>,
    tpu.vector_store %arg8[%swap3A_215, %swap3A_216], %sub3A_213 {strides = array<i32>} : memref<8x64xf32, #tpu.memory_space<vmem>>, vector<16xf32>,
    %mul3A_218 = arith.mulf %gather3A_193, %gather3A_193 : vector<16xf32>
    %sub3A_219 = arith.subf %scan3A_186#5, %mul3A_218 : vector<16xf32>
    %swap3A_220 = arith.constant 5 : i32
    %swap3A_221 = arith.index_cast %swap3A_220 : i32 to index
    %swap3A_222 = arith.constant 48 : index
    %swap3A_223 = tpu.vector_load %arg8[%swap3A_221, %swap3A_222] {strides = array<i32>} : memref<8x64xf32, #tpu.memory_space<vmem>>, vector<16xf32>,
    tpu.vector_store %arg8[%swap3A_221, %swap3A_222], %sub3A_219 {strides = array<i32>} : memref<8x64xf32, #tpu.memory_space<vmem>>, vector<16xf32>,
    %swap3A_224 = arith.constant 6 : i32
    %swap3A_225 = arith.index_cast %swap3A_224 : i32 to index
    %swap3A_226 = arith.constant 48 : index
    %swap3A_227 = tpu.vector_load %arg8[%swap3A_225, %swap3A_226] {strides = array<i32>} : memref<8x64xf32, #tpu.memory_space<vmem>>, vector<16xf32>,
    tpu.vector_store %arg8[%swap3A_225, %swap3A_226], %gather3A_194 {strides = array<i32>} : memref<8x64xf32, #tpu.memory_space<vmem>>, vector<16xf32>,
    %swap3A_228 = arith.constant 7 : i32
    %swap3A_229 = arith.index_cast %swap3A_228 : i32 to index
    %swap3A_230 = arith.constant 48 : index
    %swap3A_231 = tpu.vector_load %arg8[%swap3A_229, %swap3A_230] {strides = array<i32>} : memref<8x64xf32, #tpu.memory_space<vmem>>, vector<16xf32>,
    tpu.vector_store %arg8[%swap3A_229, %swap3A_230], %gather3A_195 {strides = array<i32>} : memref<8x64xf32, #tpu.memory_space<vmem>>, vector<16xf32>,
    "tpu.region"() ({
      %run_scoped3A_232 = tpu.sem_alloc : memref<!tpu.dma_semaphore, #tpu.memory_space<semaphore_mem>>
      %dma_start3A = arith.constant 0 : i32
      %dma_start3A_233 = arith.constant 0 : i32
      %dma_start3A_234 = tpu.memref_slice %arg4[%add3A, %dma_start3A, %dma_start3A_233] : memref<32x8x64xf32, #tpu.memory_space<hbm>> -> memref<1x8x64xf32, #tpu.memory_space<hbm>>
      %dma_start3A_235 = tpu.memref_squeeze %dma_start3A_234 : memref<1x8x64xf32, #tpu.memory_space<hbm>> -> memref<8x64xf32, #tpu.memory_space<hbm>>
      %dma_start3A_236 = arith.constant 0 : i32
      %dma_start3A_237 = arith.constant 0 : i32
      %dma_start3A_238 = tpu.memref_slice %arg4[%add3A, %dma_start3A_236, %dma_start3A_237] : memref<32x8x64xf32, #tpu.memory_space<hbm>> -> memref<1x8x64xf32, #tpu.memory_space<hbm>>
      %dma_start3A_239 = tpu.memref_squeeze %dma_start3A_238 : memref<1x8x64xf32, #tpu.memory_space<hbm>> -> memref<8x64xf32, #tpu.memory_space<hbm>>
      tpu.enqueue_dma source(%arg8 : memref<8x64xf32, #tpu.memory_space<vmem>>) target(%dma_start3A_239 : memref<8x64xf32, #tpu.memory_space<hbm>>) target_semaphore(%run_scoped3A_232 : memref<!tpu.dma_semaphore, #tpu.memory_space<semaphore_mem>>)
      %dma_wait3A = arith.constant 0 : i32
      %dma_wait3A_240 = arith.constant 0 : i32
      %dma_wait3A_241 = tpu.memref_slice %arg4[%add3A, %dma_wait3A, %dma_wait3A_240] : memref<32x8x64xf32, #tpu.memory_space<hbm>> -> memref<1x8x64xf32, #tpu.memory_space<hbm>>
      %dma_wait3A_242 = tpu.memref_squeeze %dma_wait3A_241 : memref<1x8x64xf32, #tpu.memory_space<hbm>> -> memref<8x64xf32, #tpu.memory_space<hbm>>
      %dma_wait3A_243 = arith.constant 0 : i32
      %dma_wait3A_244 = arith.constant 0 : i32
      %dma_wait3A_245 = tpu.memref_slice %arg4[%add3A, %dma_wait3A_243, %dma_wait3A_244] : memref<32x8x64xf32, #tpu.memory_space<hbm>> -> memref<1x8x64xf32, #tpu.memory_space<hbm>>
      %dma_wait3A_246 = tpu.memref_squeeze %dma_wait3A_245 : memref<1x8x64xf32, #tpu.memory_space<hbm>> -> memref<8x64xf32, #tpu.memory_space<hbm>>
      tpu.wait_dma2 semaphore(%run_scoped3A_232 : memref<!tpu.dma_semaphore, #tpu.memory_space<semaphore_mem>>) src(%arg8 : memref<8x64xf32, #tpu.memory_space<vmem>>) dst(%dma_wait3A_246 : memref<8x64xf32, #tpu.memory_space<hbm>>)
      tpu.yield
    }) : () -> ()
    return
  }
}

module attributes {stable_mosaic.version = 14 : i64} {
  func.func @_stats_body(%arg0: i32, %arg1: memref<2x512x1000xf32, #tpu.memory_space<vmem>>, %arg2: memref<512xi32, #tpu.memory_space<vmem>>, %arg3: memref<8x512xf32, #tpu.memory_space<vmem>>) attributes {dimension_semantics = [#tpu.dimension_semantics<arbitrary>], iteration_bounds = array<i64: 28>, scalar_prefetch = 0 : i64, scratch_operands = 0 : i64, tpu.core_type = #tpu.core_type<tc>, window_params = [{transform_indices = @transform_0, window_bounds = array<i64: 2, 512, 1000>}, {transform_indices = @transform_1, window_bounds = array<i64: 512>}, {transform_indices = @transform_2, window_bounds = array<i64: 8, 512>}]} {
    %get3A = arith.constant 0 : index
    %get3A_0 = arith.constant 0 : index
    %get3A_1 = arith.constant 0 : index
    %get3A_2 = vector.load %arg1[%get3A, %get3A_0, %get3A_1] : memref<2x512x1000xf32, #tpu.memory_space<vmem>>, vector<1x512x1000xf32>
    %get3A_3 = vector.shape_cast %get3A_2 : vector<1x512x1000xf32> to vector<512x1000xf32>
    %get3A_4 = arith.constant 1 : index
    %get3A_5 = arith.constant 0 : index
    %get3A_6 = arith.constant 0 : index
    %get3A_7 = vector.load %arg1[%get3A_4, %get3A_5, %get3A_6] : memref<2x512x1000xf32, #tpu.memory_space<vmem>>, vector<1x512x1000xf32>
    %get3A_8 = vector.shape_cast %get3A_7 : vector<1x512x1000xf32> to vector<512x1000xf32>
    %get3A_9 = arith.constant 0 : index
    %get3A_10 = vector.load %arg2[%get3A_9] : memref<512xi32, #tpu.memory_space<vmem>>, vector<512xi32>
    %iota3A = tpu.iota {dimensions = array<i32: 1>} : vector<512x1000xi32>
    %slice3A = vector.extract_strided_slice %iota3A {offsets = [0, 0], sizes = [512, 128], strides = [1, 1]} : vector<512x1000xi32> to vector<512x128xi32>
    %broadcast_in_dim3A = vector.shape_cast %get3A_10 : vector<512xi32> to vector<512x1xi32>
    %eq3A = vector.broadcast %broadcast_in_dim3A : vector<512x1xi32> to vector<512x128xi32>
    %eq3A_11 = arith.cmpi eq, %slice3A, %eq3A : vector<512x128xi32>
    %reduce_max3A = arith.constant dense<0xFF800000> : vector<512xf32>
    %reduce_max3A_12 = vector.multi_reduction <maximumf>, %get3A_3, %reduce_max3A [1] : vector<512x1000xf32> to vector<512xf32>
    %exp3A = math.exp %get3A_3 : vector<512x1000xf32>
    %reduce_sum3A = arith.constant dense<0.000000e+00> : vector<512xf32>
    %reduce_sum3A_13 = vector.multi_reduction <add>, %exp3A, %reduce_sum3A [1] : vector<512x1000xf32> to vector<512xf32>
    %mul3A = arith.mulf %get3A_3, %get3A_3 : vector<512x1000xf32>
    %reduce_sum3A_14 = arith.constant dense<0.000000e+00> : vector<512xf32>
    %reduce_sum3A_15 = vector.multi_reduction <add>, %mul3A, %reduce_sum3A_14 [1] : vector<512x1000xf32> to vector<512xf32>
    %slice3A_16 = vector.extract_strided_slice %get3A_3 {offsets = [0, 0], sizes = [512, 1], strides = [1, 1]} : vector<512x1000xf32> to vector<512x1xf32>
    %squeeze3A = vector.shape_cast %slice3A_16 : vector<512x1xf32> to vector<512xf32>
    %slice3A_17 = vector.extract_strided_slice %get3A_3 {offsets = [0, 0], sizes = [512, 1], strides = [1, 1]} : vector<512x1000xf32> to vector<512x1xf32>
    %squeeze3A_18 = vector.shape_cast %slice3A_17 : vector<512x1xf32> to vector<512xf32>
    %mul3A_19 = arith.mulf %squeeze3A, %squeeze3A_18 : vector<512xf32>
    %sub3A = arith.subf %reduce_sum3A_15, %mul3A_19 : vector<512xf32>
    %broadcast_in_dim3A_20 = vector.shape_cast %reduce_max3A_12 : vector<512xf32> to vector<512x1xf32>
    %eq3A_21 = vector.broadcast %broadcast_in_dim3A_20 : vector<512x1xf32> to vector<512x1000xf32>
    %eq3A_22 = arith.cmpf oeq, %get3A_3, %eq3A_21 : vector<512x1000xf32>
    %jit3A = arith.constant 1000 : i32
    %broadcast_in_dim3A_23 = vector.broadcast %jit3A : i32 to vector<512x1000xi32>
    %select_n3A = arith.select %eq3A_22, %iota3A, %broadcast_in_dim3A_23 : vector<512x1000xi1>, vector<512x1000xi32>
    %reduce_min3A = arith.constant dense<2147483647> : vector<512xi32>
    %reduce_min3A_24 = vector.multi_reduction <minsi>, %select_n3A, %reduce_min3A [1] : vector<512x1000xi32> to vector<512xi32>
    %slice3A_25 = vector.extract_strided_slice %get3A_3 {offsets = [0, 0], sizes = [512, 128], strides = [1, 1]} : vector<512x1000xf32> to vector<512x128xf32>
    %jit3A_26 = arith.constant 0.000000e+00 : f32
    %broadcast_in_dim3A_27 = vector.broadcast %jit3A_26 : f32 to vector<512x128xf32>
    %select_n3A_28 = arith.select %eq3A_11, %slice3A_25, %broadcast_in_dim3A_27 : vector<512x128xi1>, vector<512x128xf32>
    %reduce_sum3A_29 = arith.constant dense<0.000000e+00> : vector<512xf32>
    %reduce_sum3A_30 = vector.multi_reduction <add>, %select_n3A_28, %reduce_sum3A_29 [1] : vector<512x128xf32> to vector<512xf32>
    %reduce_max3A_31 = arith.constant dense<0xFF800000> : vector<512xf32>
    %reduce_max3A_32 = vector.multi_reduction <maximumf>, %get3A_8, %reduce_max3A_31 [1] : vector<512x1000xf32> to vector<512xf32>
    %exp3A_33 = math.exp %get3A_8 : vector<512x1000xf32>
    %reduce_sum3A_34 = arith.constant dense<0.000000e+00> : vector<512xf32>
    %reduce_sum3A_35 = vector.multi_reduction <add>, %exp3A_33, %reduce_sum3A_34 [1] : vector<512x1000xf32> to vector<512xf32>
    %mul3A_36 = arith.mulf %get3A_8, %get3A_8 : vector<512x1000xf32>
    %reduce_sum3A_37 = arith.constant dense<0.000000e+00> : vector<512xf32>
    %reduce_sum3A_38 = vector.multi_reduction <add>, %mul3A_36, %reduce_sum3A_37 [1] : vector<512x1000xf32> to vector<512xf32>
    %slice3A_39 = vector.extract_strided_slice %get3A_8 {offsets = [0, 0], sizes = [512, 1], strides = [1, 1]} : vector<512x1000xf32> to vector<512x1xf32>
    %squeeze3A_40 = vector.shape_cast %slice3A_39 : vector<512x1xf32> to vector<512xf32>
    %slice3A_41 = vector.extract_strided_slice %get3A_8 {offsets = [0, 0], sizes = [512, 1], strides = [1, 1]} : vector<512x1000xf32> to vector<512x1xf32>
    %squeeze3A_42 = vector.shape_cast %slice3A_41 : vector<512x1xf32> to vector<512xf32>
    %mul3A_43 = arith.mulf %squeeze3A_40, %squeeze3A_42 : vector<512xf32>
    %sub3A_44 = arith.subf %reduce_sum3A_38, %mul3A_43 : vector<512xf32>
    %broadcast_in_dim3A_45 = vector.shape_cast %reduce_max3A_32 : vector<512xf32> to vector<512x1xf32>
    %eq3A_46 = vector.broadcast %broadcast_in_dim3A_45 : vector<512x1xf32> to vector<512x1000xf32>
    %eq3A_47 = arith.cmpf oeq, %get3A_8, %eq3A_46 : vector<512x1000xf32>
    %jit3A_48 = arith.constant 1000 : i32
    %broadcast_in_dim3A_49 = vector.broadcast %jit3A_48 : i32 to vector<512x1000xi32>
    %select_n3A_50 = arith.select %eq3A_47, %iota3A, %broadcast_in_dim3A_49 : vector<512x1000xi1>, vector<512x1000xi32>
    %reduce_min3A_51 = arith.constant dense<2147483647> : vector<512xi32>
    %reduce_min3A_52 = vector.multi_reduction <minsi>, %select_n3A_50, %reduce_min3A_51 [1] : vector<512x1000xi32> to vector<512xi32>
    %slice3A_53 = vector.extract_strided_slice %get3A_8 {offsets = [0, 0], sizes = [512, 128], strides = [1, 1]} : vector<512x1000xf32> to vector<512x128xf32>
    %jit3A_54 = arith.constant 0.000000e+00 : f32
    %broadcast_in_dim3A_55 = vector.broadcast %jit3A_54 : f32 to vector<512x128xf32>
    %select_n3A_56 = arith.select %eq3A_11, %slice3A_53, %broadcast_in_dim3A_55 : vector<512x128xi1>, vector<512x128xf32>
    %reduce_sum3A_57 = arith.constant dense<0.000000e+00> : vector<512xf32>
    %reduce_sum3A_58 = vector.multi_reduction <add>, %select_n3A_56, %reduce_sum3A_57 [1] : vector<512x128xf32> to vector<512xf32>
    %broadcast_in_dim3A_59 = vector.shape_cast %reduce_min3A_52 : vector<512xi32> to vector<512x1xi32>
    %eq3A_60 = vector.broadcast %broadcast_in_dim3A_59 : vector<512x1xi32> to vector<512x1000xi32>
    %eq3A_61 = arith.cmpi eq, %iota3A, %eq3A_60 : vector<512x1000xi32>
    %jit3A_62 = arith.constant 0.000000e+00 : f32
    %broadcast_in_dim3A_63 = vector.broadcast %jit3A_62 : f32 to vector<512x1000xf32>
    %select_n3A_64 = arith.select %eq3A_61, %get3A_3, %broadcast_in_dim3A_63 : vector<512x1000xi1>, vector<512x1000xf32>
    %reduce_sum3A_65 = arith.constant dense<0.000000e+00> : vector<512xf32>
    %reduce_sum3A_66 = vector.multi_reduction <add>, %select_n3A_64, %reduce_sum3A_65 [1] : vector<512x1000xf32> to vector<512xf32>
    %broadcast_in_dim3A_67 = vector.shape_cast %reduce_min3A_24 : vector<512xi32> to vector<512x1xi32>
    %eq3A_68 = vector.broadcast %broadcast_in_dim3A_67 : vector<512x1xi32> to vector<512x1000xi32>
    %eq3A_69 = arith.cmpi eq, %iota3A, %eq3A_68 : vector<512x1000xi32>
    %jit3A_70 = arith.constant 0.000000e+00 : f32
    %broadcast_in_dim3A_71 = vector.broadcast %jit3A_70 : f32 to vector<512x1000xf32>
    %select_n3A_72 = arith.select %eq3A_69, %get3A_8, %broadcast_in_dim3A_71 : vector<512x1000xi1>, vector<512x1000xf32>
    %reduce_sum3A_73 = arith.constant dense<0.000000e+00> : vector<512xf32>
    %reduce_sum3A_74 = vector.multi_reduction <add>, %select_n3A_72, %reduce_sum3A_73 [1] : vector<512x1000xf32> to vector<512xf32>
    %swap3A = arith.constant 0 : index
    %swap3A_75 = arith.constant 0 : index
    %swap3A_76 = vector.load %arg3[%swap3A, %swap3A_75] : memref<8x512xf32, #tpu.memory_space<vmem>>, vector<1x512xf32>
    %swap3A_77 = vector.shape_cast %swap3A_76 : vector<1x512xf32> to vector<512xf32>
    %swap3A_78 = vector.shape_cast %reduce_sum3A_13 : vector<512xf32> to vector<1x512xf32>
    tpu.vector_store %arg3[%swap3A, %swap3A_75], %swap3A_78 {strides = array<i32>} : memref<8x512xf32, #tpu.memory_space<vmem>>, vector<1x512xf32>,
    %swap3A_79 = arith.constant 1 : index
    %swap3A_80 = arith.constant 0 : index
    %swap3A_81 = vector.load %arg3[%swap3A_79, %swap3A_80] : memref<8x512xf32, #tpu.memory_space<vmem>>, vector<1x512xf32>
    %swap3A_82 = vector.shape_cast %swap3A_81 : vector<1x512xf32> to vector<512xf32>
    %swap3A_83 = vector.shape_cast %reduce_sum3A_35 : vector<512xf32> to vector<1x512xf32>
    tpu.vector_store %arg3[%swap3A_79, %swap3A_80], %swap3A_83 {strides = array<i32>} : memref<8x512xf32, #tpu.memory_space<vmem>>, vector<1x512xf32>,
    %swap3A_84 = arith.constant 2 : index
    %swap3A_85 = arith.constant 0 : index
    %swap3A_86 = vector.load %arg3[%swap3A_84, %swap3A_85] : memref<8x512xf32, #tpu.memory_space<vmem>>, vector<1x512xf32>
    %swap3A_87 = vector.shape_cast %swap3A_86 : vector<1x512xf32> to vector<512xf32>
    %swap3A_88 = vector.shape_cast %reduce_sum3A_30 : vector<512xf32> to vector<1x512xf32>
    tpu.vector_store %arg3[%swap3A_84, %swap3A_85], %swap3A_88 {strides = array<i32>} : memref<8x512xf32, #tpu.memory_space<vmem>>, vector<1x512xf32>,
    %swap3A_89 = arith.constant 3 : index
    %swap3A_90 = arith.constant 0 : index
    %swap3A_91 = vector.load %arg3[%swap3A_89, %swap3A_90] : memref<8x512xf32, #tpu.memory_space<vmem>>, vector<1x512xf32>
    %swap3A_92 = vector.shape_cast %swap3A_91 : vector<1x512xf32> to vector<512xf32>
    %swap3A_93 = vector.shape_cast %reduce_sum3A_58 : vector<512xf32> to vector<1x512xf32>
    tpu.vector_store %arg3[%swap3A_89, %swap3A_90], %swap3A_93 {strides = array<i32>} : memref<8x512xf32, #tpu.memory_space<vmem>>, vector<1x512xf32>,
    %swap3A_94 = arith.constant 4 : index
    %swap3A_95 = arith.constant 0 : index
    %swap3A_96 = vector.load %arg3[%swap3A_94, %swap3A_95] : memref<8x512xf32, #tpu.memory_space<vmem>>, vector<1x512xf32>
    %swap3A_97 = vector.shape_cast %swap3A_96 : vector<1x512xf32> to vector<512xf32>
    %swap3A_98 = vector.shape_cast %sub3A : vector<512xf32> to vector<1x512xf32>
    tpu.vector_store %arg3[%swap3A_94, %swap3A_95], %swap3A_98 {strides = array<i32>} : memref<8x512xf32, #tpu.memory_space<vmem>>, vector<1x512xf32>,
    %swap3A_99 = arith.constant 5 : index
    %swap3A_100 = arith.constant 0 : index
    %swap3A_101 = vector.load %arg3[%swap3A_99, %swap3A_100] : memref<8x512xf32, #tpu.memory_space<vmem>>, vector<1x512xf32>
    %swap3A_102 = vector.shape_cast %swap3A_101 : vector<1x512xf32> to vector<512xf32>
    %swap3A_103 = vector.shape_cast %sub3A_44 : vector<512xf32> to vector<1x512xf32>
    tpu.vector_store %arg3[%swap3A_99, %swap3A_100], %swap3A_103 {strides = array<i32>} : memref<8x512xf32, #tpu.memory_space<vmem>>, vector<1x512xf32>,
    %swap3A_104 = arith.constant 6 : index
    %swap3A_105 = arith.constant 0 : index
    %swap3A_106 = vector.load %arg3[%swap3A_104, %swap3A_105] : memref<8x512xf32, #tpu.memory_space<vmem>>, vector<1x512xf32>
    %swap3A_107 = vector.shape_cast %swap3A_106 : vector<1x512xf32> to vector<512xf32>
    %swap3A_108 = vector.shape_cast %reduce_sum3A_66 : vector<512xf32> to vector<1x512xf32>
    tpu.vector_store %arg3[%swap3A_104, %swap3A_105], %swap3A_108 {strides = array<i32>} : memref<8x512xf32, #tpu.memory_space<vmem>>, vector<1x512xf32>,
    %swap3A_109 = arith.constant 7 : index
    %swap3A_110 = arith.constant 0 : index
    %swap3A_111 = vector.load %arg3[%swap3A_109, %swap3A_110] : memref<8x512xf32, #tpu.memory_space<vmem>>, vector<1x512xf32>
    %swap3A_112 = vector.shape_cast %swap3A_111 : vector<1x512xf32> to vector<512xf32>
    %swap3A_113 = vector.shape_cast %reduce_sum3A_74 : vector<512xf32> to vector<1x512xf32>
    tpu.vector_store %arg3[%swap3A_109, %swap3A_110], %swap3A_113 {strides = array<i32>} : memref<8x512xf32, #tpu.memory_space<vmem>>, vector<1x512xf32>,
    return
  }
  func.func @transform_0(%arg0: i32) -> (i32, i32, i32) {
    %c0_i32 = arith.constant 0 : i32
    %c0_i32_0 = arith.constant 0 : i32
    %c0_i32_1 = arith.constant 0 : i32
    return %c0_i32, %arg0, %c0_i32_0 : i32, i32, i32
  }
  func.func @transform_1(%arg0: i32) -> i32 {
    %c0_i32 = arith.constant 0 : i32
    return %arg0 : i32
  }
  func.func @transform_2(%arg0: i32) -> (i32, i32) {
    %c0_i32 = arith.constant 0 : i32
    %c0_i32_0 = arith.constant 0 : i32
    return %c0_i32, %arg0 : i32, i32
  }
}

module attributes {stable_mosaic.version = 14 : i64} {
  func.func @_final_body(%arg0: memref<8x128x128xf32, #tpu.memory_space<vmem>>, %arg1: memref<128x128xi32, #tpu.memory_space<vmem>>, %arg2: memref<1xf32, #tpu.memory_space<smem>>, %arg3: memref<1xf32, #tpu.memory_space<smem>>, %arg4: memref<2xf32, #tpu.memory_space<smem>>) attributes {dimension_semantics = [], scalar_prefetch = 0 : i64, scratch_operands = 0 : i64, tpu.core_type = #tpu.core_type<tc>} {
    %get3A = arith.constant 0 : index
    %get3A_0 = arith.constant 0 : index
    %get3A_1 = vector.load %arg1[%get3A, %get3A_0] : memref<128x128xi32, #tpu.memory_space<vmem>>, vector<128x128xi32>
    %iota3A = tpu.iota {dimensions = array<i32: 0>} : vector<128x128xi32>
    %mul3A = arith.constant 128 : i32
    %mul3A_2 = vector.broadcast %mul3A : i32 to vector<128x128xi32>
    %mul3A_3 = arith.muli %iota3A, %mul3A_2 : vector<128x128xi32>
    %iota3A_4 = tpu.iota {dimensions = array<i32: 1>} : vector<128x128xi32>
    %add3A = arith.addi %mul3A_3, %iota3A_4 : vector<128x128xi32>
    %broadcast_in_dim3A = vector.shape_cast %add3A : vector<128x128xi32> to vector<1x128x128xi32>
    %broadcast_in_dim3A_5 = vector.shape_cast %broadcast_in_dim3A : vector<1x128x128xi32> to vector<1x128x128xi32>
    %broadcast_in_dim3A_6 = vector.broadcast %broadcast_in_dim3A_5 : vector<1x128x128xi32> to vector<2x128x128xi32>
    %eq3A = arith.constant 0 : i32
    %eq3A_7 = vector.broadcast %eq3A : i32 to vector<128x128xi32>
    %eq3A_8 = arith.cmpi eq, %get3A_1, %eq3A_7 : vector<128x128xi32>
    %convert_element_type3A = arith.extui %eq3A_8 : vector<128x128xi1> to vector<128x128xi32>
    %reduce_sum3A = vector.shape_cast %convert_element_type3A : vector<128x128xi32> to vector<1x128x128xi32>
    %reduce_sum3A_9 = arith.constant dense<0> : vector<1xi32>
    %reduce_sum3A_10 = vector.multi_reduction <add>, %reduce_sum3A, %reduce_sum3A_9 [1, 2] : vector<1x128x128xi32> to vector<1xi32>
    %reduce_sum3A_11 = vector.shape_cast %reduce_sum3A_10 : vector<1xi32> to vector<1x1x1xi32>
    %reduce_sum3A_12 = vector.extract %reduce_sum3A_11[0, 0, 0] : i32 from vector<1x1x1xi32>
    %convert_element_type3A_13 = arith.sitofp %reduce_sum3A_12 : i32 to f32
    %get3A_14 = arith.constant 0 : index
    %get3A_15 = memref.load %arg2[%get3A_14] : memref<1xf32, #tpu.memory_space<smem>>
    %mul3A_16 = arith.mulf %convert_element_type3A_13, %get3A_15 : f32
    %floor3A = math.floor %mul3A_16 : f32
    %convert_element_type3A_17 = arith.fptosi %floor3A : f32 to i32
    %get3A_18 = arith.constant 0 : index
    %get3A_19 = memref.load %arg3[%get3A_18] : memref<1xf32, #tpu.memory_space<smem>>
    %mul3A_20 = arith.mulf %convert_element_type3A_13, %get3A_19 : f32
    %floor3A_21 = math.floor %mul3A_20 : f32
    %convert_element_type3A_22 = arith.fptosi %floor3A_21 : f32 to i32
    %add3A_23 = arith.addi %convert_element_type3A_17, %convert_element_type3A_22 : i32
    %min3A = arith.constant 16384 : i32
    %min3A_24 = arith.minsi %add3A_23, %min3A : i32
    %get3A_25 = arith.constant 0 : index
    %get3A_26 = arith.constant 0 : index
    %get3A_27 = arith.constant 0 : index
    %get3A_28 = vector.load %arg0[%get3A_25, %get3A_26, %get3A_27] : memref<8x128x128xf32, #tpu.memory_space<vmem>>, vector<2x128x128xf32>
    %log3A = math.log %get3A_28 : vector<2x128x128xf32>
    %get3A_29 = arith.constant 2 : index
    %get3A_30 = arith.constant 0 : index
    %get3A_31 = arith.constant 0 : index
    %get3A_32 = vector.load %arg0[%get3A_29, %get3A_30, %get3A_31] : memref<8x128x128xf32, #tpu.memory_space<vmem>>, vector<2x128x128xf32>
    %get3A_33 = arith.constant 4 : index
    %get3A_34 = arith.constant 0 : index
    %get3A_35 = arith.constant 0 : index
    %get3A_36 = vector.load %arg0[%get3A_33, %get3A_34, %get3A_35] : memref<8x128x128xf32, #tpu.memory_space<vmem>>, vector<2x128x128xf32>
    %get3A_37 = arith.constant 6 : index
    %get3A_38 = arith.constant 0 : index
    %get3A_39 = arith.constant 0 : index
    %get3A_40 = vector.load %arg0[%get3A_37, %get3A_38, %get3A_39] : memref<8x128x128xf32, #tpu.memory_space<vmem>>, vector<2x128x128xf32>
    %ne3A = arith.constant 0 : i32
    %ne3A_41 = vector.broadcast %ne3A : i32 to vector<128x128xi32>
    %ne3A_42 = arith.cmpi ne, %get3A_1, %ne3A_41 : vector<128x128xi32>
    %broadcast_in_dim3A_43 = vector.shape_cast %ne3A_42 : vector<128x128xi1> to vector<1x128x128xi1>
    %sub3A = arith.subf %log3A, %get3A_32 : vector<2x128x128xf32>
    %jit3A = arith.constant 0.000000e+00 : f32
    %broadcast_in_dim3A_44 = vector.shape_cast %broadcast_in_dim3A_43 : vector<1x128x128xi1> to vector<1x128x128xi1>
    %broadcast_in_dim3A_45 = vector.broadcast %broadcast_in_dim3A_44 : vector<1x128x128xi1> to vector<2x128x128xi1>
    %broadcast_in_dim3A_46 = vector.broadcast %jit3A : f32 to vector<2x128x128xf32>
    %select_n3A = arith.select %broadcast_in_dim3A_45, %broadcast_in_dim3A_46, %sub3A : vector<2x128x128xi1>, vector<2x128x128xf32>
    %bitcast_convert_type3A = tpu.bitcast %select_n3A : vector<2x128x128xf32> -> vector<2x128x128xi32>
    %broadcast_in_dim3A_47 = arith.constant 0 : i32
    %broadcast_in_dim3A_48 = vector.broadcast %broadcast_in_dim3A_47 : i32 to vector<2x1x1xi32>
    %scan3A = arith.constant 0 : i32
    %scan3A_49 = arith.constant 31 : i32
    %scan3A_50 = arith.addi %scan3A, %scan3A_49 : i32
    %scan3A_51 = arith.constant 1 : i32
    %scan3A_52 = scf.for %scan3A_169 = %scan3A to %scan3A_50 step %scan3A_51 iter_args(%scan3A_170 = %broadcast_in_dim3A_48) -> (vector<2x1x1xi32>)  : i32 {
      %sub3A_171 = arith.constant 30 : i32
      %sub3A_172 = arith.subi %sub3A_171, %scan3A_169 : i32
      %shift_left3A = arith.constant 1 : i32
      %shift_left3A_173 = arith.shli %shift_left3A, %sub3A_172 : i32
      %or3A_174 = vector.broadcast %shift_left3A_173 : i32 to vector<2x1x1xi32>
      %or3A_175 = arith.ori %scan3A_170, %or3A_174 : vector<2x1x1xi32>
      %ge3A_176 = vector.broadcast %or3A_175 : vector<2x1x1xi32> to vector<2x128x128xi32>
      %ge3A_177 = arith.cmpi sge, %bitcast_convert_type3A, %ge3A_176 : vector<2x128x128xi32>
      %convert_element_type3A_178 = arith.extui %ge3A_177 : vector<2x128x128xi1> to vector<2x128x128xi32>
      %reduce_sum3A_179 = arith.constant dense<0> : vector<2xi32>
      %reduce_sum3A_180 = vector.multi_reduction <add>, %convert_element_type3A_178, %reduce_sum3A_179 [1, 2] : vector<2x128x128xi32> to vector<2xi32>
      %broadcast_in_dim3A_181 = vector.shape_cast %reduce_sum3A_180 : vector<2xi32> to vector<2x1x1xi32>
      %ge3A_182 = vector.broadcast %min3A_24 : i32 to vector<2x1x1xi32>
      %ge3A_183 = arith.cmpi sge, %broadcast_in_dim3A_181, %ge3A_182 : vector<2x1x1xi32>
      %select_n3A_184 = arith.select %ge3A_183, %or3A_175, %scan3A_170 : vector<2x1x1xi1>, vector<2x1x1xi32>
      scf.yield %select_n3A_184 : vector<2x1x1xi32>
    }
    %scan3A_53 = arith.constant 31 : i32
    %gt3A = vector.broadcast %scan3A_52 : vector<2x1x1xi32> to vector<2x128x128xi32>
    %gt3A_54 = arith.cmpi sgt, %bitcast_convert_type3A, %gt3A : vector<2x128x128xi32>
    %convert_element_type3A_55 = arith.extui %gt3A_54 : vector<2x128x128xi1> to vector<2x128x128xi32>
    %reduce_sum3A_56 = arith.constant dense<0> : vector<2xi32>
    %reduce_sum3A_57 = vector.multi_reduction <add>, %convert_element_type3A_55, %reduce_sum3A_56 [1, 2] : vector<2x128x128xi32> to vector<2xi32>
    %broadcast_in_dim3A_58 = vector.shape_cast %reduce_sum3A_57 : vector<2xi32> to vector<2x1x1xi32>
    %sub3A_59 = vector.broadcast %min3A_24 : i32 to vector<2x1x1xi32>
    %sub3A_60 = arith.subi %sub3A_59, %broadcast_in_dim3A_58 : vector<2x1x1xi32>
    %eq3A_61 = vector.broadcast %scan3A_52 : vector<2x1x1xi32> to vector<2x128x128xi32>
    %eq3A_62 = arith.cmpi eq, %bitcast_convert_type3A, %eq3A_61 : vector<2x128x128xi32>
    %broadcast_in_dim3A_63 = arith.constant 0 : i32
    %broadcast_in_dim3A_64 = vector.broadcast %broadcast_in_dim3A_63 : i32 to vector<2x1x1xi32>
    %scan3A_65 = arith.constant 0 : i32
    %scan3A_66 = arith.constant 14 : i32
    %scan3A_67 = arith.addi %scan3A_65, %scan3A_66 : i32
    %scan3A_68 = arith.constant 1 : i32
    %scan3A_69 = scf.for %scan3A_169 = %scan3A_65 to %scan3A_67 step %scan3A_68 iter_args(%scan3A_170 = %broadcast_in_dim3A_64) -> (vector<2x1x1xi32>)  : i32 {
      %sub3A_171 = arith.constant 13 : i32
      %sub3A_172 = arith.subi %sub3A_171, %scan3A_169 : i32
      %shift_left3A = arith.constant 1 : i32
      %shift_left3A_173 = arith.shli %shift_left3A, %sub3A_172 : i32
      %or3A_174 = vector.broadcast %shift_left3A_173 : i32 to vector<2x1x1xi32>
      %or3A_175 = arith.ori %scan3A_170, %or3A_174 : vector<2x1x1xi32>
      %ge3A_176 = vector.broadcast %or3A_175 : vector<2x1x1xi32> to vector<2x128x128xi32>
      %ge3A_177 = arith.cmpi sge, %broadcast_in_dim3A_6, %ge3A_176 : vector<2x128x128xi32>
      %and3A_178 = arith.andi %eq3A_62, %ge3A_177 : vector<2x128x128xi1>
      %convert_element_type3A_179 = arith.extui %and3A_178 : vector<2x128x128xi1> to vector<2x128x128xi32>
      %reduce_sum3A_180 = arith.constant dense<0> : vector<2xi32>
      %reduce_sum3A_181 = vector.multi_reduction <add>, %convert_element_type3A_179, %reduce_sum3A_180 [1, 2] : vector<2x128x128xi32> to vector<2xi32>
      %broadcast_in_dim3A_182 = vector.shape_cast %reduce_sum3A_181 : vector<2xi32> to vector<2x1x1xi32>
      %ge3A_183 = arith.cmpi sge, %broadcast_in_dim3A_182, %sub3A_60 : vector<2x1x1xi32>
      %select_n3A_184 = arith.select %ge3A_183, %or3A_175, %scan3A_170 : vector<2x1x1xi1>, vector<2x1x1xi32>
      scf.yield %select_n3A_184 : vector<2x1x1xi32>
    }
    %scan3A_70 = arith.constant 14 : i32
    %gt3A_71 = vector.broadcast %scan3A_52 : vector<2x1x1xi32> to vector<2x128x128xi32>
    %gt3A_72 = arith.cmpi sgt, %bitcast_convert_type3A, %gt3A_71 : vector<2x128x128xi32>
    %ge3A = vector.broadcast %scan3A_69 : vector<2x1x1xi32> to vector<2x128x128xi32>
    %ge3A_73 = arith.cmpi sge, %broadcast_in_dim3A_6, %ge3A : vector<2x128x128xi32>
    %and3A = arith.andi %eq3A_62, %ge3A_73 : vector<2x128x128xi1>
    %gt3A_74 = arith.constant 0 : i32
    %gt3A_75 = vector.broadcast %gt3A_74 : i32 to vector<2x1x1xi32>
    %gt3A_76 = arith.cmpi sgt, %sub3A_60, %gt3A_75 : vector<2x1x1xi32>
    %and3A_77 = vector.broadcast %gt3A_76 : vector<2x1x1xi1> to vector<2x128x128xi1>
    %and3A_78 = arith.andi %and3A, %and3A_77 : vector<2x128x128xi1>
    %or3A = arith.ori %gt3A_72, %and3A_78 : vector<2x128x128xi1>
    %sub3A_79 = arith.subi %min3A_24, %convert_element_type3A_22 : i32
    %max3A = arith.constant 0 : i32
    %max3A_80 = arith.maxsi %sub3A_79, %max3A : i32
    %bitcast_convert_type3A_81 = tpu.bitcast %get3A_36 : vector<2x128x128xf32> -> vector<2x128x128xi32>
    %broadcast_in_dim3A_82 = arith.constant 0 : i32
    %broadcast_in_dim3A_83 = vector.broadcast %broadcast_in_dim3A_82 : i32 to vector<2x1x1xi32>
    %scan3A_84 = arith.constant 0 : i32
    %scan3A_85 = arith.constant 31 : i32
    %scan3A_86 = arith.addi %scan3A_84, %scan3A_85 : i32
    %scan3A_87 = arith.constant 1 : i32
    %scan3A_88 = scf.for %scan3A_169 = %scan3A_84 to %scan3A_86 step %scan3A_87 iter_args(%scan3A_170 = %broadcast_in_dim3A_83) -> (vector<2x1x1xi32>)  : i32 {
      %sub3A_171 = arith.constant 30 : i32
      %sub3A_172 = arith.subi %sub3A_171, %scan3A_169 : i32
      %shift_left3A = arith.constant 1 : i32
      %shift_left3A_173 = arith.shli %shift_left3A, %sub3A_172 : i32
      %or3A_174 = vector.broadcast %shift_left3A_173 : i32 to vector<2x1x1xi32>
      %or3A_175 = arith.ori %scan3A_170, %or3A_174 : vector<2x1x1xi32>
      %lt3A_176 = vector.broadcast %or3A_175 : vector<2x1x1xi32> to vector<2x128x128xi32>
      %lt3A_177 = arith.cmpi slt, %bitcast_convert_type3A_81, %lt3A_176 : vector<2x128x128xi32>
      %and3A_178 = arith.andi %or3A, %lt3A_177 : vector<2x128x128xi1>
      %convert_element_type3A_179 = arith.extui %and3A_178 : vector<2x128x128xi1> to vector<2x128x128xi32>
      %reduce_sum3A_180 = arith.constant dense<0> : vector<2xi32>
      %reduce_sum3A_181 = vector.multi_reduction <add>, %convert_element_type3A_179, %reduce_sum3A_180 [1, 2] : vector<2x128x128xi32> to vector<2xi32>
      %broadcast_in_dim3A_182 = vector.shape_cast %reduce_sum3A_181 : vector<2xi32> to vector<2x1x1xi32>
      %ge3A_183 = vector.broadcast %max3A_80 : i32 to vector<2x1x1xi32>
      %ge3A_184 = arith.cmpi sge, %broadcast_in_dim3A_182, %ge3A_183 : vector<2x1x1xi32>
      %select_n3A_185 = arith.select %ge3A_184, %scan3A_170, %or3A_175 : vector<2x1x1xi1>, vector<2x1x1xi32>
      scf.yield %select_n3A_185 : vector<2x1x1xi32>
    }
    %scan3A_89 = arith.constant 31 : i32
    %eq3A_90 = vector.broadcast %scan3A_88 : vector<2x1x1xi32> to vector<2x128x128xi32>
    %eq3A_91 = arith.cmpi eq, %bitcast_convert_type3A_81, %eq3A_90 : vector<2x128x128xi32>
    %and3A_92 = arith.andi %or3A, %eq3A_91 : vector<2x128x128xi1>
    %lt3A = vector.broadcast %scan3A_88 : vector<2x1x1xi32> to vector<2x128x128xi32>
    %lt3A_93 = arith.cmpi slt, %bitcast_convert_type3A_81, %lt3A : vector<2x128x128xi32>
    %and3A_94 = arith.andi %or3A, %lt3A_93 : vector<2x128x128xi1>
    %convert_element_type3A_95 = arith.extui %and3A_94 : vector<2x128x128xi1> to vector<2x128x128xi32>
    %reduce_sum3A_96 = arith.constant dense<0> : vector<2xi32>
    %reduce_sum3A_97 = vector.multi_reduction <add>, %convert_element_type3A_95, %reduce_sum3A_96 [1, 2] : vector<2x128x128xi32> to vector<2xi32>
    %broadcast_in_dim3A_98 = vector.shape_cast %reduce_sum3A_97 : vector<2xi32> to vector<2x1x1xi32>
    %sub3A_99 = vector.broadcast %max3A_80 : i32 to vector<2x1x1xi32>
    %sub3A_100 = arith.subi %sub3A_99, %broadcast_in_dim3A_98 : vector<2x1x1xi32>
    %broadcast_in_dim3A_101 = arith.constant 0 : i32
    %broadcast_in_dim3A_102 = vector.broadcast %broadcast_in_dim3A_101 : i32 to vector<2x1x1xi32>
    %scan3A_103 = arith.constant 0 : i32
    %scan3A_104 = arith.constant 14 : i32
    %scan3A_105 = arith.addi %scan3A_103, %scan3A_104 : i32
    %scan3A_106 = arith.constant 1 : i32
    %scan3A_107 = scf.for %scan3A_169 = %scan3A_103 to %scan3A_105 step %scan3A_106 iter_args(%scan3A_170 = %broadcast_in_dim3A_102) -> (vector<2x1x1xi32>)  : i32 {
      %sub3A_171 = arith.constant 13 : i32
      %sub3A_172 = arith.subi %sub3A_171, %scan3A_169 : i32
      %shift_left3A = arith.constant 1 : i32
      %shift_left3A_173 = arith.shli %shift_left3A, %sub3A_172 : i32
      %or3A_174 = vector.broadcast %shift_left3A_173 : i32 to vector<2x1x1xi32>
      %or3A_175 = arith.ori %scan3A_170, %or3A_174 : vector<2x1x1xi32>
      %lt3A_176 = vector.broadcast %or3A_175 : vector<2x1x1xi32> to vector<2x128x128xi32>
      %lt3A_177 = arith.cmpi slt, %broadcast_in_dim3A_6, %lt3A_176 : vector<2x128x128xi32>
      %and3A_178 = arith.andi %and3A_92, %lt3A_177 : vector<2x128x128xi1>
      %convert_element_type3A_179 = arith.extui %and3A_178 : vector<2x128x128xi1> to vector<2x128x128xi32>
      %reduce_sum3A_180 = arith.constant dense<0> : vector<2xi32>
      %reduce_sum3A_181 = vector.multi_reduction <add>, %convert_element_type3A_179, %reduce_sum3A_180 [1, 2] : vector<2x128x128xi32> to vector<2xi32>
      %broadcast_in_dim3A_182 = vector.shape_cast %reduce_sum3A_181 : vector<2xi32> to vector<2x1x1xi32>
      %ge3A_183 = arith.cmpi sge, %broadcast_in_dim3A_182, %sub3A_100 : vector<2x1x1xi32>
      %select_n3A_184 = arith.select %ge3A_183, %scan3A_170, %or3A_175 : vector<2x1x1xi1>, vector<2x1x1xi32>
      scf.yield %select_n3A_184 : vector<2x1x1xi32>
    }
    %scan3A_108 = arith.constant 14 : i32
    %lt3A_109 = vector.broadcast %scan3A_88 : vector<2x1x1xi32> to vector<2x128x128xi32>
    %lt3A_110 = arith.cmpi slt, %bitcast_convert_type3A_81, %lt3A_109 : vector<2x128x128xi32>
    %le3A = vector.broadcast %scan3A_107 : vector<2x1x1xi32> to vector<2x128x128xi32>
    %le3A_111 = arith.cmpi sle, %broadcast_in_dim3A_6, %le3A : vector<2x128x128xi32>
    %and3A_112 = arith.andi %and3A_92, %le3A_111 : vector<2x128x128xi1>
    %gt3A_113 = arith.constant 0 : i32
    %gt3A_114 = vector.broadcast %gt3A_113 : i32 to vector<2x1x1xi32>
    %gt3A_115 = arith.cmpi sgt, %sub3A_100, %gt3A_114 : vector<2x1x1xi32>
    %and3A_116 = vector.broadcast %gt3A_115 : vector<2x1x1xi1> to vector<2x128x128xi1>
    %and3A_117 = arith.andi %and3A_112, %and3A_116 : vector<2x128x128xi1>
    %or3A_118 = arith.ori %lt3A_110, %and3A_117 : vector<2x128x128xi1>
    %and3A_119 = arith.andi %or3A, %or3A_118 : vector<2x128x128xi1>
    %not3A = arith.constant dense<true> : vector<2x128x128xi1>
    %not3A_120 = arith.xori %and3A_119, %not3A : vector<2x128x128xi1>
    %and3A_121 = arith.andi %or3A, %not3A_120 : vector<2x128x128xi1>
    %slice3A = vector.extract_strided_slice %and3A_119 {offsets = [1, 0, 0], sizes = [1, 128, 128], strides = [1, 1, 1]} : vector<2x128x128xi1> to vector<1x128x128xi1>
    %squeeze3A = vector.shape_cast %slice3A : vector<1x128x128xi1> to vector<128x128xi1>
    %jit3A_122 = arith.constant 0.000000e+00 : f32
    %jit3A_123 = arith.constant 1.000000e+00 : f32
    %broadcast_in_dim3A_124 = vector.broadcast %jit3A_122 : f32 to vector<128x128xf32>
    %broadcast_in_dim3A_125 = vector.broadcast %jit3A_123 : f32 to vector<128x128xf32>
    %select_n3A_126 = arith.select %squeeze3A, %broadcast_in_dim3A_124, %broadcast_in_dim3A_125 : vector<128x128xi1>, vector<128x128xf32>
    %slice3A_127 = vector.extract_strided_slice %and3A_121 {offsets = [1, 0, 0], sizes = [1, 128, 128], strides = [1, 1, 1]} : vector<2x128x128xi1> to vector<1x128x128xi1>
    %squeeze3A_128 = vector.shape_cast %slice3A_127 : vector<1x128x128xi1> to vector<128x128xi1>
    %slice3A_129 = vector.extract_strided_slice %get3A_40 {offsets = [0, 0, 0], sizes = [1, 128, 128], strides = [1, 1, 1]} : vector<2x128x128xf32> to vector<1x128x128xf32>
    %squeeze3A_130 = vector.shape_cast %slice3A_129 : vector<1x128x128xf32> to vector<128x128xf32>
    %slice3A_131 = vector.extract_strided_slice %get3A_32 {offsets = [0, 0, 0], sizes = [1, 128, 128], strides = [1, 1, 1]} : vector<2x128x128xf32> to vector<1x128x128xf32>
    %squeeze3A_132 = vector.shape_cast %slice3A_131 : vector<1x128x128xf32> to vector<128x128xf32>
    %select_n3A_133 = arith.select %squeeze3A_128, %squeeze3A_130, %squeeze3A_132 : vector<128x128xi1>, vector<128x128xf32>
    %slice3A_134 = vector.extract_strided_slice %log3A {offsets = [0, 0, 0], sizes = [1, 128, 128], strides = [1, 1, 1]} : vector<2x128x128xf32> to vector<1x128x128xf32>
    %squeeze3A_135 = vector.shape_cast %slice3A_134 : vector<1x128x128xf32> to vector<128x128xf32>
    %sub3A_136 = arith.subf %squeeze3A_135, %select_n3A_133 : vector<128x128xf32>
    %mul3A_137 = arith.mulf %select_n3A_126, %sub3A_136 : vector<128x128xf32>
    %reduce_sum3A_138 = vector.shape_cast %mul3A_137 : vector<128x128xf32> to vector<1x128x128xf32>
    %reduce_sum3A_139 = arith.constant dense<0.000000e+00> : vector<1xf32>
    %reduce_sum3A_140 = vector.multi_reduction <add>, %reduce_sum3A_138, %reduce_sum3A_139 [1, 2] : vector<1x128x128xf32> to vector<1xf32>
    %reduce_sum3A_141 = vector.shape_cast %reduce_sum3A_140 : vector<1xf32> to vector<1x1x1xf32>
    %reduce_sum3A_142 = vector.extract %reduce_sum3A_141[0, 0, 0] : f32 from vector<1x1x1xf32>
    %swap3A = arith.constant 0 : index
    %swap3A_143 = memref.load %arg4[%swap3A] : memref<2xf32, #tpu.memory_space<smem>>
    memref.store %reduce_sum3A_142, %arg4[%swap3A] : memref<2xf32, #tpu.memory_space<smem>>
    %slice3A_144 = vector.extract_strided_slice %and3A_119 {offsets = [0, 0, 0], sizes = [1, 128, 128], strides = [1, 1, 1]} : vector<2x128x128xi1> to vector<1x128x128xi1>
    %squeeze3A_145 = vector.shape_cast %slice3A_144 : vector<1x128x128xi1> to vector<128x128xi1>
    %jit3A_146 = arith.constant 0.000000e+00 : f32
    %jit3A_147 = arith.constant 1.000000e+00 : f32
    %broadcast_in_dim3A_148 = vector.broadcast %jit3A_146 : f32 to vector<128x128xf32>
    %broadcast_in_dim3A_149 = vector.broadcast %jit3A_147 : f32 to vector<128x128xf32>
    %select_n3A_150 = arith.select %squeeze3A_145, %broadcast_in_dim3A_148, %broadcast_in_dim3A_149 : vector<128x128xi1>, vector<128x128xf32>
    %slice3A_151 = vector.extract_strided_slice %and3A_121 {offsets = [0, 0, 0], sizes = [1, 128, 128], strides = [1, 1, 1]} : vector<2x128x128xi1> to vector<1x128x128xi1>
    %squeeze3A_152 = vector.shape_cast %slice3A_151 : vector<1x128x128xi1> to vector<128x128xi1>
    %slice3A_153 = vector.extract_strided_slice %get3A_40 {offsets = [1, 0, 0], sizes = [1, 128, 128], strides = [1, 1, 1]} : vector<2x128x128xf32> to vector<1x128x128xf32>
    %squeeze3A_154 = vector.shape_cast %slice3A_153 : vector<1x128x128xf32> to vector<128x128xf32>
    %slice3A_155 = vector.extract_strided_slice %get3A_32 {offsets = [1, 0, 0], sizes = [1, 128, 128], strides = [1, 1, 1]} : vector<2x128x128xf32> to vector<1x128x128xf32>
    %squeeze3A_156 = vector.shape_cast %slice3A_155 : vector<1x128x128xf32> to vector<128x128xf32>
    %select_n3A_157 = arith.select %squeeze3A_152, %squeeze3A_154, %squeeze3A_156 : vector<128x128xi1>, vector<128x128xf32>
    %slice3A_158 = vector.extract_strided_slice %log3A {offsets = [1, 0, 0], sizes = [1, 128, 128], strides = [1, 1, 1]} : vector<2x128x128xf32> to vector<1x128x128xf32>
    %squeeze3A_159 = vector.shape_cast %slice3A_158 : vector<1x128x128xf32> to vector<128x128xf32>
    %sub3A_160 = arith.subf %squeeze3A_159, %select_n3A_157 : vector<128x128xf32>
    %mul3A_161 = arith.mulf %select_n3A_150, %sub3A_160 : vector<128x128xf32>
    %reduce_sum3A_162 = vector.shape_cast %mul3A_161 : vector<128x128xf32> to vector<1x128x128xf32>
    %reduce_sum3A_163 = arith.constant dense<0.000000e+00> : vector<1xf32>
    %reduce_sum3A_164 = vector.multi_reduction <add>, %reduce_sum3A_162, %reduce_sum3A_163 [1, 2] : vector<1x128x128xf32> to vector<1xf32>
    %reduce_sum3A_165 = vector.shape_cast %reduce_sum3A_164 : vector<1xf32> to vector<1x1x1xf32>
    %reduce_sum3A_166 = vector.extract %reduce_sum3A_165[0, 0, 0] : f32 from vector<1x1x1xf32>
    %swap3A_167 = arith.constant 1 : index
    %swap3A_168 = memref.load %arg4[%swap3A_167] : memref<2xf32, #tpu.memory_space<smem>>
    memref.store %reduce_sum3A_166, %arg4[%swap3A_167] : memref<2xf32, #tpu.memory_space<smem>>
    return
  }
}

</mosaic_0001>

<sc_bundles>
// kernel: kernel.5.cloned.1.call-start
scs
__scs_entry_jumppad:
0x0: {  	(pc) =	sbr.rel $0x88, $3  }
0x1: {  	(tag) =	ssettag $0x0;
	lr =	simm.s32 $0x1  }
0x2: {  	[smem:$0x3F9D] =	sst lr;
	_ =	strace $0xD0000000  }
0x3: {  	_ = 	snop  }
0x4: {  	_ = 	snop  }
0x5: {  	_ = 	snop  }
0x6: {  	_ = 	snop  }
0x7: {  	_ = 	snop  }
__scs_overlays_trampoline_lowered:
0x8: {  	[smem:$0x3FAC] =	sst s0  }
0x9: {  	[smem:$0x3FAD] =	sst s1  }
0xa: {  	[smem:$0x3FAE] =	sst s2  }
0xb: {  	[smem:$0x3FAF] =	sst s3  }
0xc: {  	[smem:$0x3FB0] =	sst s4  }
0xd: {  	[smem:$0x3FB1] =	sst s5  }
0xe: {  	[smem:$0x3FB2] =	sst s6  }
0xf: {  	[smem:$0x3FB3] =	sst s7  }
0x10: {  	[smem:$0x3FB4] =	sst s8  }
0x11: {  	[smem:$0x3FB5] =	sst s9;
	s0 =	simm.s32 @!p0 $0x0  }
0x12: {  	s1 =	sld [smem:$0x3F9B];
	s0 =	simm.s32 @p0 $0x1  }
0x13: {  	[smem:$0x3FB6] =	sst s0;
	s0 =	simm.s32 @!p1 $0x0  }
0x14: {  	s2 =	sld [smem:$0x3F9A];
	s0 =	simm.s32 @p1 $0x1  }
0x15: {  	[smem:$0x3FB7] =	sst s0;
	s0 =	simm.s32 @!p2 $0x0  }
0x16: {  	s3 =	sld [smem:$0x3FDB];
	s0 =	simm.s32 @p2 $0x1  }
0x17: {  	s4 =	simm.s32 $0x1BF5;
	[smem:$0x3FB9] =	sst s0  }
0x18: {  	s0 =	sld [smem:$0x3F9C];
	_ =	swait.ge [sflag:s4], $0x0  }
0x19: {  	s7 =	sld [smem:$0x3F9D]  }
0x1a: {  	s8 =	sadd.s32 $0xFFFFE003, lr  }
0x1b: {  	s9 =	sadd.s32 $0xFFFFFEF7, lr;
	s5 =	simm.s32 $0xFFFFFFFF;
	p2 =	slt.u32 s8, $0xFFFFF086  }
0x1c: {  	p1 =	slt.u32 s9, $0xF7A;
	s5 =	simm.s32 @!p2 $0x0  }
0x1d: {  	s5 =	simm.s32 @p1 $0x1;
	p0 =	seq.s32 s7, s2  }
0x1e: {  	s7 =	smul.u32 @!p0 $0xF7A, s2;
	p2 =	seq.s32 @!p0 s5, $0x0  }
0x1f: {  	s9 =	smul.u32 $0xF7A, s1;
	s8 =	simm.s32 @!p0 $0x1BF5;
	p2 =	por !p2, p0  }
0x20: {  	[sflag:s8] =	ssyncset.s32 @!p0 $0xFFFFF086;
	s6 =	sadd.s32 @!p0 s3, s7;
	s7 =	simm.s32 @!p0 $0x108  }
0x21: {  	s3 =	sadd.s32 s3, s9;
	s6 =	sadd.s32 @!p0 $0x88, s6;
	s7 =	simm.s32 @p2 $0x1082  }
0x22: {  	[simem:s7], [sflag:s8] =	dma.local @!p0 [hbm:s6], $0xF7A  }
0x23: {  	s9 =	sor.u32 $0xD0000000, s2;
	s6 =	simm.s32 $0x108;
	_ =	swait.ge @!p0 [sflag:s8], $0x0  }
0x24: {  	s3 =	sadd.s32 $0x88, s3;
	s6 =	simm.s32 @!p1 $0x1082;
	[sflag:s4] =	ssyncset.s32 $0xFFFFF086  }
0x25: {  	[simem:s6], [sflag:s4] =	dma.local [hbm:s3], $0xF7A  }
0x26: {  	[smem:$0x3F9D] =	sst s1;
	(tag) =	ssettag s2;
	_ =	strace s9  }
0x27: {  	s1 =	sld [smem:$0x3FAD]  }
0x28: {  	s2 =	sld [smem:$0x3FAE]  }
0x29: {  	s4 =	sld [smem:$0x3FB0]  }
0x2a: {  	p0 =	seq.s32 s5, $0x0;
	s5 =	sld [smem:$0x3FB1]  }
0x2b: {  	s6 =	sld [smem:$0x3FB2]  }
0x2c: {  	s7 =	sld [smem:$0x3FB3]  }
0x2d: {  	s3 =	simm.s32 $0x108;
	s8 =	sld [smem:$0x3FB4]  }
0x2e: {  	s3 =	simm.s32 @!p0 $0x1082;
	s9 =	sld [smem:$0x3FB5]  }
0x2f: {  	lr =	sadd.s32 s0, s3;
	s0 =	sld [smem:$0x3FAC]  }
0x30: {  	s3 =	sld [smem:$0x3FAF]  }
0x31: {  	[smem:$0x3FB8] =	sst s10  }
0x32: {  	s10 =	sld [smem:$0x3FB6];
	_ =	sdelay $0x3  }
0x33: {  	p0 =	seq.s32 s10, $0x1;
	s10 =	sld [smem:$0x3FB8];
	_ =	sdelay $0x3  }
0x34: {  	[smem:$0x3FB8] =	sst s10  }
0x35: {  	s10 =	sld [smem:$0x3FB7];
	_ =	sdelay $0x3  }
0x36: {  	p1 =	seq.s32 s10, $0x1;
	s10 =	sld [smem:$0x3FB8];
	_ =	sdelay $0x3  }
0x37: {  	[smem:$0x3FB8] =	sst s10  }
0x38: {  	s10 =	sld [smem:$0x3FB9]  }
0x39: {  	_ = 	snop;
	(pc) =	sbr.ind lr, $3  }
0x3a: {  	_ = 	snop  }
0x3b: {  	_ = 	snop  }
0x3c: {  	p2 =	seq.s32 s10, $0x1;
	s10 =	sld [smem:$0x3FB8]  }
0x3d: {  	_ =	shalt  }
0x3e: {  	_ =	shalt  }
0x3f: {  	_ =	shalt  }
0x40: {  	_ =	shalt  }
0x41: {  	_ =	shalt  }
0x42: {  	_ =	shalt  }
0x43: {  	_ =	shalt  }
0x44: {  	_ =	shalt  }
0x45: {  	_ =	shalt  }
0x46: {  	_ =	shalt  }
0x47: {  	_ =	shalt  }
0x48: {  	_ =	shalt  }
0x49: {  	_ =	shalt  }
0x4a: {  	_ =	shalt  }
0x4b: {  	_ =	shalt  }
0x4c: {  	_ =	shalt  }
0x4d: {  	_ =	shalt  }
0x4e: {  	_ =	shalt  }
0x4f: {  	_ =	shalt  }
0x50: {  	_ =	shalt  }
0x51: {  	_ =	shalt  }
0x52: {  	_ =	shalt  }
0x53: {  	_ =	shalt  }
0x54: {  	_ =	shalt  }
0x55: {  	_ =	shalt  }
0x56: {  	_ =	shalt  }
0x57: {  	_ =	shalt  }
0x58: {  	_ =	shalt  }
0x59: {  	_ =	shalt  }
0x5a: {  	_ =	shalt  }
0x5b: {  	_ =	shalt  }
0x5c: {  	_ =	shalt  }
0x5d: {  	_ =	shalt  }
0x5e: {  	_ =	shalt  }
0x5f: {  	_ =	shalt  }
0x60: {  	_ =	shalt  }
0x61: {  	_ =	shalt  }
0x62: {  	_ =	shalt  }
0x63: {  	_ =	shalt  }
0x64: {  	_ =	shalt  }
0x65: {  	_ =	shalt  }
0x66: {  	_ =	shalt  }
0x67: {  	_ =	shalt  }
0x68: {  	_ =	shalt  }
0x69: {  	_ =	shalt  }
0x6a: {  	_ =	shalt  }
0x6b: {  	_ =	shalt  }
0x6c: {  	_ =	shalt  }
0x6d: {  	_ =	shalt  }
0x6e: {  	_ =	shalt  }
0x6f: {  	_ =	shalt  }
0x70: {  	_ =	shalt  }
0x71: {  	_ =	shalt  }
0x72: {  	_ =	shalt  }
0x73: {  	_ =	shalt  }
0x74: {  	_ =	shalt  }
0x75: {  	_ =	shalt  }
0x76: {  	_ =	shalt  }
0x77: {  	_ =	shalt  }
0x78: {  	_ =	shalt  }
0x79: {  	_ =	shalt  }
0x7a: {  	_ =	shalt  }
0x7b: {  	_ =	shalt  }
0x7c: {  	_ =	shalt  }
0x7d: {  	_ =	shalt  }
0x7e: {  	_ =	shalt  }
0x7f: {  	_ =	shalt  }
0x80: {  	_ =	shalt  }
0x81: {  	_ =	shalt  }
0x82: {  	_ =	shalt  }
0x83: {  	_ =	shalt  }
0x84: {  	_ =	shalt  }
0x85: {  	_ =	shalt  }
0x86: {  	_ =	shalt  }
0x87: {  	_ =	shalt  }
.Lfunc_end0:
.L_simem_size_0:
called_computation_lowered:
.L_overlay_start_0:
0x88: {  	s2 =	sld [smem:$0x3FD9]  }
0x89: {  	s3 =	sld [smem:$0x3FFE];
	_ =	sdelay $0x1  }
0x8a: {  	s1 =	srdreg.scid  }
0x8b: {  	s0 =	sand.u32 $0x1, s1  }
0x8c: {  	s17 =	sshll.u32 s0, $0xA;
	s2 =	sadd.s32 s3, s2  }
0x8d: {  	s2 =	sadd.s32 s2, s17  }
0x8e: {  	[smem:$0x3FC4] =	sst s2  }
0x8f: {  	_ = 	snop  }
0x90: {  	s2 =	sld [smem:$0x3FC8];
	(tm) =	ssettm $0x1  }
0x91: {  	s18 =	sld [smem:$0x3FFB];
	_ =	sdelay $0x3  }
0x92: {  	_ =	strace s18  }
0x93: {  	s3 =	sld [smem:$0x3FFC];
	_ =	sdelay $0x3  }
0x94: {  	_ =	strace s3  }
0x95: {  	s3 =	sld [smem:$0x3FFD];
	_ =	sdelay $0x3  }
0x96: {  	_ =	strace s3  }
0x97: {  	_ =	strace $0x8FFFFFFF  }
0x98: {  	s19 =	sld [smem:$0x3FDB];
	_ =	sdelay $0x1  }
0x99: {  	s4 =	simm.s32 $_scs_section_size  }
0x9a: {  	s5 =	simm.s32 $_size__tile_overlayer_lowered;
	s6 =	simm.s32 $_tile_overlayer_lowered  }
0x9b: {  	s22 =	simm.s32 $0x1BFF;
	s21 =	sshll.u32 s6, $0x1;
	s3 =	sadd.s32 s4, s19  }
0x9c: {  	s7 =	simm.s32 $0x0;
	s20 =	sshll.u32 s5, $0x1;
	s5 =	sadd.s32 s21, s3  }
0x9d: {  	[timem:s7], [sflag:s22] =	dma.local [hbm:s5], s20  }
0x9e: {  	_ =	swait.ge [sflag:s22], s20  }
0x9f: {  	s4 =	ssub.s32 $0x0, s20;
	[sflag:s22] =	ssyncset.done $0x0  }
0xa0: {  	[sflag:s22] =	ssyncadd.s32 s4;
	_ =	sdelay $0x1  }
0xa1: {  	s23 =	simm.s32 $0x1B8B  }
0xa2: {  	_ =	swait.ge [sflag:s23], $0x1  }
0xa3: {  	[sflag:s23] =	ssyncset.done $0x0  }
0xa4: {  	s25 =	simm.s32 $0x1B8E;
	s24 =	sld [smem:$0x3FFE];
	[sflag:s23] =	ssyncadd.s32 $0xFFFFFFFF  }
0xa5: {  	s26 =	simm.s32 $execute0_lowered;
	[smem:$0x3FD2] =	sst s25  }
0xa6: {  	s5 =	sshll.u32 s26, $0x1;
	_ =	strace $0x80000046;
	[dreg:$0x1] =	wrdreg $0xFFFFFFFF  }
0xa7: {  	s28 =	simm.s32 $_size_execute0_lowered;
	s3 =	sadd.s32 s3, s5;
	[dreg:$0x0] =	wrdreg $0x0  }
0xa8: {  	s5 =	sshll.u32 s28, $0x1;
	[dreg:$0x2] =	wrdreg s3  }
0xa9: {  	[dreg:$0x3] =	wrdreg s5  }
0xaa: {  	[dreg:$0x4] =	wrdreg $0xC0  }
0xab: {  	_ =	task [dreg:s7], $0x5FFFF  }
0xac: {  	[dreg:$0x1] =	wrdreg $0xFFFFFFFF  }
0xad: {  	[dreg:$0x0] =	wrdreg $0x60  }
0xae: {  	[dreg:$0x2] =	wrdreg s24  }
0xaf: {  	[dreg:$0x3] =	wrdreg s2  }
0xb0: {  	[dreg:$0x4] =	wrdreg $0x9  }
0xb1: {  	_ =	task.clear_ibuf [dreg:s7], $0x5FFFF;
	_ =	strace $0x90000046  }
0xb2: {  	s29 =	simm.s32 $0x9;
	_ =	strace $0x80000048  }
0xb3: {  	_ =	swait.ge [sflag:s29], $0x1  }
0xb4: {  	[sflag:s29] =	ssyncadd.s32 $0xFFFFFFFF  }
0xb5: {  	_ =	strace $0x90000048  }
0xb6: {  	_ =	sfence  }
0xb7: {  	s30 =	sld [smem:$0x0];
	_ =	sdelay $0x2  }
0xb8: {  	s31 =	sshll.u32 s1, $0xD;
	s1 =	sshrl.u32 s1, $0x2  }
0xb9: {  	s3 =	sand.u32 $0x4000, s31;
	s1 =	sadd.s32 s1, s30  }
0xba: {  	s0 =	sor.u32 s3, s0;
	s1 =	sshll.u32 s1, $0x11  }
0xbb: {  	s0 =	sor.u32 s1, s0  }
0xbc: {  	s0 =	sadd.s32 $0x8F2B, s0  }
0xbd: {  	[sflag:s0] =	ssyncadd.remote.s32 $0x1  }
0xbe: {  	_ =	sfence.sel $0xFFFF  }
0xbf: {  	[dreg:$0x0] =	wrdreg $0xFFFFFFFF;
	(pc) =	sbr.abs _section_cstart, $3  }
0xc0: {  	[dreg:$0x1] =	wrdreg $0xFFFFFFFF  }
0xc1: {  	_ =	task.clear_ibuf [dreg:s7], $0x2FFFF;
	_ =	strace $0x9FFFFFFF  }
0xc2: {  	(tm) =	ssettm $0x7FFFFFFF  }
0xc3: {  	_ =	shalt  }
tec
execute0_lowered:
.L_overlay_start_1:
0x0: {  	(tag) =	ssettag $0x1  }
0x1: {  	s1 =	rddreg [dreg:$0x0]  }
0x2: {  	s0 =	rddreg [dreg:$0x1];
	s2 =	simm.s32 $0x0;
	v0 =	vimm.s32 $0x2380;
	vm0 =	vcmask $0x300  }
0x3: {  	s3 =	srdreg.scid;
	s4 =	stileid.u32;
	vm14 =	vcmask $0x704;
	s17 =	simm.s32 $0x1;
	v0 =	vsel vm0, $0x0, v0  }
0x4: {  	vm15 =	vcmask $0xB08;
	s18 =	simm.s32 $0x4000;
	s19 =	simm.s32 $0x8000;
	s21 =	simm.s32 $0x0;
	v0 =	vsel vm14, $0x80, v0  }
0x5: {  	vm4 =	vcmask $0xF0C;
	[smem:$0x7FF] =	sst s2;
	s3 =	sand.u32 $0x1, s3;
	s4 =	sshll.u32 s4, $0x1;
	v0 =	vsel vm15, $0x100, v0  }
0x6: {  	vm5 =	vcmask $0x1310;
	s12 =	sadd.s32 $0x800, s1;
	_ =	strace $0x80000047;
	s4 =	sor.u32 s3, s4;
	v0 =	vsel vm4, $0x180, v0  }
0x7: {  	vm6 =	vcmask $0x1714;
	s3 =	ssub.s32 $0x2, s3;
	s10 =	sshll.u32 s4, $0x6;
	s4 =	sshll.u32 s4, $0x7;
	v0 =	vsel vm5, $0x200, v0  }
0x8: {  	vm7 =	vcmask $0x1B18;
	s5 =	sshrl.u32 s3, $0x1;
	s6 =	sor.u32 $0x3800, s10;
	s15 =	sadd.s32 s4, s1;
	v0 =	vsel vm6, $0x280, v0  }
0x9: {  	vm8 =	vcmask $0x1F1C;
	s16 =	ssub.s32 s3, s5;
	s1 =	sadd.s32 $0x200800, s1;
	s8 =	sor.u32 $0x3810, s10;
	v0 =	vsel vm7, $0x300, v0  }
0xa: {  	vm9 =	vcmask $0x2320;
	s11 =	sor.u32 $0x3820, s10;
	s14 =	sor.u32 $0x3830, s10;
	s29 =	sshll.u32 s6, $0x7;
	v0 =	vsel vm8, $0x380, v0  }
0xb: {  	vm10 =	vcmask $0x2724;
	s30 =	sshrl.u32 s6, $0x3;
	s7 =	sshll.u32 s8, $0x7;
	s8 =	sshrl.u32 s8, $0x3;
	v0 =	vsel vm9, $0x2000, v0  }
0xc: {  	vm11 =	vcmask $0x2B28;
	s13 =	sshll.u32 s11, $0x7;
	s11 =	sshrl.u32 s11, $0x3;
	s31 =	sshll.u32 s14, $0x7;
	v0 =	vsel vm10, $0x2080, v0  }
0xd: {  	vm12 =	vcmask $0x2F2C;
	s14 =	sshrl.u32 s14, $0x3;
	s15 =	sadd.s32 $0x400800, s15;
	s16 =	smax.u32 s16, $0x1;
	v0 =	vsel vm11, $0x2100, v0  }
0xe: {  	vm13 =	vcmask $0x3330;
	s3 =	sadd.s32 s12, s29;
	s4 =	sadd.s32 s29, s1;
	s5 =	sadd.s32 s0, s30;
	v0 =	vsel vm12, $0x2180, v0  }
0xf: {  	vm14 =	vcmask $0x3734;
	s6 =	sadd.s32 s12, s7;
	s7 =	sadd.s32 s7, s1;
	s8 =	sadd.s32 s0, s8;
	v0 =	vsel vm13, $0x2200, v0  }
0x10: {  	vm15 =	vcmask $0x3B38;
	s9 =	sadd.s32 s12, s13;
	s10 =	sadd.s32 s13, s1;
	s11 =	sadd.s32 s0, s11;
	v0 =	vsel vm14, $0x2280, v0  }
0x11: {  	s12 =	sadd.s32 s12, s31;
	s13 =	sadd.s32 s31, s1;
	s14 =	sadd.s32 s0, s14;
	v0 =	vsel vm15, $0x2300, v0  }
.LBB2_1:
0x12: {  	[tilespmem:s2], [sflag:$0x1] =	stream.linear.gather [hbm4b:s3+s2], $0x4000, $0x38;
	[tilespmem:$0x8480] =	vst v63  }
0x13: {  	_ =	swait.ge [sflag:s17], $0x4000  }
0x14: {  	s28 =	simm.s32 $0x1;
	[sflag:s17] =	ssyncset.done $0x0  }
0x15: {  	s24 =	simm.s32 $0x3;
	v1 =	vmov s28;
	[sflag:s17] =	ssyncadd.s32 $0xFFFFC000  }
0x16: {  	v3 =	vshll.u32 v1, $0x3;
	[tilespmem:s18], [sflag:$0x1] =	stream.linear.gather [hbm4b:s4+s2], $0x4000, $0x38;
	[tilespmem:$0x8480] =	vst v63  }
0x17: {  	s22 =	simm.s32 $0x6;
	v4 =	vmov s24;
	v1 =	vand.u32 $0x79, v1;
	v3 =	vand.u32 $0x1C00, v3;
	_ =	swait.ge [sflag:s17], $0x4000  }
0x18: {  	v2 =	vmov s22;
	v1 =	vor.u32 v3, v1;
	v3 =	vshll.u32 v4, $0x3;
	[sflag:s17] =	ssyncset.done $0x0  }
0x19: {  	s29 =	simm.s32 $0x2;
	s26 =	simm.s32 $0x4;
	v4 =	vand.u32 $0x7B, v4;
	v1 =	vor.u32 v0, v1;
	v3 =	vand.u32 $0x1C00, v3;
	[sflag:s17] =	ssyncadd.s32 $0xFFFFC000  }
0x1a: {  	v6 =	vmov s29;
	v7 =	vmov s26;
	v3 =	vor.u32 v3, v4;
	[tilespmem:s19], [sflag:$0x1] =	stream.linear.gather [hbm4b:s5+s2], $0x10, $0x38;
	[tilespmem:$0x8480] =	vst v63  }
0x1b: {  	v5 =	vand.u32 $0x7E, v2;
	v2 =	vshll.u32 v2, $0x3;
	v3 =	vor.u32 v0, v3;
	_ =	swait.ge [sflag:s17], $0x10  }
0x1c: {  	v8 =	vshll.u32 v6, $0x3;
	v2 =	vand.u32 $0x1C00, v2;
	v4 =	vshll.u32 v7, $0x3;
	[sflag:s17] =	ssyncset.done $0x0  }
0x1d: {  	v2 =	vor.u32 v2, v5;
	v7 =	vand.u32 $0x7C, v7;
	v4 =	vand.u32 $0x1C00, v4;
	[sflag:s17] =	ssyncadd.s32 $0xFFFFFFF0  }
0x1e: {  	v8 =	vand.u32 $0x1C00, v8;
	v2 =	vor.u32 v0, v2;
	v4 =	vor.u32 v4, v7;
	v9 =	vld.idx.msk [tilespmem:v1+s18+$0x0], $0xffff  }
0x1f: {  	s23 =	simm.s32 $0x7;
	v5 =	vand.u32 $0x7A, v6;
	v7 =	vor.u32 v0, v4;
	v4 =	vmov s2;
	v6 =	vld.idx.msk [tilespmem:v1+s2+$0x0], $0xffff  }
0x20: {  	v1 =	vor.u32 v8, v5;
	v5 =	vmov s23;
	v13 =	vld.idx.msk [tilespmem:v3+s18+$0x0], $0xffff;
	v8 =	vshll.u32 v4, $0x3  }
0x21: {  	s25 =	simm.s32 $0x5;
	v14 =	vld.idx.msk [tilespmem:v3+s2+$0x0], $0xffff;
	v3 =	vand.u32 $0x78, v4;
	v10 =	vor.u32 v0, v1;
	v1 =	vshll.u32 v5, $0x3  }
0x22: {  	v4 =	vand.u32 $0x1C00, v8;
	v8 =	vmov s25;
	v11 =	vand.u32 $0x1C00, v1  }
0x23: {  	v18 =	vld.idx.msk [tilespmem:v2+s18+$0x0], $0xffff;
	v3 =	vor.u32 v4, v3;
	v12 =	vshll.u32 v8, $0x3;
	v8 =	vand.u32 $0x7D, v8  }
0x24: {  	v1 =	vld.idx.msk [tilespmem:v2+s2+$0x0], $0xffff;
	v2 =	vand.u32 $0x7F, v5;
	v3 =	vor.u32 v0, v3;
	v12 =	vand.u32 $0x1C00, v12  }
0x25: {  	v2 =	vor.u32 v11, v2;
	v4 =	vmul.f32 $1.442695020e+00, v9;
	v15 =	vmul.f32 $1.442695020e+00, v6  }
0x26: {  	v16 =	vld.idx.msk [tilespmem:v7+s18+$0x0], $0xffff;
	v8 =	vor.u32 v12, v8;
	v12 =	vmul.f32 $1.442695020e+00, v14;
	v22 =	vmul.f32 v13, v13  }
0x27: {  	v8 =	vor.u32 v0, v8;
	v11 =	vmul.f32 v9, v9;
	v25 =	vmul.f32 v14, v14;
	v17 =	vld.idx.msk [tilespmem:v10+s2+$0x0], $0xffff  }
0x28: {  	v21 =	vor.u32 v0, v2;
	v29 =	vld.idx.msk [tilespmem:v10+s18+$0x0], $0xffff;
	(erf) = vpow2.f32 v4;
	v4 =	vmul.f32 $1.442695020e+00, v13  }
0x29: {  	v30 =	vmul.f32 v6, v6;
	v23 =	vmul.f32 $1.442695020e+00, v1  }
0x2a: {  	v2 =	vmul.f32 v1, v1;
	v19 =	vld.idx.msk [tilespmem:v3+s2+$0x0], $0xffff;
	(erf) = vpow2.f32 v4  }
0x2b: {  	v20 =	vld.idx.msk [tilespmem:v3+s18+$0x0], $0xffff;
	v3 =	vmul.f32 $1.442695020e+00, v16;
	(erf) = vpow2.f32 v15  }
0x2c: {  	v24 =	vimm.f32 $0.0e+00;
	v5 =	vld.idx.msk [tilespmem:v8+s2+$0x0], $0xffff;
	v15 =	vmul.f32 $1.442695020e+00, v18;
	v27 =	vmul.f32 $1.442695020e+00, v17  }
0x2d: {  	v26 =	vimm.f32 $-3.000000010e+38;
	v4 =	vld.idx.msk [tilespmem:v21+s18+$0x0], $0xffff;
	(erf) = vpow2.f32 v3;
	v35 =	vmul.f32 $1.442695020e+00, v29  }
0x2e: {  	v28 =	vimm.s32 $0x0;
	v54 =	vmul.f32 v29, v29;
	(erf) = vpow2.f32 v15  }
0x2f: {  	vm0 =	vgt.f32 v19, v26;
	v3 =	vmul.f32 $1.442695020e+00, v19;
	v10 =	vmul.f32 v19, v19  }
0x30: {  	v32 =	vmul.f32 v20, v20;
	v15 =	vsel vm0, v19, v26;
	v19 =	vmul.f32 $1.442695020e+00, v20  }
0x31: {  	v31 =	vsel vm0, s2, v28;
	vm0 =	vgt.f32 v6, v15;
	v53 =	vmul.f32 v5, v5  }
0x32: {  	v34 =	vadd.f32 v10, v24;
	v36 =	vmul.f32 $1.442695020e+00, v5;
	v10 =	vmul.f32 $1.442695020e+00, v4  }
0x33: {  	v33 =	vsel vm0, v6, v15;
	v6 =	vsel vm0, s28, v31;
	(erf) = vpow2.f32 v19  }
0x34: {  	vm0 =	vgt.f32 v20, v26;
	v19 =	vadd.f32 v32, v24;
	(erf) = vpow2.f32 v3  }
0x35: {  	v15 =	vld.idx.msk [tilespmem:v7+s2+$0x0], $0xffff;
	v28 =	vsel vm0, s2, v28;
	v3 =	vmul.f32 v4, v4;
	v7 =	vsel vm0, v20, v26  }
0x36: {  	vm1 =	vgt.f32 v17, v33;
	v55 =	vadd.f32 v30, v34;
	(erf) = vpow2.f32 v12  }
0x37: {  	v12 =	vmul.f32 v17, v17;
	vm0 =	vgt.f32 v9, v7;
	v19 =	vadd.f32 v11, v19  }
0x38: {  	v20 =	vsel vm1, s29, v6;
	(erf) = vpow2.f32 v23;
	v7 =	vsel vm0, v9, v7  }
0x39: {  	v9 =	vsel vm1, v17, v33;
	v28 =	vsel vm0, s28, v28;
	vm3 =	vgt.f32 v29, v7  }
0x3a: {  	v11 =	vpop (erf);
	v6 =	vld.idx.msk [tilespmem:v21+s2+$0x0], $0xffff;
	v17 =	vadd.f32 v54, v19;
	v19 =	vadd.f32 v12, v55;
	vm2 =	vgt.f32 v14, v9  }
0x3b: {  	v23 =	vld.idx.msk [tilespmem:v8+s18+$0x0], $0xffff;
	v8 =	vpop (erf);
	(erf) = vpow2.f32 v27;
	v21 =	vsel vm3, v29, v7;
	v57 =	vmul.f32 $1.442695020e+00, v15  }
0x3c: {  	v56 =	vpop (erf);
	v60 =	vsel vm3, s29, v28;
	v62 =	vmul.f32 v15, v15;
	vm1 =	vgt.f32 v13, v21  }
0x3d: {  	v12 =	vpop (erf);
	v25 =	vadd.f32 v25, v19;
	v13 =	vsel vm1, v13, v21;
	v21 =	vsel vm2, v14, v9  }
0x3e: {  	v7 =	vpop (erf);
	v9 =	vmul.f32 v16, v16;
	(erf) = vpow2.f32 v57;
	vm4 =	vgt.f32 v16, v13  }
0x3f: {  	v19 =	vmul.f32 $1.442695020e+00, v6;
	v59 =	vpop (erf);
	v13 =	vsel vm4, v16, v13;
	v16 =	vadd.f32 v22, v17  }
0x40: {  	v58 =	vmul.f32 $1.442695020e+00, v23;
	(erf) = vpow2.f32 v35;
	v25 =	vadd.f32 v62, v25;
	v14 =	vpop (erf)  }
0x41: {  	v22 =	vmul.f32 v23, v23;
	v14 =	vadd.f32 v14, v24;
	v9 =	vadd.f32 v9, v16  }
0x42: {  	v17 =	vsel vm1, s24, v60;
	(erf) = vpow2.f32 v36;
	vm3 =	vgt.f32 v23, v13;
	v61 =	vpop (erf)  }
0x43: {  	v16 =	vpop (erf);
	v14 =	vadd.f32 v56, v14;
	v9 =	vadd.f32 v22, v9;
	v22 =	vmul.f32 v18, v18  }
0x44: {  	v17 =	vsel vm4, s26, v17;
	v13 =	vsel vm3, v23, v13;
	v23 =	vadd.f32 v59, v24;
	v63 =	vpop (erf)  }
0x45: {  	v17 =	vsel vm3, s25, v17;
	vm0 =	vgt.f32 v18, v13;
	v14 =	vadd.f32 v63, v14  }
0x46: {  	v18 =	vsel vm0, v18, v13;
	v13 =	vadd.f32 v53, v25;
	(erf) = vpow2.f32 v58  }
0x47: {  	s1 =	simm.s32 $0x8;
	vm1 =	vgt.f32 v4, v18;
	v9 =	vadd.f32 v22, v9;
	v14 =	vadd.f32 v61, v14;
	v22 =	vpop (erf)  }
.LBB2_2:
0x48: {  	s29 =	sadd.s32 $0x1, s1  }
0x49: {  	s0 =	sadd.s32 $0x6, s1;
	v11 =	vadd.f32 v11, v23;
	v26 =	vsel vm2, s24, v20;
	vm2 =	vgt.f32 v15, v21;
	s31 =	smov.u32 s1;
	s28 =	sadd.s32 $0x8, s1  }
0x4a: {  	p0 =	slt.u32 s1, $0x3E0;
	v23 =	vmov s29;
	v24 =	vmov s0;
	v25 =	vsel vm2, s26, v26;
	v20 =	vpop (erf)  }
0x4b: {  	v15 =	vsel vm2, v15, v21;
	v26 =	vand.u32 $0x7E, v24;
	v11 =	vadd.f32 v20, v11;
	v20 =	vpop (erf)  }
0x4c: {  	s30 =	sadd.s32 $0x2, s31;
	v14 =	vadd.f32 v22, v14;
	v21 =	vshll.u32 v23, $0x3;
	(erf) = vpow2.f32 v10  }
0x4d: {  	v10 =	vand.u32 $0x79, v23;
	v21 =	vand.u32 $0x1C00, v21;
	v8 =	vadd.f32 v8, v11  }
0x4e: {  	s24 =	sadd.s32 $0x3, s31;
	v10 =	vor.u32 v21, v10;
	v11 =	vmov s30;
	v21 =	vadd.f32 v20, v14  }
0x4f: {  	s26 =	sadd.s32 $0x4, s31;
	v14 =	vmov s24;
	v10 =	vor.u32 v0, v10;
	v8 =	vadd.f32 v12, v8  }
0x50: {  	v12 =	vand.u32 $0x7B, v14;
	v14 =	vshll.u32 v14, $0x3;
	v20 =	vpop (erf);
	(erf) = vpow2.f32 v19  }
0x51: {  	s20 =	sadd.s32 $0x5, s31;
	s1 =	sadd.s32 $0x7, s31;
	v14 =	vand.u32 $0x1C00, v14;
	v19 =	vmov s26;
	v8 =	vadd.f32 v20, v8  }
0x52: {  	v27 =	vmov s1;
	v12 =	vor.u32 v14, v12;
	v14 =	vshll.u32 v19, $0x3  }
0x53: {  	v12 =	vor.u32 v0, v12;
	v22 =	vand.u32 $0x1C00, v14;
	v14 =	vshll.u32 v27, $0x3  }
0x54: {  	v29 =	vmov s20;
	v23 =	vand.u32 $0x7C, v19;
	v30 =	vand.u32 $0x1C00, v14;
	v28 =	vld.idx.msk [tilespmem:v10+s2+$0x0], $0xffff  }
0x55: {  	v31 =	vand.u32 $0x7D, v29;
	v7 =	vadd.f32 v7, v8;
	v20 =	vld.idx.msk [tilespmem:v10+s18+$0x0], $0xffff;
	v10 =	vshll.u32 v11, $0x3;
	v8 =	vpop (erf)  }
0x56: {  	vm2 =	vgt.f32 v5, v15;
	v14 =	vshll.u32 v24, $0x3;
	v10 =	vand.u32 $0x1C00, v10  }
0x57: {  	v24 =	vand.u32 $0x1C00, v14;
	v11 =	vand.u32 $0x7A, v11;
	v14 =	vadd.f32 v8, v7  }
0x58: {  	v8 =	vor.u32 v24, v26;
	v7 =	vor.u32 v10, v11;
	v10 =	vadd.f32 v16, v21;
	v19 =	vld.idx.msk [tilespmem:v12+s2+$0x0], $0xffff  }
0x59: {  	v5 =	vsel vm2, v5, v15;
	v11 =	vor.u32 v22, v23;
	v8 =	vor.u32 v0, v8;
	v21 =	vld.idx.msk [tilespmem:v12+s18+$0x0], $0xffff;
	v12 =	vpop (erf)  }
0x5a: {  	v26 =	vor.u32 v0, v11;
	v15 =	vmul.f32 $1.442695020e+00, v28;
	v16 =	vadd.f32 v12, v10  }
0x5b: {  	vm4 =	vgt.f32 v1, v5;
	v10 =	vmov s31;
	v11 =	vmul.f32 $1.442695020e+00, v20  }
0x5c: {  	v7 =	vor.u32 v0, v7;
	v12 =	vand.u32 $0x78, v10;
	v10 =	vshll.u32 v10, $0x3  }
0x5d: {  	v5 =	vsel vm4, v1, v5;
	v10 =	vand.u32 $0x1C00, v10;
	(erf) = vpow2.f32 v11  }
0x5e: {  	vm3 =	vgt.f32 v6, v5;
	v10 =	vor.u32 v10, v12;
	v12 =	vmul.f32 $1.442695020e+00, v19;
	v1 =	vld.idx.msk [tilespmem:v8+s2+$0x0], $0xffff  }
0x5f: {  	v22 =	vshll.u32 v29, $0x3;
	v10 =	vor.u32 v0, v10;
	v11 =	vmul.f32 $1.442695020e+00, v21;
	v24 =	vld.idx.msk [tilespmem:v26+s18+$0x0], $0xffff  }
0x60: {  	v29 =	vsel vm3, v6, v5;
	v22 =	vand.u32 $0x1C00, v22;
	v23 =	vmul.f32 v21, v21  }
0x61: {  	v5 =	vor.u32 v22, v31;
	v32 =	vld.idx.msk [tilespmem:v7+s2+$0x0], $0xffff;
	(erf) = vpow2.f32 v11;
	v11 =	vsel vm2, s25, v25;
	s25 =	smov.u32 s20  }
0x62: {  	v25 =	vor.u32 v0, v5;
	v5 =	vand.u32 $0x7F, v27;
	v22 =	vld.idx.msk [tilespmem:v8+s18+$0x0], $0xffff;
	v8 =	vadd.f32 v2, v13  }
0x63: {  	v13 =	vmul.f32 v20, v20;
	v2 =	vor.u32 v30, v5;
	v5 =	vmul.f32 v6, v6  }
0x64: {  	v27 =	vor.u32 v0, v2;
	v6 =	vld.idx.msk [tilespmem:v10+s2+$0x0], $0xffff;
	(erf) = vpow2.f32 v15;
	v15 =	vsel vm4, s22, v11  }
0x65: {  	v3 =	vadd.f32 v3, v9;
	v9 =	vsel vm1, v4, v18;
	v30 =	vld.idx.msk [tilespmem:v10+s18+$0x0], $0xffff;
	v10 =	vsel vm0, s22, v17;
	s22 =	smov.u32 s0  }
0x66: {  	v2 =	vmul.f32 v1, v1;
	v18 =	vadd.f32 v5, v8;
	v17 =	vmul.f32 $1.442695020e+00, v1;
	v11 =	vpop (erf)  }
0x67: {  	v31 =	vmul.f32 v19, v19;
	v38 =	vmul.f32 $1.442695020e+00, v24;
	v15 =	vsel vm3, s23, v15;
	v5 =	vld.idx.msk [tilespmem:v25+s2+$0x0], $0xffff  }
0x68: {  	v34 =	vmul.f32 $1.442695020e+00, v32;
	v35 =	vsel vm1, s23, v10;
	s23 =	smov.u32 s1;
	v33 =	vld.idx.msk [tilespmem:v7+s18+$0x0], $0xffff;
	v7 =	vmul.f32 $1.442695020e+00, v22  }
0x69: {  	v36 =	vmul.f32 v28, v28;
	v4 =	vld.idx.msk [tilespmem:v27+s18+$0x0], $0xffff;
	(erf) = vpow2.f32 v38  }
0x6a: {  	vm0 =	vgt.f32 v6, v29;
	v37 =	vmul.f32 $1.442695020e+00, v6;
	v8 =	vpop (erf);
	(erf) = vpow2.f32 v7  }
0x6b: {  	v7 =	vmul.f32 v6, v6;
	v6 =	vsel vm0, v6, v29;
	v29 =	vmul.f32 $1.442695020e+00, v30  }
0x6c: {  	v10 =	vsel vm0, s31, v15;
	v38 =	vmul.f32 v30, v30;
	vm0 =	vgt.f32 v28, v6  }
0x6d: {  	v28 =	vsel vm0, v28, v6;
	v6 =	vsel vm0, s29, v10;
	v39 =	vmul.f32 v5, v5;
	v40 =	vpop (erf)  }
0x6e: {  	v18 =	vadd.f32 v7, v18;
	v41 =	vmul.f32 $1.442695020e+00, v33;
	v15 =	vld.idx.msk [tilespmem:v26+s2+$0x0], $0xffff;
	v26 =	vmul.f32 $1.442695020e+00, v5  }
0x6f: {  	vm0 =	vgt.f32 v30, v9;
	v10 =	vmul.f32 $1.442695020e+00, v4;
	(erf) = vpow2.f32 v29  }
0x70: {  	v38 =	vadd.f32 v38, v3;
	v29 =	vmul.f32 v33, v33;
	(erf) = vpow2.f32 v37  }
0x71: {  	v35 =	vsel vm0, s31, v35;
	v3 =	vmul.f32 v4, v4;
	(erf) = vpow2.f32 v12  }
0x72: {  	v9 =	vsel vm0, v30, v9;
	v30 =	vmul.f32 v32, v32;
	v25 =	vld.idx.msk [tilespmem:v25+s18+$0x0], $0xffff;
	v12 =	vpop (erf);
	(erf) = vpow2.f32 v17  }
0x73: {  	vm1 =	vgt.f32 v32, v28;
	vm0 =	vgt.f32 v20, v9;
	v13 =	vadd.f32 v13, v38;
	v7 =	vpop (erf)  }
0x74: {  	v9 =	vsel vm0, v20, v9;
	v20 =	vsel vm1, s30, v6;
	v17 =	vadd.f32 v36, v18;
	v6 =	vld.idx.msk [tilespmem:v27+s2+$0x0], $0xffff  }
0x75: {  	vm3 =	vgt.f32 v33, v9;
	v13 =	vadd.f32 v29, v13;
	v18 =	vsel vm1, v32, v28  }
0x76: {  	v9 =	vsel vm3, v33, v9;
	v17 =	vadd.f32 v30, v17;
	v27 =	vmul.f32 $1.442695020e+00, v15  }
0x77: {  	vm1 =	vgt.f32 v21, v9;
	vm2 =	vgt.f32 v19, v18;
	(erf) = vpow2.f32 v34  }
0x78: {  	v9 =	vsel vm1, v21, v9;
	v17 =	vadd.f32 v31, v17;
	v28 =	vmul.f32 $1.442695020e+00, v25;
	v29 =	vpop (erf)  }
0x79: {  	v21 =	vsel vm2, v19, v18;
	vm4 =	vgt.f32 v24, v9;
	v18 =	vmul.f32 v24, v24;
	v30 =	vpop (erf)  }
0x7a: {  	v31 =	vsel vm0, s29, v35;
	v19 =	vmul.f32 $1.442695020e+00, v6;
	v32 =	vpop (erf);
	(erf) = vpow2.f32 v27  }
0x7b: {  	v9 =	vsel vm4, v24, v9;
	v27 =	vadd.f32 v30, v16;
	v30 =	vsel vm3, s30, v31;
	v16 =	vpop (erf)  }
0x7c: {  	v13 =	vadd.f32 v23, v13;
	vm3 =	vgt.f32 v25, v9;
	(erf) = vpow2.f32 v41  }
0x7d: {  	v24 =	vmul.f32 v25, v25;
	v23 =	vsel vm1, s24, v30;
	(erf) = vpow2.f32 v26  }
0x7e: {  	v30 =	vadd.f32 v18, v13;
	v9 =	vsel vm3, v25, v9;
	v26 =	vmul.f32 v15, v15  }
.Ltmp0:
0x7f: {  	v18 =	vadd.f32 v40, v27;
	v25 =	vsel vm4, s26, v23;
	vm0 =	vgt.f32 v22, v9;
	(pc) =	sbr.rel @p0 .LBB2_2-.Ltmp0, $4  }
0x80: {  	v24 =	vadd.f32 v24, v30;
	v17 =	vadd.f32 v26, v17;
	v26 =	vmul.f32 v22, v22;
	v13 =	vpop (erf)  }
0x81: {  	v23 =	vadd.f32 v29, v14;
	v14 =	vadd.f32 v13, v18;
	v18 =	vsel vm0, v22, v9  }
0x82: {  	v13 =	vadd.f32 v39, v17;
	v9 =	vadd.f32 v26, v24;
	(erf) = vpow2.f32 v28  }
0x83: {  	s1 =	smov.u32 s28;
	v17 =	vsel vm3, s25, v25;
	vm1 =	vgt.f32 v4, v18;
	v14 =	vadd.f32 v32, v14;
	v22 =	vpop (erf)  }
0x84: {  	vm3 =	vgt.f32 v15, v21  }
0x85: {  	v4 =	vld [tilespmem:$0x8000];
	v15 =	vsel vm3, v15, v21  }
0x86: {  	v18 =	vsel vm2, s24, v20;
	vm2 =	vgt.f32 v5, v15  }
0x87: {  	v5 =	vsel vm2, v5, v15  }
0x88: {  	v11 =	vadd.f32 v11, v23;
	v18 =	vsel vm3, s26, v18;
	vm3 =	vgt.f32 v1, v5  }
0x89: {  	(erf) = vpow2.f32 v10;
	v10 =	vsel vm0, s22, v17;
	v1 =	vsel vm3, v1, v5  }
0x8a: {  	(erf) = vpow2.f32 v19;
	v5 =	vshll.u32 v4, $0x3;
	vm4 =	vgt.f32 v6, v1  }
0x8b: {  	v20 =	vpop (erf);
	v1 =	vand.u32 $0x7F, v4;
	v4 =	vand.u32 $0xFFFFFC00, v5;
	v5 =	vsel vm2, s25, v18  }
0x8c: {  	v11 =	vadd.f32 v20, v11;
	v1 =	vor.u32 v1, v4;
	v4 =	vsel vm3, s22, v5  }
0x8d: {  	v5 =	vsel vm1, s23, v10;
	v1 =	vadd.s32 v0, v1;
	v4 =	vsel vm4, s23, v4  }
0x8e: {  	v8 =	vadd.f32 v8, v11;
	v10 =	vshll.u32 v5, $0x3;
	v11 =	vshll.u32 v4, $0x3  }
0x8f: {  	v14 =	vadd.f32 v22, v14;
	v5 =	vand.u32 $0x7F, v5;
	v10 =	vand.u32 $0xFFFFFC00, v10  }
0x90: {  	v4 =	vand.u32 $0x7F, v4;
	v5 =	vor.u32 v5, v10;
	v10 =	vand.u32 $0xFFFFFC00, v11  }
0x91: {  	s28 =	simm.s32 $0x0;
	v8 =	vadd.f32 v12, v8;
	v5 =	vadd.s32 v0, v5;
	v4 =	vor.u32 v4, v10;
	v11 =	vpop (erf)  }
0x92: {  	v4 =	vadd.s32 v0, v4;
	v10 =	vadd.f32 v11, v14;
	v11 =	vpop (erf);
	v12 =	vld.idx.msk [tilespmem:v1+s28+$0x0], $0xffff  }
0x93: {  	v1 =	vld.idx.msk [tilespmem:v1+s18+$0x0], $0xffff;
	v8 =	vadd.f32 v11, v8  }
0x94: {  	v11 =	vld.idx.msk [tilespmem:v0+s28+$0x0], $0xffff  }
0x95: {  	v15 =	vld.idx.msk [tilespmem:v0+s18+$0x0], $0xffff;
	v7 =	vadd.f32 v7, v8  }
0x96: {  	v2 =	vadd.f32 v2, v13;
	v14 =	vpop (erf);
	v10 =	vadd.f32 v16, v10;
	v5 =	vld.idx.msk [tilespmem:v5+s28+$0x0], $0xffff  }
0x97: {  	v6 =	vmul.f32 v6, v6;
	v4 =	vld.idx.msk [tilespmem:v4+s18+$0x0], $0xffff;
	v8 =	vpop (erf);
	v7 =	vadd.f32 v14, v7;
	[tilespmem:$0x8180] =	vst v12  }
0x98: {  	[tilespmem:$0x8200] =	vst v1;
	v8 =	vadd.f32 v8, v10  }
0x99: {  	v2 =	vadd.f32 v6, v2;
	v6 =	vmul.f32 v11, v11;
	[tilespmem:$0x8100] =	vst v7  }
0x9a: {  	v3 =	vadd.f32 v3, v9;
	v7 =	vmul.f32 v15, v15;
	[tilespmem:$0x8080] =	vst v8  }
0x9b: {  	v2 =	vsub.f32 v2, v6;
	[tilespmem:$0x8380] =	vst v5  }
0x9c: {  	v1 =	vsub.f32 v3, v7;
	[tilespmem:$0x8400] =	vst v4  }
0x9d: {  	[tilespmem:$0x8280] =	vst v2  }
0x9e: {  	[tilespmem:$0x8300] =	vst v1  }
0x9f: {  	[tilespmem:s28], [sflag:$0x1] =	stream.linear.gather [hbm4b:s6+s28], $0x4000, $0x38;
	[tilespmem:$0x8480] =	vst v63  }
0xa0: {  	_ =	swait.ge [sflag:s17], $0x4000  }
0xa1: {  	s29 =	simm.s32 $0x1;
	[sflag:s17] =	ssyncset.done $0x0  }
0xa2: {  	s24 =	simm.s32 $0x3;
	v1 =	vmov s29;
	[sflag:s17] =	ssyncadd.s32 $0xFFFFC000  }
0xa3: {  	v3 =	vshll.u32 v1, $0x3;
	[tilespmem:s18], [sflag:$0x1] =	stream.linear.gather [hbm4b:s7+s28], $0x4000, $0x38;
	[tilespmem:$0x8480] =	vst v63  }
0xa4: {  	s30 =	simm.s32 $0x2;
	v4 =	vmov s24;
	v1 =	vand.u32 $0x79, v1;
	v3 =	vand.u32 $0x1C00, v3;
	_ =	swait.ge [sflag:s17], $0x4000  }
0xa5: {  	v6 =	vmov s30;
	v1 =	vor.u32 v3, v1;
	v3 =	vshll.u32 v4, $0x3;
	[sflag:s17] =	ssyncset.done $0x0  }
0xa6: {  	s26 =	simm.s32 $0x4;
	s22 =	simm.s32 $0x6;
	v4 =	vand.u32 $0x7B, v4;
	v1 =	vor.u32 v0, v1;
	v3 =	vand.u32 $0x1C00, v3;
	[sflag:s17] =	ssyncadd.s32 $0xFFFFC000  }
0xa7: {  	v7 =	vmov s26;
	v2 =	vmov s22;
	v3 =	vor.u32 v3, v4;
	[tilespmem:s19], [sflag:$0x1] =	stream.linear.gather [hbm4b:s8+s28], $0x10, $0x38;
	[tilespmem:$0x8480] =	vst v63  }
0xa8: {  	v5 =	vand.u32 $0x7E, v2;
	v2 =	vshll.u32 v2, $0x3;
	v3 =	vor.u32 v0, v3;
	_ =	swait.ge [sflag:s17], $0x10  }
0xa9: {  	v8 =	vshll.u32 v6, $0x3;
	v2 =	vand.u32 $0x1C00, v2;
	v4 =	vshll.u32 v7, $0x3;
	[sflag:s17] =	ssyncset.done $0x0  }
0xaa: {  	v2 =	vor.u32 v2, v5;
	v7 =	vand.u32 $0x7C, v7;
	v4 =	vand.u32 $0x1C00, v4;
	[sflag:s17] =	ssyncadd.s32 $0xFFFFFFF0  }
0xab: {  	v8 =	vand.u32 $0x1C00, v8;
	v2 =	vor.u32 v0, v2;
	v4 =	vor.u32 v4, v7;
	v9 =	vld.idx.msk [tilespmem:v1+s18+$0x0], $0xffff  }
0xac: {  	s23 =	simm.s32 $0x7;
	v5 =	vand.u32 $0x7A, v6;
	v7 =	vor.u32 v0, v4;
	v4 =	vmov s28;
	v6 =	vld.idx.msk [tilespmem:v1+s2+$0x0], $0xffff  }
0xad: {  	v1 =	vor.u32 v8, v5;
	v5 =	vmov s23;
	v13 =	vld.idx.msk [tilespmem:v3+s18+$0x0], $0xffff;
	v8 =	vshll.u32 v4, $0x3  }
0xae: {  	s25 =	simm.s32 $0x5;
	v14 =	vld.idx.msk [tilespmem:v3+s2+$0x0], $0xffff;
	v3 =	vand.u32 $0x78, v4;
	v10 =	vor.u32 v0, v1;
	v1 =	vshll.u32 v5, $0x3  }
0xaf: {  	v4 =	vand.u32 $0x1C00, v8;
	v8 =	vmov s25;
	v11 =	vand.u32 $0x1C00, v1  }
0xb0: {  	v18 =	vld.idx.msk [tilespmem:v2+s18+$0x0], $0xffff;
	v3 =	vor.u32 v4, v3;
	v12 =	vshll.u32 v8, $0x3;
	v8 =	vand.u32 $0x7D, v8  }
0xb1: {  	v1 =	vld.idx.msk [tilespmem:v2+s2+$0x0], $0xffff;
	v2 =	vand.u32 $0x7F, v5;
	v3 =	vor.u32 v0, v3;
	v12 =	vand.u32 $0x1C00, v12  }
0xb2: {  	v2 =	vor.u32 v11, v2;
	v4 =	vmul.f32 $1.442695020e+00, v9;
	v15 =	vmul.f32 $1.442695020e+00, v6  }
0xb3: {  	v16 =	vld.idx.msk [tilespmem:v7+s18+$0x0], $0xffff;
	v8 =	vor.u32 v12, v8;
	v12 =	vmul.f32 $1.442695020e+00, v14;
	v22 =	vmul.f32 v13, v13  }
0xb4: {  	v8 =	vor.u32 v0, v8;
	v11 =	vmul.f32 v9, v9;
	v25 =	vmul.f32 v14, v14;
	v17 =	vld.idx.msk [tilespmem:v10+s2+$0x0], $0xffff  }
0xb5: {  	v21 =	vor.u32 v0, v2;
	v29 =	vld.idx.msk [tilespmem:v10+s18+$0x0], $0xffff;
	(erf) = vpow2.f32 v4;
	v4 =	vmul.f32 $1.442695020e+00, v13  }
0xb6: {  	v30 =	vmul.f32 v6, v6;
	v23 =	vmul.f32 $1.442695020e+00, v1  }
0xb7: {  	v2 =	vmul.f32 v1, v1;
	v19 =	vld.idx.msk [tilespmem:v3+s2+$0x0], $0xffff;
	(erf) = vpow2.f32 v4  }
0xb8: {  	v20 =	vld.idx.msk [tilespmem:v3+s18+$0x0], $0xffff;
	v3 =	vmul.f32 $1.442695020e+00, v16;
	(erf) = vpow2.f32 v15  }
0xb9: {  	v24 =	vimm.f32 $0.0e+00;
	v5 =	vld.idx.msk [tilespmem:v8+s2+$0x0], $0xffff;
	v15 =	vmul.f32 $1.442695020e+00, v18;
	v27 =	vmul.f32 $1.442695020e+00, v17  }
0xba: {  	v26 =	vimm.f32 $-3.000000010e+38;
	v4 =	vld.idx.msk [tilespmem:v21+s18+$0x0], $0xffff;
	(erf) = vpow2.f32 v3;
	v35 =	vmul.f32 $1.442695020e+00, v29  }
0xbb: {  	v28 =	vimm.s32 $0x0;
	v54 =	vmul.f32 v29, v29;
	(erf) = vpow2.f32 v15  }
0xbc: {  	vm0 =	vgt.f32 v19, v26;
	v3 =	vmul.f32 $1.442695020e+00, v19;
	v10 =	vmul.f32 v19, v19  }
0xbd: {  	v32 =	vmul.f32 v20, v20;
	v15 =	vsel vm0, v19, v26;
	v19 =	vmul.f32 $1.442695020e+00, v20  }
0xbe: {  	v31 =	vsel vm0, s28, v28;
	vm0 =	vgt.f32 v6, v15;
	v53 =	vmul.f32 v5, v5  }
0xbf: {  	v34 =	vadd.f32 v10, v24;
	v36 =	vmul.f32 $1.442695020e+00, v5;
	v10 =	vmul.f32 $1.442695020e+00, v4  }
0xc0: {  	v33 =	vsel vm0, v6, v15;
	v6 =	vsel vm0, s29, v31;
	(erf) = vpow2.f32 v19  }
0xc1: {  	vm0 =	vgt.f32 v20, v26;
	v19 =	vadd.f32 v32, v24;
	(erf) = vpow2.f32 v3  }
0xc2: {  	v15 =	vld.idx.msk [tilespmem:v7+s2+$0x0], $0xffff;
	v28 =	vsel vm0, s28, v28;
	v3 =	vmul.f32 v4, v4;
	v7 =	vsel vm0, v20, v26  }
0xc3: {  	vm1 =	vgt.f32 v17, v33;
	v55 =	vadd.f32 v30, v34;
	(erf) = vpow2.f32 v12  }
0xc4: {  	v12 =	vmul.f32 v17, v17;
	vm0 =	vgt.f32 v9, v7;
	v19 =	vadd.f32 v11, v19  }
0xc5: {  	v20 =	vsel vm1, s30, v6;
	(erf) = vpow2.f32 v23;
	v7 =	vsel vm0, v9, v7  }
0xc6: {  	v9 =	vsel vm1, v17, v33;
	v28 =	vsel vm0, s29, v28;
	vm3 =	vgt.f32 v29, v7  }
0xc7: {  	v11 =	vpop (erf);
	v6 =	vld.idx.msk [tilespmem:v21+s2+$0x0], $0xffff;
	v17 =	vadd.f32 v54, v19;
	v19 =	vadd.f32 v12, v55;
	vm2 =	vgt.f32 v14, v9  }
0xc8: {  	v23 =	vld.idx.msk [tilespmem:v8+s18+$0x0], $0xffff;
	v8 =	vpop (erf);
	(erf) = vpow2.f32 v27;
	v21 =	vsel vm3, v29, v7;
	v57 =	vmul.f32 $1.442695020e+00, v15  }
0xc9: {  	v56 =	vpop (erf);
	v60 =	vsel vm3, s30, v28;
	v62 =	vmul.f32 v15, v15;
	vm1 =	vgt.f32 v13, v21  }
0xca: {  	v12 =	vpop (erf);
	v25 =	vadd.f32 v25, v19;
	v13 =	vsel vm1, v13, v21;
	v21 =	vsel vm2, v14, v9  }
0xcb: {  	v7 =	vpop (erf);
	v9 =	vmul.f32 v16, v16;
	(erf) = vpow2.f32 v57;
	vm15 =	vgt.f32 v16, v13  }
0xcc: {  	v19 =	vmul.f32 $1.442695020e+00, v6;
	v59 =	vpop (erf);
	v13 =	vsel vm15, v16, v13;
	v16 =	vadd.f32 v22, v17  }
0xcd: {  	v58 =	vmul.f32 $1.442695020e+00, v23;
	(erf) = vpow2.f32 v35;
	v25 =	vadd.f32 v62, v25;
	v14 =	vpop (erf)  }
0xce: {  	v22 =	vmul.f32 v23, v23;
	v14 =	vadd.f32 v14, v24;
	v9 =	vadd.f32 v9, v16  }
0xcf: {  	v17 =	vsel vm1, s24, v60;
	(erf) = vpow2.f32 v36;
	vm3 =	vgt.f32 v23, v13;
	v61 =	vpop (erf)  }
0xd0: {  	v16 =	vpop (erf);
	v14 =	vadd.f32 v56, v14;
	v9 =	vadd.f32 v22, v9;
	v22 =	vmul.f32 v18, v18  }
0xd1: {  	v17 =	vsel vm15, s26, v17;
	v13 =	vsel vm3, v23, v13;
	v23 =	vadd.f32 v59, v24;
	v63 =	vpop (erf)  }
0xd2: {  	v17 =	vsel vm3, s25, v17;
	vm0 =	vgt.f32 v18, v13;
	v14 =	vadd.f32 v63, v14  }
0xd3: {  	v18 =	vsel vm0, v18, v13;
	v13 =	vadd.f32 v53, v25;
	(erf) = vpow2.f32 v58  }
0xd4: {  	s1 =	simm.s32 $0x8;
	vm1 =	vgt.f32 v4, v18;
	v9 =	vadd.f32 v22, v9;
	v14 =	vadd.f32 v61, v14;
	v22 =	vpop (erf)  }
.LBB2_4:
0xd5: {  	s29 =	sadd.s32 $0x1, s1  }
0xd6: {  	s0 =	sadd.s32 $0x6, s1;
	v11 =	vadd.f32 v11, v23;
	v26 =	vsel vm2, s24, v20;
	vm2 =	vgt.f32 v15, v21;
	s31 =	smov.u32 s1;
	s28 =	sadd.s32 $0x8, s1  }
0xd7: {  	p0 =	slt.u32 s1, $0x3E0;
	v23 =	vmov s29;
	v24 =	vmov s0;
	v25 =	vsel vm2, s26, v26;
	v20 =	vpop (erf)  }
0xd8: {  	v15 =	vsel vm2, v15, v21;
	v26 =	vand.u32 $0x7E, v24;
	v11 =	vadd.f32 v20, v11;
	v20 =	vpop (erf)  }
0xd9: {  	s30 =	sadd.s32 $0x2, s31;
	v14 =	vadd.f32 v22, v14;
	v21 =	vshll.u32 v23, $0x3;
	(erf) = vpow2.f32 v10  }
0xda: {  	v10 =	vand.u32 $0x79, v23;
	v21 =	vand.u32 $0x1C00, v21;
	v8 =	vadd.f32 v8, v11  }
0xdb: {  	s24 =	sadd.s32 $0x3, s31;
	v10 =	vor.u32 v21, v10;
	v11 =	vmov s30;
	v21 =	vadd.f32 v20, v14  }
0xdc: {  	s26 =	sadd.s32 $0x4, s31;
	v14 =	vmov s24;
	v10 =	vor.u32 v0, v10;
	v8 =	vadd.f32 v12, v8  }
0xdd: {  	v12 =	vand.u32 $0x7B, v14;
	v14 =	vshll.u32 v14, $0x3;
	v20 =	vpop (erf);
	(erf) = vpow2.f32 v19  }
0xde: {  	s20 =	sadd.s32 $0x5, s31;
	s1 =	sadd.s32 $0x7, s31;
	v14 =	vand.u32 $0x1C00, v14;
	v19 =	vmov s26;
	v8 =	vadd.f32 v20, v8  }
0xdf: {  	v27 =	vmov s1;
	v12 =	vor.u32 v14, v12;
	v14 =	vshll.u32 v19, $0x3  }
0xe0: {  	v12 =	vor.u32 v0, v12;
	v22 =	vand.u32 $0x1C00, v14;
	v14 =	vshll.u32 v27, $0x3  }
0xe1: {  	v29 =	vmov s20;
	v23 =	vand.u32 $0x7C, v19;
	v30 =	vand.u32 $0x1C00, v14;
	v28 =	vld.idx.msk [tilespmem:v10+s2+$0x0], $0xffff  }
0xe2: {  	v31 =	vand.u32 $0x7D, v29;
	v7 =	vadd.f32 v7, v8;
	v20 =	vld.idx.msk [tilespmem:v10+s18+$0x0], $0xffff;
	v10 =	vshll.u32 v11, $0x3;
	v8 =	vpop (erf)  }
0xe3: {  	vm2 =	vgt.f32 v5, v15;
	v14 =	vshll.u32 v24, $0x3;
	v10 =	vand.u32 $0x1C00, v10  }
0xe4: {  	v24 =	vand.u32 $0x1C00, v14;
	v11 =	vand.u32 $0x7A, v11;
	v14 =	vadd.f32 v8, v7  }
0xe5: {  	v8 =	vor.u32 v24, v26;
	v7 =	vor.u32 v10, v11;
	v10 =	vadd.f32 v16, v21;
	v19 =	vld.idx.msk [tilespmem:v12+s2+$0x0], $0xffff  }
0xe6: {  	v5 =	vsel vm2, v5, v15;
	v11 =	vor.u32 v22, v23;
	v8 =	vor.u32 v0, v8;
	v21 =	vld.idx.msk [tilespmem:v12+s18+$0x0], $0xffff;
	v12 =	vpop (erf)  }
0xe7: {  	v26 =	vor.u32 v0, v11;
	v15 =	vmul.f32 $1.442695020e+00, v28;
	v16 =	vadd.f32 v12, v10  }
0xe8: {  	vm4 =	vgt.f32 v1, v5;
	v10 =	vmov s31;
	v11 =	vmul.f32 $1.442695020e+00, v20  }
0xe9: {  	v7 =	vor.u32 v0, v7;
	v12 =	vand.u32 $0x78, v10;
	v10 =	vshll.u32 v10, $0x3  }
0xea: {  	v5 =	vsel vm4, v1, v5;
	v10 =	vand.u32 $0x1C00, v10;
	(erf) = vpow2.f32 v11  }
0xeb: {  	vm3 =	vgt.f32 v6, v5;
	v10 =	vor.u32 v10, v12;
	v12 =	vmul.f32 $1.442695020e+00, v19;
	v1 =	vld.idx.msk [tilespmem:v8+s2+$0x0], $0xffff  }
0xec: {  	v22 =	vshll.u32 v29, $0x3;
	v10 =	vor.u32 v0, v10;
	v11 =	vmul.f32 $1.442695020e+00, v21;
	v24 =	vld.idx.msk [tilespmem:v26+s18+$0x0], $0xffff  }
0xed: {  	v29 =	vsel vm3, v6, v5;
	v22 =	vand.u32 $0x1C00, v22;
	v23 =	vmul.f32 v21, v21  }
0xee: {  	v5 =	vor.u32 v22, v31;
	v32 =	vld.idx.msk [tilespmem:v7+s2+$0x0], $0xffff;
	(erf) = vpow2.f32 v11;
	v11 =	vsel vm2, s25, v25;
	s25 =	smov.u32 s20  }
0xef: {  	v25 =	vor.u32 v0, v5;
	v5 =	vand.u32 $0x7F, v27;
	v22 =	vld.idx.msk [tilespmem:v8+s18+$0x0], $0xffff;
	v8 =	vadd.f32 v2, v13  }
0xf0: {  	v13 =	vmul.f32 v20, v20;
	v2 =	vor.u32 v30, v5;
	v5 =	vmul.f32 v6, v6  }
0xf1: {  	v27 =	vor.u32 v0, v2;
	v6 =	vld.idx.msk [tilespmem:v10+s2+$0x0], $0xffff;
	(erf) = vpow2.f32 v15;
	v15 =	vsel vm4, s22, v11  }
0xf2: {  	v3 =	vadd.f32 v3, v9;
	v9 =	vsel vm1, v4, v18;
	v30 =	vld.idx.msk [tilespmem:v10+s18+$0x0], $0xffff;
	v10 =	vsel vm0, s22, v17;
	s22 =	smov.u32 s0  }
0xf3: {  	v2 =	vmul.f32 v1, v1;
	v18 =	vadd.f32 v5, v8;
	v17 =	vmul.f32 $1.442695020e+00, v1;
	v11 =	vpop (erf)  }
0xf4: {  	v31 =	vmul.f32 v19, v19;
	v38 =	vmul.f32 $1.442695020e+00, v24;
	v15 =	vsel vm3, s23, v15;
	v5 =	vld.idx.msk [tilespmem:v25+s2+$0x0], $0xffff  }
0xf5: {  	v34 =	vmul.f32 $1.442695020e+00, v32;
	v35 =	vsel vm1, s23, v10;
	s23 =	smov.u32 s1;
	v33 =	vld.idx.msk [tilespmem:v7+s18+$0x0], $0xffff;
	v7 =	vmul.f32 $1.442695020e+00, v22  }
0xf6: {  	v36 =	vmul.f32 v28, v28;
	v4 =	vld.idx.msk [tilespmem:v27+s18+$0x0], $0xffff;
	(erf) = vpow2.f32 v38  }
0xf7: {  	vm0 =	vgt.f32 v6, v29;
	v37 =	vmul.f32 $1.442695020e+00, v6;
	v8 =	vpop (erf);
	(erf) = vpow2.f32 v7  }
0xf8: {  	v7 =	vmul.f32 v6, v6;
	v6 =	vsel vm0, v6, v29;
	v29 =	vmul.f32 $1.442695020e+00, v30  }
0xf9: {  	v10 =	vsel vm0, s31, v15;
	v38 =	vmul.f32 v30, v30;
	vm0 =	vgt.f32 v28, v6  }
0xfa: {  	v28 =	vsel vm0, v28, v6;
	v6 =	vsel vm0, s29, v10;
	v39 =	vmul.f32 v5, v5;
	v40 =	vpop (erf)  }
0xfb: {  	v18 =	vadd.f32 v7, v18;
	v41 =	vmul.f32 $1.442695020e+00, v33;
	v15 =	vld.idx.msk [tilespmem:v26+s2+$0x0], $0xffff;
	v26 =	vmul.f32 $1.442695020e+00, v5  }
0xfc: {  	vm0 =	vgt.f32 v30, v9;
	v10 =	vmul.f32 $1.442695020e+00, v4;
	(erf) = vpow2.f32 v29  }
0xfd: {  	v38 =	vadd.f32 v38, v3;
	v29 =	vmul.f32 v33, v33;
	(erf) = vpow2.f32 v37  }
0xfe: {  	v35 =	vsel vm0, s31, v35;
	v3 =	vmul.f32 v4, v4;
	(erf) = vpow2.f32 v12  }
0xff: {  	v9 =	vsel vm0, v30, v9;
	v30 =	vmul.f32 v32, v32;
	v25 =	vld.idx.msk [tilespmem:v25+s18+$0x0], $0xffff;
	v12 =	vpop (erf);
	(erf) = vpow2.f32 v17  }
0x100: {  	vm1 =	vgt.f32 v32, v28;
	vm0 =	vgt.f32 v20, v9;
	v13 =	vadd.f32 v13, v38;
	v7 =	vpop (erf)  }
0x101: {  	v9 =	vsel vm0, v20, v9;
	v20 =	vsel vm1, s30, v6;
	v17 =	vadd.f32 v36, v18;
	v6 =	vld.idx.msk [tilespmem:v27+s2+$0x0], $0xffff  }
0x102: {  	vm3 =	vgt.f32 v33, v9;
	v13 =	vadd.f32 v29, v13;
	v18 =	vsel vm1, v32, v28  }
0x103: {  	v9 =	vsel vm3, v33, v9;
	v17 =	vadd.f32 v30, v17;
	v27 =	vmul.f32 $1.442695020e+00, v15  }
0x104: {  	vm1 =	vgt.f32 v21, v9;
	vm2 =	vgt.f32 v19, v18;
	(erf) = vpow2.f32 v34  }
0x105: {  	v9 =	vsel vm1, v21, v9;
	v17 =	vadd.f32 v31, v17;
	v28 =	vmul.f32 $1.442695020e+00, v25;
	v29 =	vpop (erf)  }
0x106: {  	v21 =	vsel vm2, v19, v18;
	vm4 =	vgt.f32 v24, v9;
	v18 =	vmul.f32 v24, v24;
	v30 =	vpop (erf)  }
0x107: {  	v31 =	vsel vm0, s29, v35;
	v19 =	vmul.f32 $1.442695020e+00, v6;
	v32 =	vpop (erf);
	(erf) = vpow2.f32 v27  }
0x108: {  	v9 =	vsel vm4, v24, v9;
	v27 =	vadd.f32 v30, v16;
	v30 =	vsel vm3, s30, v31;
	v16 =	vpop (erf)  }
0x109: {  	v13 =	vadd.f32 v23, v13;
	vm3 =	vgt.f32 v25, v9;
	(erf) = vpow2.f32 v41  }
0x10a: {  	v24 =	vmul.f32 v25, v25;
	v23 =	vsel vm1, s24, v30;
	(erf) = vpow2.f32 v26  }
0x10b: {  	v30 =	vadd.f32 v18, v13;
	v9 =	vsel vm3, v25, v9;
	v26 =	vmul.f32 v15, v15  }
.Ltmp1:
0x10c: {  	v18 =	vadd.f32 v40, v27;
	v25 =	vsel vm4, s26, v23;
	vm0 =	vgt.f32 v22, v9;
	(pc) =	sbr.rel @p0 .LBB2_4-.Ltmp1, $4  }
0x10d: {  	v24 =	vadd.f32 v24, v30;
	v17 =	vadd.f32 v26, v17;
	v26 =	vmul.f32 v22, v22;
	v13 =	vpop (erf)  }
0x10e: {  	v23 =	vadd.f32 v29, v14;
	v14 =	vadd.f32 v13, v18;
	v18 =	vsel vm0, v22, v9  }
0x10f: {  	v13 =	vadd.f32 v39, v17;
	v9 =	vadd.f32 v26, v24;
	(erf) = vpow2.f32 v28  }
0x110: {  	s1 =	smov.u32 s28;
	v17 =	vsel vm3, s25, v25;
	vm1 =	vgt.f32 v4, v18;
	v14 =	vadd.f32 v32, v14;
	v22 =	vpop (erf)  }
0x111: {  	vm3 =	vgt.f32 v15, v21  }
0x112: {  	v4 =	vld [tilespmem:$0x8000];
	v15 =	vsel vm3, v15, v21  }
0x113: {  	v18 =	vsel vm2, s24, v20;
	vm2 =	vgt.f32 v5, v15  }
0x114: {  	v5 =	vsel vm2, v5, v15  }
0x115: {  	v11 =	vadd.f32 v11, v23;
	v18 =	vsel vm3, s26, v18;
	vm3 =	vgt.f32 v1, v5  }
0x116: {  	(erf) = vpow2.f32 v10;
	v10 =	vsel vm0, s22, v17;
	v1 =	vsel vm3, v1, v5  }
0x117: {  	(erf) = vpow2.f32 v19;
	v5 =	vshll.u32 v4, $0x3;
	vm4 =	vgt.f32 v6, v1  }
0x118: {  	v20 =	vpop (erf);
	v1 =	vand.u32 $0x7F, v4;
	v4 =	vand.u32 $0xFFFFFC00, v5;
	v5 =	vsel vm2, s25, v18  }
0x119: {  	v11 =	vadd.f32 v20, v11;
	v1 =	vor.u32 v1, v4;
	v4 =	vsel vm3, s22, v5  }
0x11a: {  	v5 =	vsel vm1, s23, v10;
	v1 =	vadd.s32 v0, v1;
	v4 =	vsel vm4, s23, v4  }
0x11b: {  	v8 =	vadd.f32 v8, v11;
	v10 =	vshll.u32 v5, $0x3;
	v11 =	vshll.u32 v4, $0x3  }
0x11c: {  	v14 =	vadd.f32 v22, v14;
	v5 =	vand.u32 $0x7F, v5;
	v10 =	vand.u32 $0xFFFFFC00, v10  }
0x11d: {  	v4 =	vand.u32 $0x7F, v4;
	v5 =	vor.u32 v5, v10;
	v10 =	vand.u32 $0xFFFFFC00, v11  }
0x11e: {  	s28 =	simm.s32 $0x0;
	v8 =	vadd.f32 v12, v8;
	v5 =	vadd.s32 v0, v5;
	v4 =	vor.u32 v4, v10;
	v11 =	vpop (erf)  }
0x11f: {  	v4 =	vadd.s32 v0, v4;
	v10 =	vadd.f32 v11, v14;
	v11 =	vpop (erf);
	v12 =	vld.idx.msk [tilespmem:v1+s28+$0x0], $0xffff  }
0x120: {  	v1 =	vld.idx.msk [tilespmem:v1+s18+$0x0], $0xffff;
	v8 =	vadd.f32 v11, v8  }
0x121: {  	v11 =	vld.idx.msk [tilespmem:v0+s28+$0x0], $0xffff  }
0x122: {  	v15 =	vld.idx.msk [tilespmem:v0+s18+$0x0], $0xffff;
	v7 =	vadd.f32 v7, v8  }
0x123: {  	v2 =	vadd.f32 v2, v13;
	v14 =	vpop (erf);
	v10 =	vadd.f32 v16, v10;
	v5 =	vld.idx.msk [tilespmem:v5+s28+$0x0], $0xffff  }
0x124: {  	v6 =	vmul.f32 v6, v6;
	v4 =	vld.idx.msk [tilespmem:v4+s18+$0x0], $0xffff;
	v8 =	vpop (erf);
	v7 =	vadd.f32 v14, v7;
	[tilespmem:$0x8190] =	vst v12  }
0x125: {  	[tilespmem:$0x8210] =	vst v1;
	v8 =	vadd.f32 v8, v10  }
0x126: {  	v2 =	vadd.f32 v6, v2;
	v6 =	vmul.f32 v11, v11;
	[tilespmem:$0x8110] =	vst v7  }
0x127: {  	v3 =	vadd.f32 v3, v9;
	v7 =	vmul.f32 v15, v15;
	[tilespmem:$0x8090] =	vst v8  }
0x128: {  	v2 =	vsub.f32 v2, v6;
	[tilespmem:$0x8390] =	vst v5  }
0x129: {  	v1 =	vsub.f32 v3, v7;
	[tilespmem:$0x8410] =	vst v4  }
0x12a: {  	[tilespmem:$0x8290] =	vst v2  }
0x12b: {  	[tilespmem:$0x8310] =	vst v1  }
0x12c: {  	[tilespmem:s28], [sflag:$0x1] =	stream.linear.gather [hbm4b:s9+s28], $0x4000, $0x38;
	[tilespmem:$0x8480] =	vst v63  }
0x12d: {  	_ =	swait.ge [sflag:s17], $0x4000  }
0x12e: {  	s29 =	simm.s32 $0x1;
	[sflag:s17] =	ssyncset.done $0x0  }
0x12f: {  	s24 =	simm.s32 $0x3;
	v1 =	vmov s29;
	[sflag:s17] =	ssyncadd.s32 $0xFFFFC000  }
0x130: {  	v3 =	vshll.u32 v1, $0x3;
	[tilespmem:s18], [sflag:$0x1] =	stream.linear.gather [hbm4b:s10+s28], $0x4000, $0x38;
	[tilespmem:$0x8480] =	vst v63  }
0x131: {  	s30 =	simm.s32 $0x2;
	v4 =	vmov s24;
	v1 =	vand.u32 $0x79, v1;
	v3 =	vand.u32 $0x1C00, v3;
	_ =	swait.ge [sflag:s17], $0x4000  }
0x132: {  	v6 =	vmov s30;
	v1 =	vor.u32 v3, v1;
	v3 =	vshll.u32 v4, $0x3;
	[sflag:s17] =	ssyncset.done $0x0  }
0x133: {  	s26 =	simm.s32 $0x4;
	s22 =	simm.s32 $0x6;
	v4 =	vand.u32 $0x7B, v4;
	v1 =	vor.u32 v0, v1;
	v3 =	vand.u32 $0x1C00, v3;
	[sflag:s17] =	ssyncadd.s32 $0xFFFFC000  }
0x134: {  	v7 =	vmov s26;
	v2 =	vmov s22;
	v3 =	vor.u32 v3, v4;
	[tilespmem:s19], [sflag:$0x1] =	stream.linear.gather [hbm4b:s11+s28], $0x10, $0x38;
	[tilespmem:$0x8480] =	vst v63  }
0x135: {  	v5 =	vand.u32 $0x7E, v2;
	v2 =	vshll.u32 v2, $0x3;
	v3 =	vor.u32 v0, v3;
	_ =	swait.ge [sflag:s17], $0x10  }
0x136: {  	v8 =	vshll.u32 v6, $0x3;
	v2 =	vand.u32 $0x1C00, v2;
	v4 =	vshll.u32 v7, $0x3;
	[sflag:s17] =	ssyncset.done $0x0  }
0x137: {  	v2 =	vor.u32 v2, v5;
	v7 =	vand.u32 $0x7C, v7;
	v4 =	vand.u32 $0x1C00, v4;
	[sflag:s17] =	ssyncadd.s32 $0xFFFFFFF0  }
0x138: {  	v8 =	vand.u32 $0x1C00, v8;
	v2 =	vor.u32 v0, v2;
	v4 =	vor.u32 v4, v7;
	v9 =	vld.idx.msk [tilespmem:v1+s18+$0x0], $0xffff  }
0x139: {  	s23 =	simm.s32 $0x7;
	v5 =	vand.u32 $0x7A, v6;
	v7 =	vor.u32 v0, v4;
	v4 =	vmov s28;
	v6 =	vld.idx.msk [tilespmem:v1+s2+$0x0], $0xffff  }
0x13a: {  	v1 =	vor.u32 v8, v5;
	v5 =	vmov s23;
	v13 =	vld.idx.msk [tilespmem:v3+s18+$0x0], $0xffff;
	v8 =	vshll.u32 v4, $0x3  }
0x13b: {  	s25 =	simm.s32 $0x5;
	v14 =	vld.idx.msk [tilespmem:v3+s2+$0x0], $0xffff;
	v3 =	vand.u32 $0x78, v4;
	v10 =	vor.u32 v0, v1;
	v1 =	vshll.u32 v5, $0x3  }
0x13c: {  	v4 =	vand.u32 $0x1C00, v8;
	v8 =	vmov s25;
	v11 =	vand.u32 $0x1C00, v1  }
0x13d: {  	v18 =	vld.idx.msk [tilespmem:v2+s18+$0x0], $0xffff;
	v3 =	vor.u32 v4, v3;
	v12 =	vshll.u32 v8, $0x3;
	v8 =	vand.u32 $0x7D, v8  }
0x13e: {  	v1 =	vld.idx.msk [tilespmem:v2+s2+$0x0], $0xffff;
	v2 =	vand.u32 $0x7F, v5;
	v3 =	vor.u32 v0, v3;
	v12 =	vand.u32 $0x1C00, v12  }
0x13f: {  	v2 =	vor.u32 v11, v2;
	v4 =	vmul.f32 $1.442695020e+00, v9;
	v15 =	vmul.f32 $1.442695020e+00, v6  }
0x140: {  	v16 =	vld.idx.msk [tilespmem:v7+s18+$0x0], $0xffff;
	v8 =	vor.u32 v12, v8;
	v12 =	vmul.f32 $1.442695020e+00, v14;
	v22 =	vmul.f32 v13, v13  }
0x141: {  	v8 =	vor.u32 v0, v8;
	v11 =	vmul.f32 v9, v9;
	v25 =	vmul.f32 v14, v14;
	v17 =	vld.idx.msk [tilespmem:v10+s2+$0x0], $0xffff  }
0x142: {  	v21 =	vor.u32 v0, v2;
	v29 =	vld.idx.msk [tilespmem:v10+s18+$0x0], $0xffff;
	(erf) = vpow2.f32 v4;
	v4 =	vmul.f32 $1.442695020e+00, v13  }
0x143: {  	v30 =	vmul.f32 v6, v6;
	v23 =	vmul.f32 $1.442695020e+00, v1  }
0x144: {  	v2 =	vmul.f32 v1, v1;
	v19 =	vld.idx.msk [tilespmem:v3+s2+$0x0], $0xffff;
	(erf) = vpow2.f32 v4  }
0x145: {  	v20 =	vld.idx.msk [tilespmem:v3+s18+$0x0], $0xffff;
	v3 =	vmul.f32 $1.442695020e+00, v16;
	(erf) = vpow2.f32 v15  }
0x146: {  	v24 =	vimm.f32 $0.0e+00;
	v5 =	vld.idx.msk [tilespmem:v8+s2+$0x0], $0xffff;
	v15 =	vmul.f32 $1.442695020e+00, v18;
	v27 =	vmul.f32 $1.442695020e+00, v17  }
0x147: {  	v26 =	vimm.f32 $-3.000000010e+38;
	v4 =	vld.idx.msk [tilespmem:v21+s18+$0x0], $0xffff;
	(erf) = vpow2.f32 v3;
	v35 =	vmul.f32 $1.442695020e+00, v29  }
0x148: {  	v28 =	vimm.s32 $0x0;
	v54 =	vmul.f32 v29, v29;
	(erf) = vpow2.f32 v15  }
0x149: {  	vm0 =	vgt.f32 v19, v26;
	v3 =	vmul.f32 $1.442695020e+00, v19;
	v10 =	vmul.f32 v19, v19  }
0x14a: {  	v32 =	vmul.f32 v20, v20;
	v15 =	vsel vm0, v19, v26;
	v19 =	vmul.f32 $1.442695020e+00, v20  }
0x14b: {  	v31 =	vsel vm0, s28, v28;
	vm0 =	vgt.f32 v6, v15;
	v53 =	vmul.f32 v5, v5  }
0x14c: {  	v34 =	vadd.f32 v10, v24;
	v36 =	vmul.f32 $1.442695020e+00, v5;
	v10 =	vmul.f32 $1.442695020e+00, v4  }
0x14d: {  	v33 =	vsel vm0, v6, v15;
	v6 =	vsel vm0, s29, v31;
	(erf) = vpow2.f32 v19  }
0x14e: {  	vm0 =	vgt.f32 v20, v26;
	v19 =	vadd.f32 v32, v24;
	(erf) = vpow2.f32 v3  }
0x14f: {  	v15 =	vld.idx.msk [tilespmem:v7+s2+$0x0], $0xffff;
	v28 =	vsel vm0, s28, v28;
	v3 =	vmul.f32 v4, v4;
	v7 =	vsel vm0, v20, v26  }
0x150: {  	vm1 =	vgt.f32 v17, v33;
	v55 =	vadd.f32 v30, v34;
	(erf) = vpow2.f32 v12  }
0x151: {  	v12 =	vmul.f32 v17, v17;
	vm0 =	vgt.f32 v9, v7;
	v19 =	vadd.f32 v11, v19  }
0x152: {  	v20 =	vsel vm1, s30, v6;
	(erf) = vpow2.f32 v23;
	v7 =	vsel vm0, v9, v7  }
0x153: {  	v9 =	vsel vm1, v17, v33;
	v28 =	vsel vm0, s29, v28;
	vm3 =	vgt.f32 v29, v7  }
0x154: {  	v11 =	vpop (erf);
	v6 =	vld.idx.msk [tilespmem:v21+s2+$0x0], $0xffff;
	v17 =	vadd.f32 v54, v19;
	v19 =	vadd.f32 v12, v55;
	vm2 =	vgt.f32 v14, v9  }
0x155: {  	v23 =	vld.idx.msk [tilespmem:v8+s18+$0x0], $0xffff;
	v8 =	vpop (erf);
	(erf) = vpow2.f32 v27;
	v21 =	vsel vm3, v29, v7;
	v57 =	vmul.f32 $1.442695020e+00, v15  }
0x156: {  	v56 =	vpop (erf);
	v60 =	vsel vm3, s30, v28;
	v62 =	vmul.f32 v15, v15;
	vm1 =	vgt.f32 v13, v21  }
0x157: {  	v12 =	vpop (erf);
	v25 =	vadd.f32 v25, v19;
	v13 =	vsel vm1, v13, v21;
	v21 =	vsel vm2, v14, v9  }
0x158: {  	v7 =	vpop (erf);
	v9 =	vmul.f32 v16, v16;
	(erf) = vpow2.f32 v57;
	vm15 =	vgt.f32 v16, v13  }
0x159: {  	v19 =	vmul.f32 $1.442695020e+00, v6;
	v59 =	vpop (erf);
	v13 =	vsel vm15, v16, v13;
	v16 =	vadd.f32 v22, v17  }
0x15a: {  	v58 =	vmul.f32 $1.442695020e+00, v23;
	(erf) = vpow2.f32 v35;
	v25 =	vadd.f32 v62, v25;
	v14 =	vpop (erf)  }
0x15b: {  	v22 =	vmul.f32 v23, v23;
	v14 =	vadd.f32 v14, v24;
	v9 =	vadd.f32 v9, v16  }
0x15c: {  	v17 =	vsel vm1, s24, v60;
	(erf) = vpow2.f32 v36;
	vm3 =	vgt.f32 v23, v13;
	v61 =	vpop (erf)  }
0x15d: {  	v16 =	vpop (erf);
	v14 =	vadd.f32 v56, v14;
	v9 =	vadd.f32 v22, v9;
	v22 =	vmul.f32 v18, v18  }
0x15e: {  	v17 =	vsel vm15, s26, v17;
	v13 =	vsel vm3, v23, v13;
	v23 =	vadd.f32 v59, v24;
	v63 =	vpop (erf)  }
0x15f: {  	v17 =	vsel vm3, s25, v17;
	vm0 =	vgt.f32 v18, v13;
	v14 =	vadd.f32 v63, v14  }
0x160: {  	v18 =	vsel vm0, v18, v13;
	v13 =	vadd.f32 v53, v25;
	(erf) = vpow2.f32 v58  }
0x161: {  	s1 =	simm.s32 $0x8;
	vm1 =	vgt.f32 v4, v18;
	v9 =	vadd.f32 v22, v9;
	v14 =	vadd.f32 v61, v14;
	v22 =	vpop (erf)  }
.LBB2_6:
0x162: {  	s29 =	sadd.s32 $0x1, s1  }
0x163: {  	s0 =	sadd.s32 $0x6, s1;
	v11 =	vadd.f32 v11, v23;
	v26 =	vsel vm2, s24, v20;
	vm2 =	vgt.f32 v15, v21;
	s31 =	smov.u32 s1;
	s28 =	sadd.s32 $0x8, s1  }
0x164: {  	p0 =	slt.u32 s1, $0x3E0;
	v23 =	vmov s29;
	v24 =	vmov s0;
	v25 =	vsel vm2, s26, v26;
	v20 =	vpop (erf)  }
0x165: {  	v15 =	vsel vm2, v15, v21;
	v26 =	vand.u32 $0x7E, v24;
	v11 =	vadd.f32 v20, v11;
	v20 =	vpop (erf)  }
0x166: {  	s30 =	sadd.s32 $0x2, s31;
	v14 =	vadd.f32 v22, v14;
	v21 =	vshll.u32 v23, $0x3;
	(erf) = vpow2.f32 v10  }
0x167: {  	v10 =	vand.u32 $0x79, v23;
	v21 =	vand.u32 $0x1C00, v21;
	v8 =	vadd.f32 v8, v11  }
0x168: {  	s24 =	sadd.s32 $0x3, s31;
	v10 =	vor.u32 v21, v10;
	v11 =	vmov s30;
	v21 =	vadd.f32 v20, v14  }
0x169: {  	s26 =	sadd.s32 $0x4, s31;
	v14 =	vmov s24;
	v10 =	vor.u32 v0, v10;
	v8 =	vadd.f32 v12, v8  }
0x16a: {  	v12 =	vand.u32 $0x7B, v14;
	v14 =	vshll.u32 v14, $0x3;
	v20 =	vpop (erf);
	(erf) = vpow2.f32 v19  }
0x16b: {  	s20 =	sadd.s32 $0x5, s31;
	s1 =	sadd.s32 $0x7, s31;
	v14 =	vand.u32 $0x1C00, v14;
	v19 =	vmov s26;
	v8 =	vadd.f32 v20, v8  }
0x16c: {  	v27 =	vmov s1;
	v12 =	vor.u32 v14, v12;
	v14 =	vshll.u32 v19, $0x3  }
0x16d: {  	v12 =	vor.u32 v0, v12;
	v22 =	vand.u32 $0x1C00, v14;
	v14 =	vshll.u32 v27, $0x3  }
0x16e: {  	v29 =	vmov s20;
	v23 =	vand.u32 $0x7C, v19;
	v30 =	vand.u32 $0x1C00, v14;
	v28 =	vld.idx.msk [tilespmem:v10+s2+$0x0], $0xffff  }
0x16f: {  	v31 =	vand.u32 $0x7D, v29;
	v7 =	vadd.f32 v7, v8;
	v20 =	vld.idx.msk [tilespmem:v10+s18+$0x0], $0xffff;
	v10 =	vshll.u32 v11, $0x3;
	v8 =	vpop (erf)  }
0x170: {  	vm2 =	vgt.f32 v5, v15;
	v14 =	vshll.u32 v24, $0x3;
	v10 =	vand.u32 $0x1C00, v10  }
0x171: {  	v24 =	vand.u32 $0x1C00, v14;
	v11 =	vand.u32 $0x7A, v11;
	v14 =	vadd.f32 v8, v7  }
0x172: {  	v8 =	vor.u32 v24, v26;
	v7 =	vor.u32 v10, v11;
	v10 =	vadd.f32 v16, v21;
	v19 =	vld.idx.msk [tilespmem:v12+s2+$0x0], $0xffff  }
0x173: {  	v5 =	vsel vm2, v5, v15;
	v11 =	vor.u32 v22, v23;
	v8 =	vor.u32 v0, v8;
	v21 =	vld.idx.msk [tilespmem:v12+s18+$0x0], $0xffff;
	v12 =	vpop (erf)  }
0x174: {  	v26 =	vor.u32 v0, v11;
	v15 =	vmul.f32 $1.442695020e+00, v28;
	v16 =	vadd.f32 v12, v10  }
0x175: {  	vm4 =	vgt.f32 v1, v5;
	v10 =	vmov s31;
	v11 =	vmul.f32 $1.442695020e+00, v20  }
0x176: {  	v7 =	vor.u32 v0, v7;
	v12 =	vand.u32 $0x78, v10;
	v10 =	vshll.u32 v10, $0x3  }
0x177: {  	v5 =	vsel vm4, v1, v5;
	v10 =	vand.u32 $0x1C00, v10;
	(erf) = vpow2.f32 v11  }
0x178: {  	vm3 =	vgt.f32 v6, v5;
	v10 =	vor.u32 v10, v12;
	v12 =	vmul.f32 $1.442695020e+00, v19;
	v1 =	vld.idx.msk [tilespmem:v8+s2+$0x0], $0xffff  }
0x179: {  	v22 =	vshll.u32 v29, $0x3;
	v10 =	vor.u32 v0, v10;
	v11 =	vmul.f32 $1.442695020e+00, v21;
	v24 =	vld.idx.msk [tilespmem:v26+s18+$0x0], $0xffff  }
0x17a: {  	v29 =	vsel vm3, v6, v5;
	v22 =	vand.u32 $0x1C00, v22;
	v23 =	vmul.f32 v21, v21  }
0x17b: {  	v5 =	vor.u32 v22, v31;
	v32 =	vld.idx.msk [tilespmem:v7+s2+$0x0], $0xffff;
	(erf) = vpow2.f32 v11;
	v11 =	vsel vm2, s25, v25;
	s25 =	smov.u32 s20  }
0x17c: {  	v25 =	vor.u32 v0, v5;
	v5 =	vand.u32 $0x7F, v27;
	v22 =	vld.idx.msk [tilespmem:v8+s18+$0x0], $0xffff;
	v8 =	vadd.f32 v2, v13  }
0x17d: {  	v13 =	vmul.f32 v20, v20;
	v2 =	vor.u32 v30, v5;
	v5 =	vmul.f32 v6, v6  }
0x17e: {  	v27 =	vor.u32 v0, v2;
	v6 =	vld.idx.msk [tilespmem:v10+s2+$0x0], $0xffff;
	(erf) = vpow2.f32 v15;
	v15 =	vsel vm4, s22, v11  }
0x17f: {  	v3 =	vadd.f32 v3, v9;
	v9 =	vsel vm1, v4, v18;
	v30 =	vld.idx.msk [tilespmem:v10+s18+$0x0], $0xffff;
	v10 =	vsel vm0, s22, v17;
	s22 =	smov.u32 s0  }
0x180: {  	v2 =	vmul.f32 v1, v1;
	v18 =	vadd.f32 v5, v8;
	v17 =	vmul.f32 $1.442695020e+00, v1;
	v11 =	vpop (erf)  }
0x181: {  	v31 =	vmul.f32 v19, v19;
	v38 =	vmul.f32 $1.442695020e+00, v24;
	v15 =	vsel vm3, s23, v15;
	v5 =	vld.idx.msk [tilespmem:v25+s2+$0x0], $0xffff  }
0x182: {  	v34 =	vmul.f32 $1.442695020e+00, v32;
	v35 =	vsel vm1, s23, v10;
	s23 =	smov.u32 s1;
	v33 =	vld.idx.msk [tilespmem:v7+s18+$0x0], $0xffff;
	v7 =	vmul.f32 $1.442695020e+00, v22  }
0x183: {  	v36 =	vmul.f32 v28, v28;
	v4 =	vld.idx.msk [tilespmem:v27+s18+$0x0], $0xffff;
	(erf) = vpow2.f32 v38  }
0x184: {  	vm0 =	vgt.f32 v6, v29;
	v37 =	vmul.f32 $1.442695020e+00, v6;
	v8 =	vpop (erf);
	(erf) = vpow2.f32 v7  }
0x185: {  	v7 =	vmul.f32 v6, v6;
	v6 =	vsel vm0, v6, v29;
	v29 =	vmul.f32 $1.442695020e+00, v30  }
0x186: {  	v10 =	vsel vm0, s31, v15;
	v38 =	vmul.f32 v30, v30;
	vm0 =	vgt.f32 v28, v6  }
0x187: {  	v28 =	vsel vm0, v28, v6;
	v6 =	vsel vm0, s29, v10;
	v39 =	vmul.f32 v5, v5;
	v40 =	vpop (erf)  }
0x188: {  	v18 =	vadd.f32 v7, v18;
	v41 =	vmul.f32 $1.442695020e+00, v33;
	v15 =	vld.idx.msk [tilespmem:v26+s2+$0x0], $0xffff;
	v26 =	vmul.f32 $1.442695020e+00, v5  }
0x189: {  	vm0 =	vgt.f32 v30, v9;
	v10 =	vmul.f32 $1.442695020e+00, v4;
	(erf) = vpow2.f32 v29  }
0x18a: {  	v38 =	vadd.f32 v38, v3;
	v29 =	vmul.f32 v33, v33;
	(erf) = vpow2.f32 v37  }
0x18b: {  	v35 =	vsel vm0, s31, v35;
	v3 =	vmul.f32 v4, v4;
	(erf) = vpow2.f32 v12  }
0x18c: {  	v9 =	vsel vm0, v30, v9;
	v30 =	vmul.f32 v32, v32;
	v25 =	vld.idx.msk [tilespmem:v25+s18+$0x0], $0xffff;
	v12 =	vpop (erf);
	(erf) = vpow2.f32 v17  }
0x18d: {  	vm1 =	vgt.f32 v32, v28;
	vm0 =	vgt.f32 v20, v9;
	v13 =	vadd.f32 v13, v38;
	v7 =	vpop (erf)  }
0x18e: {  	v9 =	vsel vm0, v20, v9;
	v20 =	vsel vm1, s30, v6;
	v17 =	vadd.f32 v36, v18;
	v6 =	vld.idx.msk [tilespmem:v27+s2+$0x0], $0xffff  }
0x18f: {  	vm3 =	vgt.f32 v33, v9;
	v13 =	vadd.f32 v29, v13;
	v18 =	vsel vm1, v32, v28  }
0x190: {  	v9 =	vsel vm3, v33, v9;
	v17 =	vadd.f32 v30, v17;
	v27 =	vmul.f32 $1.442695020e+00, v15  }
0x191: {  	vm1 =	vgt.f32 v21, v9;
	vm2 =	vgt.f32 v19, v18;
	(erf) = vpow2.f32 v34  }
0x192: {  	v9 =	vsel vm1, v21, v9;
	v17 =	vadd.f32 v31, v17;
	v28 =	vmul.f32 $1.442695020e+00, v25;
	v29 =	vpop (erf)  }
0x193: {  	v21 =	vsel vm2, v19, v18;
	vm4 =	vgt.f32 v24, v9;
	v18 =	vmul.f32 v24, v24;
	v30 =	vpop (erf)  }
0x194: {  	v31 =	vsel vm0, s29, v35;
	v19 =	vmul.f32 $1.442695020e+00, v6;
	v32 =	vpop (erf);
	(erf) = vpow2.f32 v27  }
0x195: {  	v9 =	vsel vm4, v24, v9;
	v27 =	vadd.f32 v30, v16;
	v30 =	vsel vm3, s30, v31;
	v16 =	vpop (erf)  }
0x196: {  	v13 =	vadd.f32 v23, v13;
	vm3 =	vgt.f32 v25, v9;
	(erf) = vpow2.f32 v41  }
0x197: {  	v24 =	vmul.f32 v25, v25;
	v23 =	vsel vm1, s24, v30;
	(erf) = vpow2.f32 v26  }
0x198: {  	v30 =	vadd.f32 v18, v13;
	v9 =	vsel vm3, v25, v9;
	v26 =	vmul.f32 v15, v15  }
.Ltmp2:
0x199: {  	v18 =	vadd.f32 v40, v27;
	v25 =	vsel vm4, s26, v23;
	vm0 =	vgt.f32 v22, v9;
	(pc) =	sbr.rel @p0 .LBB2_6-.Ltmp2, $4  }
0x19a: {  	v24 =	vadd.f32 v24, v30;
	v17 =	vadd.f32 v26, v17;
	v26 =	vmul.f32 v22, v22;
	v13 =	vpop (erf)  }
0x19b: {  	v23 =	vadd.f32 v29, v14;
	v14 =	vadd.f32 v13, v18;
	v18 =	vsel vm0, v22, v9  }
0x19c: {  	v13 =	vadd.f32 v39, v17;
	v9 =	vadd.f32 v26, v24;
	(erf) = vpow2.f32 v28  }
0x19d: {  	s1 =	smov.u32 s28;
	v17 =	vsel vm3, s25, v25;
	vm1 =	vgt.f32 v4, v18;
	v14 =	vadd.f32 v32, v14;
	v22 =	vpop (erf)  }
0x19e: {  	vm3 =	vgt.f32 v15, v21  }
0x19f: {  	v4 =	vld [tilespmem:$0x8000];
	v15 =	vsel vm3, v15, v21  }
0x1a0: {  	v18 =	vsel vm2, s24, v20;
	vm2 =	vgt.f32 v5, v15  }
0x1a1: {  	v5 =	vsel vm2, v5, v15  }
0x1a2: {  	v11 =	vadd.f32 v11, v23;
	v18 =	vsel vm3, s26, v18;
	vm3 =	vgt.f32 v1, v5  }
0x1a3: {  	(erf) = vpow2.f32 v10;
	v10 =	vsel vm0, s22, v17;
	v1 =	vsel vm3, v1, v5  }
0x1a4: {  	(erf) = vpow2.f32 v19;
	v5 =	vshll.u32 v4, $0x3;
	vm4 =	vgt.f32 v6, v1  }
0x1a5: {  	v20 =	vpop (erf);
	v1 =	vand.u32 $0x7F, v4;
	v4 =	vand.u32 $0xFFFFFC00, v5;
	v5 =	vsel vm2, s25, v18  }
0x1a6: {  	v11 =	vadd.f32 v20, v11;
	v1 =	vor.u32 v1, v4;
	v4 =	vsel vm3, s22, v5  }
0x1a7: {  	v5 =	vsel vm1, s23, v10;
	v1 =	vadd.s32 v0, v1;
	v4 =	vsel vm4, s23, v4  }
0x1a8: {  	v8 =	vadd.f32 v8, v11;
	v10 =	vshll.u32 v5, $0x3;
	v11 =	vshll.u32 v4, $0x3  }
0x1a9: {  	v14 =	vadd.f32 v22, v14;
	v5 =	vand.u32 $0x7F, v5;
	v10 =	vand.u32 $0xFFFFFC00, v10  }
0x1aa: {  	v4 =	vand.u32 $0x7F, v4;
	v5 =	vor.u32 v5, v10;
	v10 =	vand.u32 $0xFFFFFC00, v11  }
0x1ab: {  	s28 =	simm.s32 $0x0;
	v8 =	vadd.f32 v12, v8;
	v5 =	vadd.s32 v0, v5;
	v4 =	vor.u32 v4, v10;
	v11 =	vpop (erf)  }
0x1ac: {  	v4 =	vadd.s32 v0, v4;
	v10 =	vadd.f32 v11, v14;
	v11 =	vpop (erf);
	v12 =	vld.idx.msk [tilespmem:v1+s28+$0x0], $0xffff  }
0x1ad: {  	v1 =	vld.idx.msk [tilespmem:v1+s18+$0x0], $0xffff;
	v8 =	vadd.f32 v11, v8  }
0x1ae: {  	v11 =	vld.idx.msk [tilespmem:v0+s28+$0x0], $0xffff  }
0x1af: {  	v15 =	vld.idx.msk [tilespmem:v0+s18+$0x0], $0xffff;
	v7 =	vadd.f32 v7, v8  }
0x1b0: {  	v2 =	vadd.f32 v2, v13;
	v14 =	vpop (erf);
	v10 =	vadd.f32 v16, v10;
	v5 =	vld.idx.msk [tilespmem:v5+s28+$0x0], $0xffff  }
0x1b1: {  	v6 =	vmul.f32 v6, v6;
	v4 =	vld.idx.msk [tilespmem:v4+s18+$0x0], $0xffff;
	v8 =	vpop (erf);
	v7 =	vadd.f32 v14, v7;
	[tilespmem:$0x81A0] =	vst v12  }
0x1b2: {  	[tilespmem:$0x8220] =	vst v1;
	v8 =	vadd.f32 v8, v10  }
0x1b3: {  	v2 =	vadd.f32 v6, v2;
	v6 =	vmul.f32 v11, v11;
	[tilespmem:$0x8120] =	vst v7  }
0x1b4: {  	v3 =	vadd.f32 v3, v9;
	v7 =	vmul.f32 v15, v15;
	[tilespmem:$0x80A0] =	vst v8  }
0x1b5: {  	v2 =	vsub.f32 v2, v6;
	[tilespmem:$0x83A0] =	vst v5  }
0x1b6: {  	v1 =	vsub.f32 v3, v7;
	[tilespmem:$0x8420] =	vst v4  }
0x1b7: {  	[tilespmem:$0x82A0] =	vst v2  }
0x1b8: {  	[tilespmem:$0x8320] =	vst v1  }
0x1b9: {  	[tilespmem:s28], [sflag:$0x1] =	stream.linear.gather [hbm4b:s12+s28], $0x4000, $0x38;
	[tilespmem:$0x8480] =	vst v63  }
0x1ba: {  	_ =	swait.ge [sflag:s17], $0x4000  }
0x1bb: {  	s29 =	simm.s32 $0x1;
	[sflag:s17] =	ssyncset.done $0x0  }
0x1bc: {  	s24 =	simm.s32 $0x3;
	v1 =	vmov s29;
	[sflag:s17] =	ssyncadd.s32 $0xFFFFC000  }
0x1bd: {  	v3 =	vshll.u32 v1, $0x3;
	[tilespmem:s18], [sflag:$0x1] =	stream.linear.gather [hbm4b:s13+s28], $0x4000, $0x38;
	[tilespmem:$0x8480] =	vst v63  }
0x1be: {  	s30 =	simm.s32 $0x2;
	v4 =	vmov s24;
	v1 =	vand.u32 $0x79, v1;
	v3 =	vand.u32 $0x1C00, v3;
	_ =	swait.ge [sflag:s17], $0x4000  }
0x1bf: {  	v6 =	vmov s30;
	v1 =	vor.u32 v3, v1;
	v3 =	vshll.u32 v4, $0x3;
	[sflag:s17] =	ssyncset.done $0x0  }
0x1c0: {  	s26 =	simm.s32 $0x4;
	s22 =	simm.s32 $0x6;
	v4 =	vand.u32 $0x7B, v4;
	v1 =	vor.u32 v0, v1;
	v3 =	vand.u32 $0x1C00, v3;
	[sflag:s17] =	ssyncadd.s32 $0xFFFFC000  }
0x1c1: {  	v7 =	vmov s26;
	v2 =	vmov s22;
	v3 =	vor.u32 v3, v4;
	[tilespmem:s19], [sflag:$0x1] =	stream.linear.gather [hbm4b:s14+s28], $0x10, $0x38;
	[tilespmem:$0x8480] =	vst v63  }
0x1c2: {  	v5 =	vand.u32 $0x7E, v2;
	v2 =	vshll.u32 v2, $0x3;
	v3 =	vor.u32 v0, v3;
	_ =	swait.ge [sflag:s17], $0x10  }
0x1c3: {  	v8 =	vshll.u32 v6, $0x3;
	v2 =	vand.u32 $0x1C00, v2;
	v4 =	vshll.u32 v7, $0x3;
	[sflag:s17] =	ssyncset.done $0x0  }
0x1c4: {  	v2 =	vor.u32 v2, v5;
	v7 =	vand.u32 $0x7C, v7;
	v4 =	vand.u32 $0x1C00, v4;
	[sflag:s17] =	ssyncadd.s32 $0xFFFFFFF0  }
0x1c5: {  	v8 =	vand.u32 $0x1C00, v8;
	v2 =	vor.u32 v0, v2;
	v4 =	vor.u32 v4, v7;
	v9 =	vld.idx.msk [tilespmem:v1+s18+$0x0], $0xffff  }
0x1c6: {  	s23 =	simm.s32 $0x7;
	v5 =	vand.u32 $0x7A, v6;
	v7 =	vor.u32 v0, v4;
	v4 =	vmov s28;
	v6 =	vld.idx.msk [tilespmem:v1+s2+$0x0], $0xffff  }
0x1c7: {  	v1 =	vor.u32 v8, v5;
	v5 =	vmov s23;
	v13 =	vld.idx.msk [tilespmem:v3+s18+$0x0], $0xffff;
	v8 =	vshll.u32 v4, $0x3  }
0x1c8: {  	s25 =	simm.s32 $0x5;
	v14 =	vld.idx.msk [tilespmem:v3+s2+$0x0], $0xffff;
	v3 =	vand.u32 $0x78, v4;
	v10 =	vor.u32 v0, v1;
	v1 =	vshll.u32 v5, $0x3  }
0x1c9: {  	v4 =	vand.u32 $0x1C00, v8;
	v8 =	vmov s25;
	v11 =	vand.u32 $0x1C00, v1  }
0x1ca: {  	v18 =	vld.idx.msk [tilespmem:v2+s18+$0x0], $0xffff;
	v3 =	vor.u32 v4, v3;
	v12 =	vshll.u32 v8, $0x3;
	v8 =	vand.u32 $0x7D, v8  }
0x1cb: {  	v1 =	vld.idx.msk [tilespmem:v2+s2+$0x0], $0xffff;
	v2 =	vand.u32 $0x7F, v5;
	v3 =	vor.u32 v0, v3;
	v12 =	vand.u32 $0x1C00, v12  }
0x1cc: {  	v2 =	vor.u32 v11, v2;
	v4 =	vmul.f32 $1.442695020e+00, v9;
	v15 =	vmul.f32 $1.442695020e+00, v6  }
0x1cd: {  	v16 =	vld.idx.msk [tilespmem:v7+s18+$0x0], $0xffff;
	v8 =	vor.u32 v12, v8;
	v12 =	vmul.f32 $1.442695020e+00, v14;
	v22 =	vmul.f32 v13, v13  }
0x1ce: {  	v8 =	vor.u32 v0, v8;
	v11 =	vmul.f32 v9, v9;
	v25 =	vmul.f32 v14, v14;
	v17 =	vld.idx.msk [tilespmem:v10+s2+$0x0], $0xffff  }
0x1cf: {  	v21 =	vor.u32 v0, v2;
	v29 =	vld.idx.msk [tilespmem:v10+s18+$0x0], $0xffff;
	(erf) = vpow2.f32 v4;
	v4 =	vmul.f32 $1.442695020e+00, v13  }
0x1d0: {  	v30 =	vmul.f32 v6, v6;
	v23 =	vmul.f32 $1.442695020e+00, v1  }
0x1d1: {  	v2 =	vmul.f32 v1, v1;
	v19 =	vld.idx.msk [tilespmem:v3+s2+$0x0], $0xffff;
	(erf) = vpow2.f32 v4  }
0x1d2: {  	v20 =	vld.idx.msk [tilespmem:v3+s18+$0x0], $0xffff;
	v3 =	vmul.f32 $1.442695020e+00, v16;
	(erf) = vpow2.f32 v15  }
0x1d3: {  	v24 =	vimm.f32 $0.0e+00;
	v5 =	vld.idx.msk [tilespmem:v8+s2+$0x0], $0xffff;
	v15 =	vmul.f32 $1.442695020e+00, v18;
	v27 =	vmul.f32 $1.442695020e+00, v17  }
0x1d4: {  	v26 =	vimm.f32 $-3.000000010e+38;
	v4 =	vld.idx.msk [tilespmem:v21+s18+$0x0], $0xffff;
	(erf) = vpow2.f32 v3;
	v35 =	vmul.f32 $1.442695020e+00, v29  }
0x1d5: {  	v28 =	vimm.s32 $0x0;
	v54 =	vmul.f32 v29, v29;
	(erf) = vpow2.f32 v15  }
0x1d6: {  	vm0 =	vgt.f32 v19, v26;
	v3 =	vmul.f32 $1.442695020e+00, v19;
	v10 =	vmul.f32 v19, v19  }
0x1d7: {  	v32 =	vmul.f32 v20, v20;
	v15 =	vsel vm0, v19, v26;
	v19 =	vmul.f32 $1.442695020e+00, v20  }
0x1d8: {  	v31 =	vsel vm0, s28, v28;
	vm0 =	vgt.f32 v6, v15;
	v53 =	vmul.f32 v5, v5  }
0x1d9: {  	v34 =	vadd.f32 v10, v24;
	v36 =	vmul.f32 $1.442695020e+00, v5;
	v10 =	vmul.f32 $1.442695020e+00, v4  }
0x1da: {  	v33 =	vsel vm0, v6, v15;
	v6 =	vsel vm0, s29, v31;
	(erf) = vpow2.f32 v19  }
0x1db: {  	vm0 =	vgt.f32 v20, v26;
	v19 =	vadd.f32 v32, v24;
	(erf) = vpow2.f32 v3  }
0x1dc: {  	v15 =	vld.idx.msk [tilespmem:v7+s2+$0x0], $0xffff;
	v28 =	vsel vm0, s28, v28;
	v3 =	vmul.f32 v4, v4;
	v7 =	vsel vm0, v20, v26  }
0x1dd: {  	vm1 =	vgt.f32 v17, v33;
	v55 =	vadd.f32 v30, v34;
	(erf) = vpow2.f32 v12  }
0x1de: {  	v12 =	vmul.f32 v17, v17;
	vm0 =	vgt.f32 v9, v7;
	v19 =	vadd.f32 v11, v19  }
0x1df: {  	v20 =	vsel vm1, s30, v6;
	(erf) = vpow2.f32 v23;
	v7 =	vsel vm0, v9, v7  }
0x1e0: {  	v9 =	vsel vm1, v17, v33;
	v28 =	vsel vm0, s29, v28;
	vm3 =	vgt.f32 v29, v7  }
0x1e1: {  	v11 =	vpop (erf);
	v6 =	vld.idx.msk [tilespmem:v21+s2+$0x0], $0xffff;
	v17 =	vadd.f32 v54, v19;
	v19 =	vadd.f32 v12, v55;
	vm2 =	vgt.f32 v14, v9  }
0x1e2: {  	v23 =	vld.idx.msk [tilespmem:v8+s18+$0x0], $0xffff;
	v8 =	vpop (erf);
	(erf) = vpow2.f32 v27;
	v21 =	vsel vm3, v29, v7;
	v57 =	vmul.f32 $1.442695020e+00, v15  }
0x1e3: {  	v56 =	vpop (erf);
	v60 =	vsel vm3, s30, v28;
	v62 =	vmul.f32 v15, v15;
	vm1 =	vgt.f32 v13, v21  }
0x1e4: {  	v12 =	vpop (erf);
	v25 =	vadd.f32 v25, v19;
	v13 =	vsel vm1, v13, v21;
	v21 =	vsel vm2, v14, v9  }
0x1e5: {  	v7 =	vpop (erf);
	v9 =	vmul.f32 v16, v16;
	(erf) = vpow2.f32 v57;
	vm15 =	vgt.f32 v16, v13  }
0x1e6: {  	v19 =	vmul.f32 $1.442695020e+00, v6;
	v59 =	vpop (erf);
	v13 =	vsel vm15, v16, v13;
	v16 =	vadd.f32 v22, v17  }
0x1e7: {  	v58 =	vmul.f32 $1.442695020e+00, v23;
	(erf) = vpow2.f32 v35;
	v25 =	vadd.f32 v62, v25;
	v14 =	vpop (erf)  }
0x1e8: {  	v22 =	vmul.f32 v23, v23;
	v14 =	vadd.f32 v14, v24;
	v9 =	vadd.f32 v9, v16  }
0x1e9: {  	v17 =	vsel vm1, s24, v60;
	(erf) = vpow2.f32 v36;
	vm3 =	vgt.f32 v23, v13;
	v61 =	vpop (erf)  }
0x1ea: {  	v16 =	vpop (erf);
	v14 =	vadd.f32 v56, v14;
	v9 =	vadd.f32 v22, v9;
	v22 =	vmul.f32 v18, v18  }
0x1eb: {  	v17 =	vsel vm15, s26, v17;
	v13 =	vsel vm3, v23, v13;
	v23 =	vadd.f32 v59, v24;
	v63 =	vpop (erf)  }
0x1ec: {  	v17 =	vsel vm3, s25, v17;
	vm0 =	vgt.f32 v18, v13;
	v14 =	vadd.f32 v63, v14  }
0x1ed: {  	v18 =	vsel vm0, v18, v13;
	v13 =	vadd.f32 v53, v25;
	(erf) = vpow2.f32 v58  }
0x1ee: {  	s1 =	simm.s32 $0x8;
	vm1 =	vgt.f32 v4, v18;
	v9 =	vadd.f32 v22, v9;
	v14 =	vadd.f32 v61, v14;
	v22 =	vpop (erf)  }
.LBB2_8:
0x1ef: {  	s29 =	sadd.s32 $0x1, s1  }
0x1f0: {  	s0 =	sadd.s32 $0x6, s1;
	v11 =	vadd.f32 v11, v23;
	v26 =	vsel vm2, s24, v20;
	vm2 =	vgt.f32 v15, v21;
	s31 =	smov.u32 s1;
	s28 =	sadd.s32 $0x8, s1  }
0x1f1: {  	p0 =	slt.u32 s1, $0x3E0;
	v23 =	vmov s29;
	v24 =	vmov s0;
	v25 =	vsel vm2, s26, v26;
	v20 =	vpop (erf)  }
0x1f2: {  	v15 =	vsel vm2, v15, v21;
	v26 =	vand.u32 $0x7E, v24;
	v11 =	vadd.f32 v20, v11;
	v20 =	vpop (erf)  }
0x1f3: {  	s30 =	sadd.s32 $0x2, s31;
	v14 =	vadd.f32 v22, v14;
	v21 =	vshll.u32 v23, $0x3;
	(erf) = vpow2.f32 v10  }
0x1f4: {  	v10 =	vand.u32 $0x79, v23;
	v21 =	vand.u32 $0x1C00, v21;
	v8 =	vadd.f32 v8, v11  }
0x1f5: {  	s24 =	sadd.s32 $0x3, s31;
	v10 =	vor.u32 v21, v10;
	v11 =	vmov s30;
	v21 =	vadd.f32 v20, v14  }
0x1f6: {  	s26 =	sadd.s32 $0x4, s31;
	v14 =	vmov s24;
	v10 =	vor.u32 v0, v10;
	v8 =	vadd.f32 v12, v8  }
0x1f7: {  	v12 =	vand.u32 $0x7B, v14;
	v14 =	vshll.u32 v14, $0x3;
	v20 =	vpop (erf);
	(erf) = vpow2.f32 v19  }
0x1f8: {  	s20 =	sadd.s32 $0x5, s31;
	s1 =	sadd.s32 $0x7, s31;
	v14 =	vand.u32 $0x1C00, v14;
	v19 =	vmov s26;
	v8 =	vadd.f32 v20, v8  }
0x1f9: {  	v27 =	vmov s1;
	v12 =	vor.u32 v14, v12;
	v14 =	vshll.u32 v19, $0x3  }
0x1fa: {  	v12 =	vor.u32 v0, v12;
	v22 =	vand.u32 $0x1C00, v14;
	v14 =	vshll.u32 v27, $0x3  }
0x1fb: {  	v29 =	vmov s20;
	v23 =	vand.u32 $0x7C, v19;
	v30 =	vand.u32 $0x1C00, v14;
	v28 =	vld.idx.msk [tilespmem:v10+s2+$0x0], $0xffff  }
0x1fc: {  	v31 =	vand.u32 $0x7D, v29;
	v7 =	vadd.f32 v7, v8;
	v20 =	vld.idx.msk [tilespmem:v10+s18+$0x0], $0xffff;
	v10 =	vshll.u32 v11, $0x3;
	v8 =	vpop (erf)  }
0x1fd: {  	vm2 =	vgt.f32 v5, v15;
	v14 =	vshll.u32 v24, $0x3;
	v10 =	vand.u32 $0x1C00, v10  }
0x1fe: {  	v24 =	vand.u32 $0x1C00, v14;
	v11 =	vand.u32 $0x7A, v11;
	v14 =	vadd.f32 v8, v7  }
0x1ff: {  	v8 =	vor.u32 v24, v26;
	v7 =	vor.u32 v10, v11;
	v10 =	vadd.f32 v16, v21;
	v19 =	vld.idx.msk [tilespmem:v12+s2+$0x0], $0xffff  }
0x200: {  	v5 =	vsel vm2, v5, v15;
	v11 =	vor.u32 v22, v23;
	v8 =	vor.u32 v0, v8;
	v21 =	vld.idx.msk [tilespmem:v12+s18+$0x0], $0xffff;
	v12 =	vpop (erf)  }
0x201: {  	v26 =	vor.u32 v0, v11;
	v15 =	vmul.f32 $1.442695020e+00, v28;
	v16 =	vadd.f32 v12, v10  }
0x202: {  	vm4 =	vgt.f32 v1, v5;
	v10 =	vmov s31;
	v11 =	vmul.f32 $1.442695020e+00, v20  }
0x203: {  	v7 =	vor.u32 v0, v7;
	v12 =	vand.u32 $0x78, v10;
	v10 =	vshll.u32 v10, $0x3  }
0x204: {  	v5 =	vsel vm4, v1, v5;
	v10 =	vand.u32 $0x1C00, v10;
	(erf) = vpow2.f32 v11  }
0x205: {  	vm3 =	vgt.f32 v6, v5;
	v10 =	vor.u32 v10, v12;
	v12 =	vmul.f32 $1.442695020e+00, v19;
	v1 =	vld.idx.msk [tilespmem:v8+s2+$0x0], $0xffff  }
0x206: {  	v22 =	vshll.u32 v29, $0x3;
	v10 =	vor.u32 v0, v10;
	v11 =	vmul.f32 $1.442695020e+00, v21;
	v24 =	vld.idx.msk [tilespmem:v26+s18+$0x0], $0xffff  }
0x207: {  	v29 =	vsel vm3, v6, v5;
	v22 =	vand.u32 $0x1C00, v22;
	v23 =	vmul.f32 v21, v21  }
0x208: {  	v5 =	vor.u32 v22, v31;
	v32 =	vld.idx.msk [tilespmem:v7+s2+$0x0], $0xffff;
	(erf) = vpow2.f32 v11;
	v11 =	vsel vm2, s25, v25;
	s25 =	smov.u32 s20  }
0x209: {  	v25 =	vor.u32 v0, v5;
	v5 =	vand.u32 $0x7F, v27;
	v22 =	vld.idx.msk [tilespmem:v8+s18+$0x0], $0xffff;
	v8 =	vadd.f32 v2, v13  }
0x20a: {  	v13 =	vmul.f32 v20, v20;
	v2 =	vor.u32 v30, v5;
	v5 =	vmul.f32 v6, v6  }
0x20b: {  	v27 =	vor.u32 v0, v2;
	v6 =	vld.idx.msk [tilespmem:v10+s2+$0x0], $0xffff;
	(erf) = vpow2.f32 v15;
	v15 =	vsel vm4, s22, v11  }
0x20c: {  	v3 =	vadd.f32 v3, v9;
	v9 =	vsel vm1, v4, v18;
	v30 =	vld.idx.msk [tilespmem:v10+s18+$0x0], $0xffff;
	v10 =	vsel vm0, s22, v17;
	s22 =	smov.u32 s0  }
0x20d: {  	v2 =	vmul.f32 v1, v1;
	v18 =	vadd.f32 v5, v8;
	v17 =	vmul.f32 $1.442695020e+00, v1;
	v11 =	vpop (erf)  }
0x20e: {  	v31 =	vmul.f32 v19, v19;
	v38 =	vmul.f32 $1.442695020e+00, v24;
	v15 =	vsel vm3, s23, v15;
	v5 =	vld.idx.msk [tilespmem:v25+s2+$0x0], $0xffff  }
0x20f: {  	v34 =	vmul.f32 $1.442695020e+00, v32;
	v35 =	vsel vm1, s23, v10;
	s23 =	smov.u32 s1;
	v33 =	vld.idx.msk [tilespmem:v7+s18+$0x0], $0xffff;
	v7 =	vmul.f32 $1.442695020e+00, v22  }
0x210: {  	v36 =	vmul.f32 v28, v28;
	v4 =	vld.idx.msk [tilespmem:v27+s18+$0x0], $0xffff;
	(erf) = vpow2.f32 v38  }
0x211: {  	vm0 =	vgt.f32 v6, v29;
	v37 =	vmul.f32 $1.442695020e+00, v6;
	v8 =	vpop (erf);
	(erf) = vpow2.f32 v7  }
0x212: {  	v7 =	vmul.f32 v6, v6;
	v6 =	vsel vm0, v6, v29;
	v29 =	vmul.f32 $1.442695020e+00, v30  }
0x213: {  	v10 =	vsel vm0, s31, v15;
	v38 =	vmul.f32 v30, v30;
	vm0 =	vgt.f32 v28, v6  }
0x214: {  	v28 =	vsel vm0, v28, v6;
	v6 =	vsel vm0, s29, v10;
	v39 =	vmul.f32 v5, v5;
	v40 =	vpop (erf)  }
0x215: {  	v18 =	vadd.f32 v7, v18;
	v41 =	vmul.f32 $1.442695020e+00, v33;
	v15 =	vld.idx.msk [tilespmem:v26+s2+$0x0], $0xffff;
	v26 =	vmul.f32 $1.442695020e+00, v5  }
0x216: {  	vm0 =	vgt.f32 v30, v9;
	v10 =	vmul.f32 $1.442695020e+00, v4;
	(erf) = vpow2.f32 v29  }
0x217: {  	v38 =	vadd.f32 v38, v3;
	v29 =	vmul.f32 v33, v33;
	(erf) = vpow2.f32 v37  }
0x218: {  	v35 =	vsel vm0, s31, v35;
	v3 =	vmul.f32 v4, v4;
	(erf) = vpow2.f32 v12  }
0x219: {  	v9 =	vsel vm0, v30, v9;
	v30 =	vmul.f32 v32, v32;
	v25 =	vld.idx.msk [tilespmem:v25+s18+$0x0], $0xffff;
	v12 =	vpop (erf);
	(erf) = vpow2.f32 v17  }
0x21a: {  	vm1 =	vgt.f32 v32, v28;
	vm0 =	vgt.f32 v20, v9;
	v13 =	vadd.f32 v13, v38;
	v7 =	vpop (erf)  }
0x21b: {  	v9 =	vsel vm0, v20, v9;
	v20 =	vsel vm1, s30, v6;
	v17 =	vadd.f32 v36, v18;
	v6 =	vld.idx.msk [tilespmem:v27+s2+$0x0], $0xffff  }
0x21c: {  	vm3 =	vgt.f32 v33, v9;
	v13 =	vadd.f32 v29, v13;
	v18 =	vsel vm1, v32, v28  }
0x21d: {  	v9 =	vsel vm3, v33, v9;
	v17 =	vadd.f32 v30, v17;
	v27 =	vmul.f32 $1.442695020e+00, v15  }
0x21e: {  	vm1 =	vgt.f32 v21, v9;
	vm2 =	vgt.f32 v19, v18;
	(erf) = vpow2.f32 v34  }
0x21f: {  	v9 =	vsel vm1, v21, v9;
	v17 =	vadd.f32 v31, v17;
	v28 =	vmul.f32 $1.442695020e+00, v25;
	v29 =	vpop (erf)  }
0x220: {  	v21 =	vsel vm2, v19, v18;
	vm4 =	vgt.f32 v24, v9;
	v18 =	vmul.f32 v24, v24;
	v30 =	vpop (erf)  }
0x221: {  	v31 =	vsel vm0, s29, v35;
	v19 =	vmul.f32 $1.442695020e+00, v6;
	v32 =	vpop (erf);
	(erf) = vpow2.f32 v27  }
0x222: {  	v9 =	vsel vm4, v24, v9;
	v27 =	vadd.f32 v30, v16;
	v30 =	vsel vm3, s30, v31;
	v16 =	vpop (erf)  }
0x223: {  	v13 =	vadd.f32 v23, v13;
	vm3 =	vgt.f32 v25, v9;
	(erf) = vpow2.f32 v41  }
0x224: {  	v24 =	vmul.f32 v25, v25;
	v23 =	vsel vm1, s24, v30;
	(erf) = vpow2.f32 v26  }
0x225: {  	v30 =	vadd.f32 v18, v13;
	v9 =	vsel vm3, v25, v9;
	v26 =	vmul.f32 v15, v15  }
.Ltmp3:
0x226: {  	v18 =	vadd.f32 v40, v27;
	v25 =	vsel vm4, s26, v23;
	vm0 =	vgt.f32 v22, v9;
	(pc) =	sbr.rel @p0 .LBB2_8-.Ltmp3, $4  }
0x227: {  	v24 =	vadd.f32 v24, v30;
	v17 =	vadd.f32 v26, v17;
	v26 =	vmul.f32 v22, v22;
	v13 =	vpop (erf)  }
0x228: {  	v23 =	vadd.f32 v29, v14;
	v14 =	vadd.f32 v13, v18;
	v18 =	vsel vm0, v22, v9  }
0x229: {  	v13 =	vadd.f32 v39, v17;
	v9 =	vadd.f32 v26, v24;
	(erf) = vpow2.f32 v28  }
0x22a: {  	s1 =	smov.u32 s28;
	v17 =	vsel vm3, s25, v25;
	vm1 =	vgt.f32 v4, v18;
	v14 =	vadd.f32 v32, v14;
	v22 =	vpop (erf)  }
0x22b: {  	vm3 =	vgt.f32 v15, v21  }
0x22c: {  	v11 =	vadd.f32 v11, v23;
	v18 =	vsel vm2, s24, v20;
	v48 =	vsel vm0, s22, v17  }
0x22d: {  	v4 =	vld [tilespmem:$0x8000];
	v15 =	vsel vm3, v15, v21;
	v18 =	vsel vm3, s26, v18;
	v14 =	vadd.f32 v22, v14  }
0x22e: {  	v44 =	vpop (erf);
	(erf) = vpow2.f32 v10;
	v50 =	vsel vm1, s23, v48;
	vm14 =	vgt.f32 v5, v15  }
0x22f: {  	v11 =	vadd.f32 v44, v11;
	(erf) = vpow2.f32 v19;
	v5 =	vsel vm14, v5, v15  }
0x230: {  	v10 =	vshll.u32 v50, $0x3;
	v47 =	vsel vm14, s25, v18;
	vm15 =	vgt.f32 v1, v5  }
0x231: {  	v10 =	vand.u32 $0xFFFFFC00, v10;
	v8 =	vadd.f32 v8, v11;
	v1 =	vsel vm15, v1, v5  }
0x232: {  	v45 =	vshll.u32 v4, $0x3;
	v49 =	vsel vm15, s22, v47;
	v5 =	vand.u32 $0x7F, v50  }
0x233: {  	vm4 =	vgt.f32 v6, v1;
	v1 =	vand.u32 $0x7F, v4;
	v46 =	vand.u32 $0xFFFFFC00, v45  }
0x234: {  	v5 =	vor.u32 v5, v10;
	v8 =	vadd.f32 v12, v8;
	v4 =	vsel vm4, s23, v49  }
0x235: {  	v1 =	vor.u32 v1, v46;
	v5 =	vadd.s32 v0, v5;
	v51 =	vshll.u32 v4, $0x3  }
0x236: {  	v57 =	vld.idx.msk [tilespmem:v0+s2+$0x0], $0xffff;
	v53 =	vpop (erf);
	v1 =	vadd.s32 v0, v1;
	v4 =	vand.u32 $0x7F, v4;
	v52 =	vand.u32 $0xFFFFFC00, v51  }
0x237: {  	v54 =	vadd.f32 v53, v14;
	v55 =	vpop (erf);
	v4 =	vor.u32 v4, v52  }
0x238: {  	v8 =	vadd.f32 v55, v8;
	v4 =	vadd.s32 v0, v4  }
0x239: {  	v59 =	vld.idx.msk [tilespmem:v0+s18+$0x0], $0xffff;
	v2 =	vadd.f32 v2, v13;
	v61 =	vmul.f32 v6, v6;
	v10 =	vadd.f32 v16, v54;
	v58 =	vpop (erf)  }
0x23a: {  	v7 =	vadd.f32 v7, v8;
	v60 =	vpop (erf);
	v5 =	vld.idx.msk [tilespmem:v5+s2+$0x0], $0xffff  }
0x23b: {  	v2 =	vadd.f32 v61, v2;
	v62 =	vmul.f32 v57, v57;
	v8 =	vadd.f32 v60, v10;
	v56 =	vld.idx.msk [tilespmem:v1+s2+$0x0], $0xffff  }
0x23c: {  	v7 =	vadd.f32 v58, v7;
	v1 =	vld.idx.msk [tilespmem:v1+s18+$0x0], $0xffff  }
0x23d: {  	v2 =	vsub.f32 v2, v62;
	v4 =	vld.idx.msk [tilespmem:v4+s18+$0x0], $0xffff;
	[tilespmem:$0x80B0] =	vst v8  }
0x23e: {  	[tilespmem:$0x8130] =	vst v7  }
0x23f: {  	v3 =	vadd.f32 v3, v9;
	v63 =	vmul.f32 v59, v59;
	[tilespmem:$0x82B0] =	vst v2  }
0x240: {  	[tilespmem:$0x83B0] =	vst v5  }
0x241: {  	[tilespmem:$0x8230] =	vst v1;
	v1 =	vsub.f32 v3, v63  }
0x242: {  	s21 =	sadd.s32 $0x1, s21;
	[tilespmem:$0x81B0] =	vst v56  }
0x243: {  	p0 =	sne.s32 s21, s16;
	[tilespmem:$0x8330] =	vst v1  }
.Ltmp4:
0x244: {  	s0 =	simm.s32 $0x8080;
	[tilespmem:$0x8430] =	vst v4;
	(pc) =	sbr.rel @p0 .LBB2_1-.Ltmp4, $4  }
0x245: {  	[hbm4b:s15+s2] =	stream.linear.scatter [tilespmem:s0], [sflag:$0x1], $0x400, $0x38;
	[tilespmem:$0x8480] =	vst v63  }
0x246: {  	_ =	swait.ge [sflag:s17], $0x400  }
0x247: {  	[sflag:s17] =	ssyncset.done $0x0  }
0x248: {  	[sflag:s17] =	ssyncadd.s32 $0xFFFFFC00  }
0x249: {  	_ =	sfence.sel $0x180000  }
0x24a: {  	[bflag:$0x0] =	sbarrier.arrive $0xFFFF  }
0x24b: {  	_ =	strace $0x90000047  }
0x24c: {  	s0 =	stileid.u32;
	[bflag:$0x2] =	sbarrier.arrive $0xFFFF  }
0x24d: {  	p0 =	sne.s32 s0, $0x0;
	s0 =	rddreg [dreg:$0x2]  }
0x24e: {  	s0 =	sadd.s32 @!p0 $0x100000, s0  }
0x24f: {  	[sflag:s0] =	ssyncadd.tile.s32 @!p0 $0x1;
	_ =	shalt  }
.Lfunc_end2:
_tile_overlayer_lowered:
.L_overlay_start_2:
0x250: {  	(tag) =	ssettag $0x2  }
0x251: {  	s0 =	rddreg [dreg:$0x0];
	s2 =	stileid.u32  }
0x252: {  	s1 =	rddreg [dreg:$0x1];
	p0 =	sne.s32 s2, $0x0  }
0x253: {  	s3 =	rddreg [dreg:$0x2];
	[bflag:$0x3] =	sbarrier.arrive $0xFFFF;
	s2 =	simm.s32 @!p0 $0x1C01  }
0x254: {  	[timem:s3], [sflag:s2] =	dma.local @!p0 [hbm:s0], s1  }
0x255: {  	s0 =	simm.s32 @!p0 $0x1  }
0x256: {  	_ =	swait.ge @!p0 [sflag:s0], s1  }
0x257: {  	s1 =	ssub.s32 @!p0 $0x0, s1;
	[sflag:s0] =	ssyncset.done @!p0 $0x0  }
0x258: {  	[sflag:s0] =	ssyncadd.s32 @!p0 s1  }
0x259: {  	[bflag:$0x3] =	sbarrier.arrive $0xFFFF  }
0x25a: {  	_ =	shalt  }

</sc_bundles>
